<compile_context>
chip_gen: v7x
topology: tpu7x:2x2x1
jax: 0.10.2.dev20260603
libtpu: 0.0.44.dev20260713+nightly
codegen_flags: <defaults>
</compile_context>

<pallas_src>
import functools

import jax
import jax.numpy as jnp
from jax import lax
from jax.experimental import pallas as pl
from jax.experimental.pallas import tpu as pltpu
from jax.experimental.pallas import tpu_sc as plsc

DIVIDER = 1000
BATCH = 16384
HIDDEN = 64
LANES = 16
BLANES = 32
NUM_WORKERS = 16
BPW = BATCH // NUM_WORKERS
CHUNK = 256
NCHUNKS = BPW // CHUNK
ROW_UNROLL = 4


_mesh = plsc.VectorSubcoreMesh(core_axis_name="c", subcore_axis_name="s", num_cores=1)


@functools.partial(
    pl.kernel,
    mesh=_mesh,
    out_type=jax.ShapeDtypeStruct((BATCH, HIDDEN), jnp.bfloat16),
    scratch_types=[
        pltpu.VMEM((BPW,), jnp.int32),
        pltpu.VMEM((BPW,), jnp.int32),
        pltpu.VMEM((BPW,), jnp.int32),
        pltpu.VMEM((BPW, HIDDEN), jnp.bfloat16),
        pltpu.VMEM((BPW, HIDDEN), jnp.bfloat16),
        [pltpu.SemaphoreType.DMA] * NCHUNKS,
        pltpu.SemaphoreType.DMA,
    ],
    compiler_params=pltpu.CompilerParams(use_tc_tiling_on_sc=False),
)
def _qr_embed(idx_hbm, emb_hbm, out_hbm,
              idx_v, i1_v, i2_v, rows1_v, rows2_v, gsems, ssem):
    wid = lax.axis_index("s")
    base = wid * BPW

    pltpu.sync_copy(idx_hbm.at[pl.ds(base, BPW)], idx_v)

    div_vec = jnp.full((LANES,), DIVIDER, dtype=jnp.int32)

    gathers = []
    for k in range(NCHUNKS):
        def split_idx(j, carry, k=k):
            sl = pl.ds(k * CHUNK + j * LANES, LANES)
            v = idx_v[sl]
            q = lax.div(v, div_vec)
            i2_v[sl] = lax.add(q, div_vec)
            i1_v[sl] = lax.sub(v, lax.mul(q, div_vec))
            return carry

        lax.fori_loop(0, CHUNK // LANES, split_idx, 0)
        row_sl = pl.ds(k * CHUNK, CHUNK)
        gathers.append((
            pltpu.async_copy(emb_hbm.at[i1_v.at[row_sl]],
                             rows1_v.at[row_sl], gsems[k]),
            pltpu.async_copy(emb_hbm.at[i2_v.at[row_sl]],
                             rows2_v.at[row_sl], gsems[k]),
        ))

    stores = []
    for k in range(NCHUNKS):
        g1, g2 = gathers[k]
        g1.wait()
        g2.wait()

        def mul_rows(r, carry, k=k):
            row0 = k * CHUNK + r * ROW_UNROLL
            for u in range(ROW_UNROLL):
                for c in range(HIDDEN // BLANES):
                    sl = pl.ds(c * BLANES, BLANES)
                    rows1_v[row0 + u, sl] = (
                        rows1_v[row0 + u, sl] * rows2_v[row0 + u, sl])
            return carry

        lax.fori_loop(0, CHUNK // ROW_UNROLL, mul_rows, 0)
        row_sl = pl.ds(k * CHUNK, CHUNK)
        stores.append(pltpu.async_copy(
            rows1_v.at[row_sl],
            out_hbm.at[pl.ds(base + k * CHUNK, CHUNK)], ssem))

    for s in stores:
        s.wait()


def kernel(tensor, emb1_weight, emb2_weight):
    idx = tensor.astype(jnp.int32)
    emb = jnp.concatenate([emb1_weight.astype(jnp.bfloat16),
                           emb2_weight.astype(jnp.bfloat16)], axis=0)
    out_bf16 = _qr_embed(idx, emb)
    return out_bf16.astype(jnp.float32)

# --- scband reference (transcript-rebuilt; emitter-appended) ---
"""Pipeline reference for scband-qrhashing-embedding-23502061044181 (READ-ONLY COPY).

The authoritative reference and input builder live on the scoring server;
editing this copy changes nothing except your own understanding.
"""

import jax, jax.numpy as jnp
import numpy as np
import math

NUM_ITEM = 1000000
HIDDEN = 64
DIVIDER = 1000
SIZE2 = (NUM_ITEM - 1) // DIVIDER + 1  # 1000
BATCH = 16384


def setup_inputs(seed: int = 0) -> dict:
    key = jax.random.key(seed)
    k_idx, k_w1, k_w2 = jax.random.split(key, 3)
    tensor = jax.random.randint(k_idx, (BATCH,), 0, NUM_ITEM, dtype=jnp.int64 if jax.config.read('jax_enable_x64') else jnp.int32)
    alpha = math.sqrt(1.0 / NUM_ITEM)
    emb1_weight = jax.random.uniform(k_w1, (DIVIDER, HIDDEN), dtype=jnp.float32, minval=alpha, maxval=1.0)
    emb2_weight = jax.random.uniform(k_w2, (SIZE2, HIDDEN), dtype=jnp.float32, minval=alpha, maxval=1.0)
    return {"tensor": tensor, "emb1_weight": emb1_weight, "emb2_weight": emb2_weight}


def reference(tensor, emb1_weight, emb2_weight):
    inp1 = tensor % DIVIDER
    inp2 = tensor // DIVIDER
    emb1 = jnp.take(emb1_weight, inp1, axis=0)
    emb2 = jnp.take(emb2_weight, inp2, axis=0)
    # operation == 'mult'
    return emb1 * emb2

if __name__ == "__main__":
    import jax
    _d = setup_inputs()
    print(jax.jit(kernel)(*tuple(_d.values())))

</pallas_src>

<mosaic_0001>
#map = affine_map<(d0, d1) -> (0)>
#map1 = affine_map<(d0, d1) -> (0, 0)>
module attributes {stable_mosaic.version = 14 : i64} {
  func.func @_qr_embed(%arg0: i32, %arg1: i32, %arg2: memref<16384xi32, #tpu.memory_space<hbm>>, %arg3: memref<2000x64xbf16, #tpu.memory_space<hbm>>, %arg4: memref<16384x64xbf16, #tpu.memory_space<hbm>>, %arg5: memref<1024xi32, #tpu.memory_space<vmem>>, %arg6: memref<1024xi32, #tpu.memory_space<vmem>>, %arg7: memref<1024xi32, #tpu.memory_space<vmem>>, %arg8: memref<1024x64xbf16, #tpu.memory_space<vmem>>, %arg9: memref<1024x64xbf16, #tpu.memory_space<vmem>>, %arg10: memref<!tpu.dma_semaphore, #tpu.memory_space<semaphore_mem>>, %arg11: memref<!tpu.dma_semaphore, #tpu.memory_space<semaphore_mem>>, %arg12: memref<!tpu.dma_semaphore, #tpu.memory_space<semaphore_mem>>, %arg13: memref<!tpu.dma_semaphore, #tpu.memory_space<semaphore_mem>>, %arg14: memref<!tpu.dma_semaphore, #tpu.memory_space<semaphore_mem>>) attributes {dimension_semantics = [#tpu.dimension_semantics<core_parallel>, #tpu.dimension_semantics<subcore_parallel>], iteration_bounds = array<i64: 1, 16>, scalar_prefetch = 0 : i64, scratch_operands = 10 : i64, tpu.core_type = #tpu.core_type<sc_vector_subcore>, window_params = [{transform_indices = #map}, {transform_indices = #map1}, {transform_indices = #map1}]} {
    %mul3A = arith.constant 1024 : i32
    %mul3A_0 = arith.muli %arg1, %mul3A : i32
    "tpu.region"() ({
      %run_scoped3A = tpu.sem_alloc : memref<!tpu.dma_semaphore, #tpu.memory_space<semaphore_mem>>
      %dma_start3A_262 = tpu.memref_slice %arg2[%mul3A_0] : memref<16384xi32, #tpu.memory_space<hbm>> -> memref<1024xi32, #tpu.memory_space<hbm>>
      %dma_start3A_263 = tpu.memref_slice %arg2[%mul3A_0] : memref<16384xi32, #tpu.memory_space<hbm>> -> memref<1024xi32, #tpu.memory_space<hbm>>
      tpu.enqueue_dma source(%dma_start3A_263 : memref<1024xi32, #tpu.memory_space<hbm>>) target(%arg5 : memref<1024xi32, #tpu.memory_space<vmem>>) target_semaphore(%run_scoped3A : memref<!tpu.dma_semaphore, #tpu.memory_space<semaphore_mem>>)
      %dma_wait3A_264 = tpu.memref_slice %arg2[%mul3A_0] : memref<16384xi32, #tpu.memory_space<hbm>> -> memref<1024xi32, #tpu.memory_space<hbm>>
      %dma_wait3A_265 = tpu.memref_slice %arg2[%mul3A_0] : memref<16384xi32, #tpu.memory_space<hbm>> -> memref<1024xi32, #tpu.memory_space<hbm>>
      tpu.wait_dma2 semaphore(%run_scoped3A : memref<!tpu.dma_semaphore, #tpu.memory_space<semaphore_mem>>) src(%dma_wait3A_265 : memref<1024xi32, #tpu.memory_space<hbm>>) dst(%arg5 : memref<1024xi32, #tpu.memory_space<vmem>>)
      tpu.yield
    }) : () -> ()
    %broadcast_in_dim3A = arith.constant 1000 : i32
    %broadcast_in_dim3A_1 = vector.broadcast %broadcast_in_dim3A : i32 to vector<16xi32>
    %scan3A = arith.constant 0 : i32
    %scan3A_2 = arith.constant 0 : i32
    %scan3A_3 = arith.constant 16 : i32
    %scan3A_4 = arith.addi %scan3A_2, %scan3A_3 : i32
    %scan3A_5 = arith.constant 1 : i32
    scf.for %scan3A_262 = %scan3A_2 to %scan3A_4 step %scan3A_5  : i32 {
      %mul3A_263 = arith.constant 16 : i32
      %mul3A_264 = arith.muli %scan3A_262, %mul3A_263 : i32
      %add3A_265 = arith.constant 0 : i32
      %add3A_266 = arith.addi %add3A_265, %mul3A_264 : i32
      %get3A = arith.index_cast %add3A_266 : i32 to index
      %get3A_267 = tpu.vector_load %arg5[%get3A] {strides = array<i32>} : memref<1024xi32, #tpu.memory_space<vmem>>, vector<16xi32>,
      %get3A_268 = vector.shape_cast %get3A_267 : vector<16xi32> to vector<16xi32>
      %div3A = arith.divsi %get3A_268, %broadcast_in_dim3A_1 : vector<16xi32>
      %add3A_269 = arith.addi %div3A, %broadcast_in_dim3A_1 : vector<16xi32>
      %swap3A = arith.index_cast %add3A_266 : i32 to index
      %swap3A_270 = tpu.vector_load %arg7[%swap3A] {strides = array<i32>} : memref<1024xi32, #tpu.memory_space<vmem>>, vector<16xi32>,
      %swap3A_271 = vector.shape_cast %swap3A_270 : vector<16xi32> to vector<16xi32>
      %swap3A_272 = vector.shape_cast %add3A_269 : vector<16xi32> to vector<16xi32>
      tpu.vector_store %arg7[%swap3A], %swap3A_272 {strides = array<i32>} : memref<1024xi32, #tpu.memory_space<vmem>>, vector<16xi32>,
      %mul3A_273 = arith.muli %div3A, %broadcast_in_dim3A_1 : vector<16xi32>
      %sub3A = arith.subi %get3A_268, %mul3A_273 : vector<16xi32>
      %swap3A_274 = arith.index_cast %add3A_266 : i32 to index
      %swap3A_275 = tpu.vector_load %arg6[%swap3A_274] {strides = array<i32>} : memref<1024xi32, #tpu.memory_space<vmem>>, vector<16xi32>,
      %swap3A_276 = vector.shape_cast %swap3A_275 : vector<16xi32> to vector<16xi32>
      %swap3A_277 = vector.shape_cast %sub3A : vector<16xi32> to vector<16xi32>
      tpu.vector_store %arg6[%swap3A_274], %swap3A_277 {strides = array<i32>} : memref<1024xi32, #tpu.memory_space<vmem>>, vector<16xi32>,
    }
    %scan3A_6 = arith.constant 16 : i32
    %dma_start3A = arith.constant 0 : i32
    %dma_start3A_7 = arith.constant 0 : i32
    %dma_start3A_8 = tpu.memref_slice %arg8[%dma_start3A, %dma_start3A_7] : memref<1024x64xbf16, #tpu.memory_space<vmem>> -> memref<256x64xbf16, #tpu.memory_space<vmem>>
    %dma_start3A_9 = arith.constant 0 : i32
    %dma_start3A_10 = tpu.memref_slice %arg6[%dma_start3A_9] : memref<1024xi32, #tpu.memory_space<vmem>> -> memref<256xi32, #tpu.memory_space<vmem>>
    %dma_start3A_11 = arith.constant 0 : i32
    %dma_start3A_12 = arith.constant 0 : i32
    %dma_start3A_13 = tpu.memref_slice %arg3[%dma_start3A_11, %dma_start3A_12] : memref<2000x64xbf16, #tpu.memory_space<hbm>> -> memref<2000x64xbf16, #tpu.memory_space<hbm>>
    tpu.enqueue_indirect_dma source(%dma_start3A_13 : memref<2000x64xbf16, #tpu.memory_space<hbm>>) target(%dma_start3A_8 : memref<256x64xbf16, #tpu.memory_space<vmem>>) offsets(%dma_start3A_10 : memref<256xi32, #tpu.memory_space<vmem>>) semaphore(%arg10 : memref<!tpu.dma_semaphore, #tpu.memory_space<semaphore_mem>>)
    %dma_start3A_14 = arith.constant 0 : i32
    %dma_start3A_15 = arith.constant 0 : i32
    %dma_start3A_16 = tpu.memref_slice %arg9[%dma_start3A_14, %dma_start3A_15] : memref<1024x64xbf16, #tpu.memory_space<vmem>> -> memref<256x64xbf16, #tpu.memory_space<vmem>>
    %dma_start3A_17 = arith.constant 0 : i32
    %dma_start3A_18 = tpu.memref_slice %arg7[%dma_start3A_17] : memref<1024xi32, #tpu.memory_space<vmem>> -> memref<256xi32, #tpu.memory_space<vmem>>
    %dma_start3A_19 = arith.constant 0 : i32
    %dma_start3A_20 = arith.constant 0 : i32
    %dma_start3A_21 = tpu.memref_slice %arg3[%dma_start3A_19, %dma_start3A_20] : memref<2000x64xbf16, #tpu.memory_space<hbm>> -> memref<2000x64xbf16, #tpu.memory_space<hbm>>
    tpu.enqueue_indirect_dma source(%dma_start3A_21 : memref<2000x64xbf16, #tpu.memory_space<hbm>>) target(%dma_start3A_16 : memref<256x64xbf16, #tpu.memory_space<vmem>>) offsets(%dma_start3A_18 : memref<256xi32, #tpu.memory_space<vmem>>) semaphore(%arg10 : memref<!tpu.dma_semaphore, #tpu.memory_space<semaphore_mem>>)
    %scan3A_22 = arith.constant 0 : i32
    %scan3A_23 = arith.constant 0 : i32
    %scan3A_24 = arith.constant 16 : i32
    %scan3A_25 = arith.addi %scan3A_23, %scan3A_24 : i32
    %scan3A_26 = arith.constant 1 : i32
    scf.for %scan3A_262 = %scan3A_23 to %scan3A_25 step %scan3A_26  : i32 {
      %mul3A_263 = arith.constant 16 : i32
      %mul3A_264 = arith.muli %scan3A_262, %mul3A_263 : i32
      %add3A_265 = arith.constant 256 : i32
      %add3A_266 = arith.addi %add3A_265, %mul3A_264 : i32
      %get3A = arith.index_cast %add3A_266 : i32 to index
      %get3A_267 = tpu.vector_load %arg5[%get3A] {strides = array<i32>} : memref<1024xi32, #tpu.memory_space<vmem>>, vector<16xi32>,
      %get3A_268 = vector.shape_cast %get3A_267 : vector<16xi32> to vector<16xi32>
      %div3A = arith.divsi %get3A_268, %broadcast_in_dim3A_1 : vector<16xi32>
      %add3A_269 = arith.addi %div3A, %broadcast_in_dim3A_1 : vector<16xi32>
      %swap3A = arith.index_cast %add3A_266 : i32 to index
      %swap3A_270 = tpu.vector_load %arg7[%swap3A] {strides = array<i32>} : memref<1024xi32, #tpu.memory_space<vmem>>, vector<16xi32>,
      %swap3A_271 = vector.shape_cast %swap3A_270 : vector<16xi32> to vector<16xi32>
      %swap3A_272 = vector.shape_cast %add3A_269 : vector<16xi32> to vector<16xi32>
      tpu.vector_store %arg7[%swap3A], %swap3A_272 {strides = array<i32>} : memref<1024xi32, #tpu.memory_space<vmem>>, vector<16xi32>,
      %mul3A_273 = arith.muli %div3A, %broadcast_in_dim3A_1 : vector<16xi32>
      %sub3A = arith.subi %get3A_268, %mul3A_273 : vector<16xi32>
      %swap3A_274 = arith.index_cast %add3A_266 : i32 to index
      %swap3A_275 = tpu.vector_load %arg6[%swap3A_274] {strides = array<i32>} : memref<1024xi32, #tpu.memory_space<vmem>>, vector<16xi32>,
      %swap3A_276 = vector.shape_cast %swap3A_275 : vector<16xi32> to vector<16xi32>
      %swap3A_277 = vector.shape_cast %sub3A : vector<16xi32> to vector<16xi32>
      tpu.vector_store %arg6[%swap3A_274], %swap3A_277 {strides = array<i32>} : memref<1024xi32, #tpu.memory_space<vmem>>, vector<16xi32>,
    }
    %scan3A_27 = arith.constant 16 : i32
    %dma_start3A_28 = arith.constant 256 : i32
    %dma_start3A_29 = arith.constant 0 : i32
    %dma_start3A_30 = tpu.memref_slice %arg8[%dma_start3A_28, %dma_start3A_29] : memref<1024x64xbf16, #tpu.memory_space<vmem>> -> memref<256x64xbf16, #tpu.memory_space<vmem>>
    %dma_start3A_31 = arith.constant 256 : i32
    %dma_start3A_32 = tpu.memref_slice %arg6[%dma_start3A_31] : memref<1024xi32, #tpu.memory_space<vmem>> -> memref<256xi32, #tpu.memory_space<vmem>>
    %dma_start3A_33 = arith.constant 0 : i32
    %dma_start3A_34 = arith.constant 0 : i32
    %dma_start3A_35 = tpu.memref_slice %arg3[%dma_start3A_33, %dma_start3A_34] : memref<2000x64xbf16, #tpu.memory_space<hbm>> -> memref<2000x64xbf16, #tpu.memory_space<hbm>>
    tpu.enqueue_indirect_dma source(%dma_start3A_35 : memref<2000x64xbf16, #tpu.memory_space<hbm>>) target(%dma_start3A_30 : memref<256x64xbf16, #tpu.memory_space<vmem>>) offsets(%dma_start3A_32 : memref<256xi32, #tpu.memory_space<vmem>>) semaphore(%arg11 : memref<!tpu.dma_semaphore, #tpu.memory_space<semaphore_mem>>)
    %dma_start3A_36 = arith.constant 256 : i32
    %dma_start3A_37 = arith.constant 0 : i32
    %dma_start3A_38 = tpu.memref_slice %arg9[%dma_start3A_36, %dma_start3A_37] : memref<1024x64xbf16, #tpu.memory_space<vmem>> -> memref<256x64xbf16, #tpu.memory_space<vmem>>
    %dma_start3A_39 = arith.constant 256 : i32
    %dma_start3A_40 = tpu.memref_slice %arg7[%dma_start3A_39] : memref<1024xi32, #tpu.memory_space<vmem>> -> memref<256xi32, #tpu.memory_space<vmem>>
    %dma_start3A_41 = arith.constant 0 : i32
    %dma_start3A_42 = arith.constant 0 : i32
    %dma_start3A_43 = tpu.memref_slice %arg3[%dma_start3A_41, %dma_start3A_42] : memref<2000x64xbf16, #tpu.memory_space<hbm>> -> memref<2000x64xbf16, #tpu.memory_space<hbm>>
    tpu.enqueue_indirect_dma source(%dma_start3A_43 : memref<2000x64xbf16, #tpu.memory_space<hbm>>) target(%dma_start3A_38 : memref<256x64xbf16, #tpu.memory_space<vmem>>) offsets(%dma_start3A_40 : memref<256xi32, #tpu.memory_space<vmem>>) semaphore(%arg11 : memref<!tpu.dma_semaphore, #tpu.memory_space<semaphore_mem>>)
    %scan3A_44 = arith.constant 0 : i32
    %scan3A_45 = arith.constant 0 : i32
    %scan3A_46 = arith.constant 16 : i32
    %scan3A_47 = arith.addi %scan3A_45, %scan3A_46 : i32
    %scan3A_48 = arith.constant 1 : i32
    scf.for %scan3A_262 = %scan3A_45 to %scan3A_47 step %scan3A_48  : i32 {
      %mul3A_263 = arith.constant 16 : i32
      %mul3A_264 = arith.muli %scan3A_262, %mul3A_263 : i32
      %add3A_265 = arith.constant 512 : i32
      %add3A_266 = arith.addi %add3A_265, %mul3A_264 : i32
      %get3A = arith.index_cast %add3A_266 : i32 to index
      %get3A_267 = tpu.vector_load %arg5[%get3A] {strides = array<i32>} : memref<1024xi32, #tpu.memory_space<vmem>>, vector<16xi32>,
      %get3A_268 = vector.shape_cast %get3A_267 : vector<16xi32> to vector<16xi32>
      %div3A = arith.divsi %get3A_268, %broadcast_in_dim3A_1 : vector<16xi32>
      %add3A_269 = arith.addi %div3A, %broadcast_in_dim3A_1 : vector<16xi32>
      %swap3A = arith.index_cast %add3A_266 : i32 to index
      %swap3A_270 = tpu.vector_load %arg7[%swap3A] {strides = array<i32>} : memref<1024xi32, #tpu.memory_space<vmem>>, vector<16xi32>,
      %swap3A_271 = vector.shape_cast %swap3A_270 : vector<16xi32> to vector<16xi32>
      %swap3A_272 = vector.shape_cast %add3A_269 : vector<16xi32> to vector<16xi32>
      tpu.vector_store %arg7[%swap3A], %swap3A_272 {strides = array<i32>} : memref<1024xi32, #tpu.memory_space<vmem>>, vector<16xi32>,
      %mul3A_273 = arith.muli %div3A, %broadcast_in_dim3A_1 : vector<16xi32>
      %sub3A = arith.subi %get3A_268, %mul3A_273 : vector<16xi32>
      %swap3A_274 = arith.index_cast %add3A_266 : i32 to index
      %swap3A_275 = tpu.vector_load %arg6[%swap3A_274] {strides = array<i32>} : memref<1024xi32, #tpu.memory_space<vmem>>, vector<16xi32>,
      %swap3A_276 = vector.shape_cast %swap3A_275 : vector<16xi32> to vector<16xi32>
      %swap3A_277 = vector.shape_cast %sub3A : vector<16xi32> to vector<16xi32>
      tpu.vector_store %arg6[%swap3A_274], %swap3A_277 {strides = array<i32>} : memref<1024xi32, #tpu.memory_space<vmem>>, vector<16xi32>,
    }
    %scan3A_49 = arith.constant 16 : i32
    %dma_start3A_50 = arith.constant 512 : i32
    %dma_start3A_51 = arith.constant 0 : i32
    %dma_start3A_52 = tpu.memref_slice %arg8[%dma_start3A_50, %dma_start3A_51] : memref<1024x64xbf16, #tpu.memory_space<vmem>> -> memref<256x64xbf16, #tpu.memory_space<vmem>>
    %dma_start3A_53 = arith.constant 512 : i32
    %dma_start3A_54 = tpu.memref_slice %arg6[%dma_start3A_53] : memref<1024xi32, #tpu.memory_space<vmem>> -> memref<256xi32, #tpu.memory_space<vmem>>
    %dma_start3A_55 = arith.constant 0 : i32
    %dma_start3A_56 = arith.constant 0 : i32
    %dma_start3A_57 = tpu.memref_slice %arg3[%dma_start3A_55, %dma_start3A_56] : memref<2000x64xbf16, #tpu.memory_space<hbm>> -> memref<2000x64xbf16, #tpu.memory_space<hbm>>
    tpu.enqueue_indirect_dma source(%dma_start3A_57 : memref<2000x64xbf16, #tpu.memory_space<hbm>>) target(%dma_start3A_52 : memref<256x64xbf16, #tpu.memory_space<vmem>>) offsets(%dma_start3A_54 : memref<256xi32, #tpu.memory_space<vmem>>) semaphore(%arg12 : memref<!tpu.dma_semaphore, #tpu.memory_space<semaphore_mem>>)
    %dma_start3A_58 = arith.constant 512 : i32
    %dma_start3A_59 = arith.constant 0 : i32
    %dma_start3A_60 = tpu.memref_slice %arg9[%dma_start3A_58, %dma_start3A_59] : memref<1024x64xbf16, #tpu.memory_space<vmem>> -> memref<256x64xbf16, #tpu.memory_space<vmem>>
    %dma_start3A_61 = arith.constant 512 : i32
    %dma_start3A_62 = tpu.memref_slice %arg7[%dma_start3A_61] : memref<1024xi32, #tpu.memory_space<vmem>> -> memref<256xi32, #tpu.memory_space<vmem>>
    %dma_start3A_63 = arith.constant 0 : i32
    %dma_start3A_64 = arith.constant 0 : i32
    %dma_start3A_65 = tpu.memref_slice %arg3[%dma_start3A_63, %dma_start3A_64] : memref<2000x64xbf16, #tpu.memory_space<hbm>> -> memref<2000x64xbf16, #tpu.memory_space<hbm>>
    tpu.enqueue_indirect_dma source(%dma_start3A_65 : memref<2000x64xbf16, #tpu.memory_space<hbm>>) target(%dma_start3A_60 : memref<256x64xbf16, #tpu.memory_space<vmem>>) offsets(%dma_start3A_62 : memref<256xi32, #tpu.memory_space<vmem>>) semaphore(%arg12 : memref<!tpu.dma_semaphore, #tpu.memory_space<semaphore_mem>>)
    %scan3A_66 = arith.constant 0 : i32
    %scan3A_67 = arith.constant 0 : i32
    %scan3A_68 = arith.constant 16 : i32
    %scan3A_69 = arith.addi %scan3A_67, %scan3A_68 : i32
    %scan3A_70 = arith.constant 1 : i32
    scf.for %scan3A_262 = %scan3A_67 to %scan3A_69 step %scan3A_70  : i32 {
      %mul3A_263 = arith.constant 16 : i32
      %mul3A_264 = arith.muli %scan3A_262, %mul3A_263 : i32
      %add3A_265 = arith.constant 768 : i32
      %add3A_266 = arith.addi %add3A_265, %mul3A_264 : i32
      %get3A = arith.index_cast %add3A_266 : i32 to index
      %get3A_267 = tpu.vector_load %arg5[%get3A] {strides = array<i32>} : memref<1024xi32, #tpu.memory_space<vmem>>, vector<16xi32>,
      %get3A_268 = vector.shape_cast %get3A_267 : vector<16xi32> to vector<16xi32>
      %div3A = arith.divsi %get3A_268, %broadcast_in_dim3A_1 : vector<16xi32>
      %add3A_269 = arith.addi %div3A, %broadcast_in_dim3A_1 : vector<16xi32>
      %swap3A = arith.index_cast %add3A_266 : i32 to index
      %swap3A_270 = tpu.vector_load %arg7[%swap3A] {strides = array<i32>} : memref<1024xi32, #tpu.memory_space<vmem>>, vector<16xi32>,
      %swap3A_271 = vector.shape_cast %swap3A_270 : vector<16xi32> to vector<16xi32>
      %swap3A_272 = vector.shape_cast %add3A_269 : vector<16xi32> to vector<16xi32>
      tpu.vector_store %arg7[%swap3A], %swap3A_272 {strides = array<i32>} : memref<1024xi32, #tpu.memory_space<vmem>>, vector<16xi32>,
      %mul3A_273 = arith.muli %div3A, %broadcast_in_dim3A_1 : vector<16xi32>
      %sub3A = arith.subi %get3A_268, %mul3A_273 : vector<16xi32>
      %swap3A_274 = arith.index_cast %add3A_266 : i32 to index
      %swap3A_275 = tpu.vector_load %arg6[%swap3A_274] {strides = array<i32>} : memref<1024xi32, #tpu.memory_space<vmem>>, vector<16xi32>,
      %swap3A_276 = vector.shape_cast %swap3A_275 : vector<16xi32> to vector<16xi32>
      %swap3A_277 = vector.shape_cast %sub3A : vector<16xi32> to vector<16xi32>
      tpu.vector_store %arg6[%swap3A_274], %swap3A_277 {strides = array<i32>} : memref<1024xi32, #tpu.memory_space<vmem>>, vector<16xi32>,
    }
    %scan3A_71 = arith.constant 16 : i32
    %dma_start3A_72 = arith.constant 768 : i32
    %dma_start3A_73 = arith.constant 0 : i32
    %dma_start3A_74 = tpu.memref_slice %arg8[%dma_start3A_72, %dma_start3A_73] : memref<1024x64xbf16, #tpu.memory_space<vmem>> -> memref<256x64xbf16, #tpu.memory_space<vmem>>
    %dma_start3A_75 = arith.constant 768 : i32
    %dma_start3A_76 = tpu.memref_slice %arg6[%dma_start3A_75] : memref<1024xi32, #tpu.memory_space<vmem>> -> memref<256xi32, #tpu.memory_space<vmem>>
    %dma_start3A_77 = arith.constant 0 : i32
    %dma_start3A_78 = arith.constant 0 : i32
    %dma_start3A_79 = tpu.memref_slice %arg3[%dma_start3A_77, %dma_start3A_78] : memref<2000x64xbf16, #tpu.memory_space<hbm>> -> memref<2000x64xbf16, #tpu.memory_space<hbm>>
    tpu.enqueue_indirect_dma source(%dma_start3A_79 : memref<2000x64xbf16, #tpu.memory_space<hbm>>) target(%dma_start3A_74 : memref<256x64xbf16, #tpu.memory_space<vmem>>) offsets(%dma_start3A_76 : memref<256xi32, #tpu.memory_space<vmem>>) semaphore(%arg13 : memref<!tpu.dma_semaphore, #tpu.memory_space<semaphore_mem>>)
    %dma_start3A_80 = arith.constant 768 : i32
    %dma_start3A_81 = arith.constant 0 : i32
    %dma_start3A_82 = tpu.memref_slice %arg9[%dma_start3A_80, %dma_start3A_81] : memref<1024x64xbf16, #tpu.memory_space<vmem>> -> memref<256x64xbf16, #tpu.memory_space<vmem>>
    %dma_start3A_83 = arith.constant 768 : i32
    %dma_start3A_84 = tpu.memref_slice %arg7[%dma_start3A_83] : memref<1024xi32, #tpu.memory_space<vmem>> -> memref<256xi32, #tpu.memory_space<vmem>>
    %dma_start3A_85 = arith.constant 0 : i32
    %dma_start3A_86 = arith.constant 0 : i32
    %dma_start3A_87 = tpu.memref_slice %arg3[%dma_start3A_85, %dma_start3A_86] : memref<2000x64xbf16, #tpu.memory_space<hbm>> -> memref<2000x64xbf16, #tpu.memory_space<hbm>>
    tpu.enqueue_indirect_dma source(%dma_start3A_87 : memref<2000x64xbf16, #tpu.memory_space<hbm>>) target(%dma_start3A_82 : memref<256x64xbf16, #tpu.memory_space<vmem>>) offsets(%dma_start3A_84 : memref<256xi32, #tpu.memory_space<vmem>>) semaphore(%arg13 : memref<!tpu.dma_semaphore, #tpu.memory_space<semaphore_mem>>)
    %dma_wait3A = arith.constant 0 : i32
    %dma_wait3A_88 = arith.constant 0 : i32
    %dma_wait3A_89 = tpu.memref_slice %arg8[%dma_wait3A, %dma_wait3A_88] : memref<1024x64xbf16, #tpu.memory_space<vmem>> -> memref<256x64xbf16, #tpu.memory_space<vmem>>
    %dma_wait3A_90 = arith.constant 0 : i32
    %dma_wait3A_91 = tpu.memref_slice %arg6[%dma_wait3A_90] : memref<1024xi32, #tpu.memory_space<vmem>> -> memref<256xi32, #tpu.memory_space<vmem>>
    %dma_wait3A_92 = arith.constant 0 : i32
    %dma_wait3A_93 = arith.constant 0 : i32
    %dma_wait3A_94 = tpu.memref_slice %arg3[%dma_wait3A_92, %dma_wait3A_93] : memref<2000x64xbf16, #tpu.memory_space<hbm>> -> memref<2000x64xbf16, #tpu.memory_space<hbm>>
    tpu.wait_indirect_dma semaphore(%arg10 : memref<!tpu.dma_semaphore, #tpu.memory_space<semaphore_mem>>) src(%dma_wait3A_94 : memref<2000x64xbf16, #tpu.memory_space<hbm>>) dst(%dma_wait3A_89 : memref<256x64xbf16, #tpu.memory_space<vmem>>)
    %dma_wait3A_95 = arith.constant 0 : i32
    %dma_wait3A_96 = arith.constant 0 : i32
    %dma_wait3A_97 = tpu.memref_slice %arg9[%dma_wait3A_95, %dma_wait3A_96] : memref<1024x64xbf16, #tpu.memory_space<vmem>> -> memref<256x64xbf16, #tpu.memory_space<vmem>>
    %dma_wait3A_98 = arith.constant 0 : i32
    %dma_wait3A_99 = tpu.memref_slice %arg7[%dma_wait3A_98] : memref<1024xi32, #tpu.memory_space<vmem>> -> memref<256xi32, #tpu.memory_space<vmem>>
    %dma_wait3A_100 = arith.constant 0 : i32
    %dma_wait3A_101 = arith.constant 0 : i32
    %dma_wait3A_102 = tpu.memref_slice %arg3[%dma_wait3A_100, %dma_wait3A_101] : memref<2000x64xbf16, #tpu.memory_space<hbm>> -> memref<2000x64xbf16, #tpu.memory_space<hbm>>
    tpu.wait_indirect_dma semaphore(%arg10 : memref<!tpu.dma_semaphore, #tpu.memory_space<semaphore_mem>>) src(%dma_wait3A_102 : memref<2000x64xbf16, #tpu.memory_space<hbm>>) dst(%dma_wait3A_97 : memref<256x64xbf16, #tpu.memory_space<vmem>>)
    %scan3A_103 = arith.constant 0 : i32
    %scan3A_104 = arith.constant 0 : i32
    %scan3A_105 = arith.constant 64 : i32
    %scan3A_106 = arith.addi %scan3A_104, %scan3A_105 : i32
    %scan3A_107 = arith.constant 1 : i32
    scf.for %scan3A_262 = %scan3A_104 to %scan3A_106 step %scan3A_107  : i32 {
      %mul3A_263 = arith.constant 4 : i32
      %mul3A_264 = arith.muli %scan3A_262, %mul3A_263 : i32
      %add3A_265 = arith.constant 0 : i32
      %add3A_266 = arith.addi %add3A_265, %mul3A_264 : i32
      %add3A_267 = arith.constant 0 : i32
      %add3A_268 = arith.addi %add3A_266, %add3A_267 : i32
      %get3A = arith.index_cast %add3A_268 : i32 to index
      %get3A_269 = arith.constant 0 : index
      %get3A_270 = tpu.vector_load %arg8[%get3A, %get3A_269] {strides = array<i32>} : memref<1024x64xbf16, #tpu.memory_space<vmem>>, vector<1x32xbf16>,
      %get3A_271 = vector.shape_cast %get3A_270 : vector<1x32xbf16> to vector<32xbf16>
      %add3A_272 = arith.constant 0 : i32
      %add3A_273 = arith.addi %add3A_266, %add3A_272 : i32
      %get3A_274 = arith.index_cast %add3A_273 : i32 to index
      %get3A_275 = arith.constant 0 : index
      %get3A_276 = tpu.vector_load %arg9[%get3A_274, %get3A_275] {strides = array<i32>} : memref<1024x64xbf16, #tpu.memory_space<vmem>>, vector<1x32xbf16>,
      %get3A_277 = vector.shape_cast %get3A_276 : vector<1x32xbf16> to vector<32xbf16>
      %mul3A_278 = arith.mulf %get3A_271, %get3A_277 : vector<32xbf16>
      %add3A_279 = arith.constant 0 : i32
      %add3A_280 = arith.addi %add3A_266, %add3A_279 : i32
      %swap3A = arith.index_cast %add3A_280 : i32 to index
      %swap3A_281 = arith.constant 0 : index
      %swap3A_282 = tpu.vector_load %arg8[%swap3A, %swap3A_281] {strides = array<i32>} : memref<1024x64xbf16, #tpu.memory_space<vmem>>, vector<1x32xbf16>,
      %swap3A_283 = vector.shape_cast %swap3A_282 : vector<1x32xbf16> to vector<32xbf16>
      %swap3A_284 = vector.shape_cast %mul3A_278 : vector<32xbf16> to vector<1x32xbf16>
      tpu.vector_store %arg8[%swap3A, %swap3A_281], %swap3A_284 {strides = array<i32>} : memref<1024x64xbf16, #tpu.memory_space<vmem>>, vector<1x32xbf16>,
      %add3A_285 = arith.constant 0 : i32
      %add3A_286 = arith.addi %add3A_266, %add3A_285 : i32
      %get3A_287 = arith.index_cast %add3A_286 : i32 to index
      %get3A_288 = arith.constant 32 : index
      %get3A_289 = tpu.vector_load %arg8[%get3A_287, %get3A_288] {strides = array<i32>} : memref<1024x64xbf16, #tpu.memory_space<vmem>>, vector<1x32xbf16>,
      %get3A_290 = vector.shape_cast %get3A_289 : vector<1x32xbf16> to vector<32xbf16>
      %add3A_291 = arith.constant 0 : i32
      %add3A_292 = arith.addi %add3A_266, %add3A_291 : i32
      %get3A_293 = arith.index_cast %add3A_292 : i32 to index
      %get3A_294 = arith.constant 32 : index
      %get3A_295 = tpu.vector_load %arg9[%get3A_293, %get3A_294] {strides = array<i32>} : memref<1024x64xbf16, #tpu.memory_space<vmem>>, vector<1x32xbf16>,
      %get3A_296 = vector.shape_cast %get3A_295 : vector<1x32xbf16> to vector<32xbf16>
      %mul3A_297 = arith.mulf %get3A_290, %get3A_296 : vector<32xbf16>
      %add3A_298 = arith.constant 0 : i32
      %add3A_299 = arith.addi %add3A_266, %add3A_298 : i32
      %swap3A_300 = arith.index_cast %add3A_299 : i32 to index
      %swap3A_301 = arith.constant 32 : index
      %swap3A_302 = tpu.vector_load %arg8[%swap3A_300, %swap3A_301] {strides = array<i32>} : memref<1024x64xbf16, #tpu.memory_space<vmem>>, vector<1x32xbf16>,
      %swap3A_303 = vector.shape_cast %swap3A_302 : vector<1x32xbf16> to vector<32xbf16>
      %swap3A_304 = vector.shape_cast %mul3A_297 : vector<32xbf16> to vector<1x32xbf16>
      tpu.vector_store %arg8[%swap3A_300, %swap3A_301], %swap3A_304 {strides = array<i32>} : memref<1024x64xbf16, #tpu.memory_space<vmem>>, vector<1x32xbf16>,
      %add3A_305 = arith.constant 1 : i32
      %add3A_306 = arith.addi %add3A_266, %add3A_305 : i32
      %get3A_307 = arith.index_cast %add3A_306 : i32 to index
      %get3A_308 = arith.constant 0 : index
      %get3A_309 = tpu.vector_load %arg8[%get3A_307, %get3A_308] {strides = array<i32>} : memref<1024x64xbf16, #tpu.memory_space<vmem>>, vector<1x32xbf16>,
      %get3A_310 = vector.shape_cast %get3A_309 : vector<1x32xbf16> to vector<32xbf16>
      %add3A_311 = arith.constant 1 : i32
      %add3A_312 = arith.addi %add3A_266, %add3A_311 : i32
      %get3A_313 = arith.index_cast %add3A_312 : i32 to index
      %get3A_314 = arith.constant 0 : index
      %get3A_315 = tpu.vector_load %arg9[%get3A_313, %get3A_314] {strides = array<i32>} : memref<1024x64xbf16, #tpu.memory_space<vmem>>, vector<1x32xbf16>,
      %get3A_316 = vector.shape_cast %get3A_315 : vector<1x32xbf16> to vector<32xbf16>
      %mul3A_317 = arith.mulf %get3A_310, %get3A_316 : vector<32xbf16>
      %add3A_318 = arith.constant 1 : i32
      %add3A_319 = arith.addi %add3A_266, %add3A_318 : i32
      %swap3A_320 = arith.index_cast %add3A_319 : i32 to index
      %swap3A_321 = arith.constant 0 : index
      %swap3A_322 = tpu.vector_load %arg8[%swap3A_320, %swap3A_321] {strides = array<i32>} : memref<1024x64xbf16, #tpu.memory_space<vmem>>, vector<1x32xbf16>,
      %swap3A_323 = vector.shape_cast %swap3A_322 : vector<1x32xbf16> to vector<32xbf16>
      %swap3A_324 = vector.shape_cast %mul3A_317 : vector<32xbf16> to vector<1x32xbf16>
      tpu.vector_store %arg8[%swap3A_320, %swap3A_321], %swap3A_324 {strides = array<i32>} : memref<1024x64xbf16, #tpu.memory_space<vmem>>, vector<1x32xbf16>,
      %add3A_325 = arith.constant 1 : i32
      %add3A_326 = arith.addi %add3A_266, %add3A_325 : i32
      %get3A_327 = arith.index_cast %add3A_326 : i32 to index
      %get3A_328 = arith.constant 32 : index
      %get3A_329 = tpu.vector_load %arg8[%get3A_327, %get3A_328] {strides = array<i32>} : memref<1024x64xbf16, #tpu.memory_space<vmem>>, vector<1x32xbf16>,
      %get3A_330 = vector.shape_cast %get3A_329 : vector<1x32xbf16> to vector<32xbf16>
      %add3A_331 = arith.constant 1 : i32
      %add3A_332 = arith.addi %add3A_266, %add3A_331 : i32
      %get3A_333 = arith.index_cast %add3A_332 : i32 to index
      %get3A_334 = arith.constant 32 : index
      %get3A_335 = tpu.vector_load %arg9[%get3A_333, %get3A_334] {strides = array<i32>} : memref<1024x64xbf16, #tpu.memory_space<vmem>>, vector<1x32xbf16>,
      %get3A_336 = vector.shape_cast %get3A_335 : vector<1x32xbf16> to vector<32xbf16>
      %mul3A_337 = arith.mulf %get3A_330, %get3A_336 : vector<32xbf16>
      %add3A_338 = arith.constant 1 : i32
      %add3A_339 = arith.addi %add3A_266, %add3A_338 : i32
      %swap3A_340 = arith.index_cast %add3A_339 : i32 to index
      %swap3A_341 = arith.constant 32 : index
      %swap3A_342 = tpu.vector_load %arg8[%swap3A_340, %swap3A_341] {strides = array<i32>} : memref<1024x64xbf16, #tpu.memory_space<vmem>>, vector<1x32xbf16>,
      %swap3A_343 = vector.shape_cast %swap3A_342 : vector<1x32xbf16> to vector<32xbf16>
      %swap3A_344 = vector.shape_cast %mul3A_337 : vector<32xbf16> to vector<1x32xbf16>
      tpu.vector_store %arg8[%swap3A_340, %swap3A_341], %swap3A_344 {strides = array<i32>} : memref<1024x64xbf16, #tpu.memory_space<vmem>>, vector<1x32xbf16>,
      %add3A_345 = arith.constant 2 : i32
      %add3A_346 = arith.addi %add3A_266, %add3A_345 : i32
      %get3A_347 = arith.index_cast %add3A_346 : i32 to index
      %get3A_348 = arith.constant 0 : index
      %get3A_349 = tpu.vector_load %arg8[%get3A_347, %get3A_348] {strides = array<i32>} : memref<1024x64xbf16, #tpu.memory_space<vmem>>, vector<1x32xbf16>,
      %get3A_350 = vector.shape_cast %get3A_349 : vector<1x32xbf16> to vector<32xbf16>
      %add3A_351 = arith.constant 2 : i32
      %add3A_352 = arith.addi %add3A_266, %add3A_351 : i32
      %get3A_353 = arith.index_cast %add3A_352 : i32 to index
      %get3A_354 = arith.constant 0 : index
      %get3A_355 = tpu.vector_load %arg9[%get3A_353, %get3A_354] {strides = array<i32>} : memref<1024x64xbf16, #tpu.memory_space<vmem>>, vector<1x32xbf16>,
      %get3A_356 = vector.shape_cast %get3A_355 : vector<1x32xbf16> to vector<32xbf16>
      %mul3A_357 = arith.mulf %get3A_350, %get3A_356 : vector<32xbf16>
      %add3A_358 = arith.constant 2 : i32
      %add3A_359 = arith.addi %add3A_266, %add3A_358 : i32
      %swap3A_360 = arith.index_cast %add3A_359 : i32 to index
      %swap3A_361 = arith.constant 0 : index
      %swap3A_362 = tpu.vector_load %arg8[%swap3A_360, %swap3A_361] {strides = array<i32>} : memref<1024x64xbf16, #tpu.memory_space<vmem>>, vector<1x32xbf16>,
      %swap3A_363 = vector.shape_cast %swap3A_362 : vector<1x32xbf16> to vector<32xbf16>
      %swap3A_364 = vector.shape_cast %mul3A_357 : vector<32xbf16> to vector<1x32xbf16>
      tpu.vector_store %arg8[%swap3A_360, %swap3A_361], %swap3A_364 {strides = array<i32>} : memref<1024x64xbf16, #tpu.memory_space<vmem>>, vector<1x32xbf16>,
      %add3A_365 = arith.constant 2 : i32
      %add3A_366 = arith.addi %add3A_266, %add3A_365 : i32
      %get3A_367 = arith.index_cast %add3A_366 : i32 to index
      %get3A_368 = arith.constant 32 : index
      %get3A_369 = tpu.vector_load %arg8[%get3A_367, %get3A_368] {strides = array<i32>} : memref<1024x64xbf16, #tpu.memory_space<vmem>>, vector<1x32xbf16>,
      %get3A_370 = vector.shape_cast %get3A_369 : vector<1x32xbf16> to vector<32xbf16>
      %add3A_371 = arith.constant 2 : i32
      %add3A_372 = arith.addi %add3A_266, %add3A_371 : i32
      %get3A_373 = arith.index_cast %add3A_372 : i32 to index
      %get3A_374 = arith.constant 32 : index
      %get3A_375 = tpu.vector_load %arg9[%get3A_373, %get3A_374] {strides = array<i32>} : memref<1024x64xbf16, #tpu.memory_space<vmem>>, vector<1x32xbf16>,
      %get3A_376 = vector.shape_cast %get3A_375 : vector<1x32xbf16> to vector<32xbf16>
      %mul3A_377 = arith.mulf %get3A_370, %get3A_376 : vector<32xbf16>
      %add3A_378 = arith.constant 2 : i32
      %add3A_379 = arith.addi %add3A_266, %add3A_378 : i32
      %swap3A_380 = arith.index_cast %add3A_379 : i32 to index
      %swap3A_381 = arith.constant 32 : index
      %swap3A_382 = tpu.vector_load %arg8[%swap3A_380, %swap3A_381] {strides = array<i32>} : memref<1024x64xbf16, #tpu.memory_space<vmem>>, vector<1x32xbf16>,
      %swap3A_383 = vector.shape_cast %swap3A_382 : vector<1x32xbf16> to vector<32xbf16>
      %swap3A_384 = vector.shape_cast %mul3A_377 : vector<32xbf16> to vector<1x32xbf16>
      tpu.vector_store %arg8[%swap3A_380, %swap3A_381], %swap3A_384 {strides = array<i32>} : memref<1024x64xbf16, #tpu.memory_space<vmem>>, vector<1x32xbf16>,
      %add3A_385 = arith.constant 3 : i32
      %add3A_386 = arith.addi %add3A_266, %add3A_385 : i32
      %get3A_387 = arith.index_cast %add3A_386 : i32 to index
      %get3A_388 = arith.constant 0 : index
      %get3A_389 = tpu.vector_load %arg8[%get3A_387, %get3A_388] {strides = array<i32>} : memref<1024x64xbf16, #tpu.memory_space<vmem>>, vector<1x32xbf16>,
      %get3A_390 = vector.shape_cast %get3A_389 : vector<1x32xbf16> to vector<32xbf16>
      %add3A_391 = arith.constant 3 : i32
      %add3A_392 = arith.addi %add3A_266, %add3A_391 : i32
      %get3A_393 = arith.index_cast %add3A_392 : i32 to index
      %get3A_394 = arith.constant 0 : index
      %get3A_395 = tpu.vector_load %arg9[%get3A_393, %get3A_394] {strides = array<i32>} : memref<1024x64xbf16, #tpu.memory_space<vmem>>, vector<1x32xbf16>,
      %get3A_396 = vector.shape_cast %get3A_395 : vector<1x32xbf16> to vector<32xbf16>
      %mul3A_397 = arith.mulf %get3A_390, %get3A_396 : vector<32xbf16>
      %add3A_398 = arith.constant 3 : i32
      %add3A_399 = arith.addi %add3A_266, %add3A_398 : i32
      %swap3A_400 = arith.index_cast %add3A_399 : i32 to index
      %swap3A_401 = arith.constant 0 : index
      %swap3A_402 = tpu.vector_load %arg8[%swap3A_400, %swap3A_401] {strides = array<i32>} : memref<1024x64xbf16, #tpu.memory_space<vmem>>, vector<1x32xbf16>,
      %swap3A_403 = vector.shape_cast %swap3A_402 : vector<1x32xbf16> to vector<32xbf16>
      %swap3A_404 = vector.shape_cast %mul3A_397 : vector<32xbf16> to vector<1x32xbf16>
      tpu.vector_store %arg8[%swap3A_400, %swap3A_401], %swap3A_404 {strides = array<i32>} : memref<1024x64xbf16, #tpu.memory_space<vmem>>, vector<1x32xbf16>,
      %add3A_405 = arith.constant 3 : i32
      %add3A_406 = arith.addi %add3A_266, %add3A_405 : i32
      %get3A_407 = arith.index_cast %add3A_406 : i32 to index
      %get3A_408 = arith.constant 32 : index
      %get3A_409 = tpu.vector_load %arg8[%get3A_407, %get3A_408] {strides = array<i32>} : memref<1024x64xbf16, #tpu.memory_space<vmem>>, vector<1x32xbf16>,
      %get3A_410 = vector.shape_cast %get3A_409 : vector<1x32xbf16> to vector<32xbf16>
      %add3A_411 = arith.constant 3 : i32
      %add3A_412 = arith.addi %add3A_266, %add3A_411 : i32
      %get3A_413 = arith.index_cast %add3A_412 : i32 to index
      %get3A_414 = arith.constant 32 : index
      %get3A_415 = tpu.vector_load %arg9[%get3A_413, %get3A_414] {strides = array<i32>} : memref<1024x64xbf16, #tpu.memory_space<vmem>>, vector<1x32xbf16>,
      %get3A_416 = vector.shape_cast %get3A_415 : vector<1x32xbf16> to vector<32xbf16>
      %mul3A_417 = arith.mulf %get3A_410, %get3A_416 : vector<32xbf16>
      %add3A_418 = arith.constant 3 : i32
      %add3A_419 = arith.addi %add3A_266, %add3A_418 : i32
      %swap3A_420 = arith.index_cast %add3A_419 : i32 to index
      %swap3A_421 = arith.constant 32 : index
      %swap3A_422 = tpu.vector_load %arg8[%swap3A_420, %swap3A_421] {strides = array<i32>} : memref<1024x64xbf16, #tpu.memory_space<vmem>>, vector<1x32xbf16>,
      %swap3A_423 = vector.shape_cast %swap3A_422 : vector<1x32xbf16> to vector<32xbf16>
      %swap3A_424 = vector.shape_cast %mul3A_417 : vector<32xbf16> to vector<1x32xbf16>
      tpu.vector_store %arg8[%swap3A_420, %swap3A_421], %swap3A_424 {strides = array<i32>} : memref<1024x64xbf16, #tpu.memory_space<vmem>>, vector<1x32xbf16>,
    }
    %scan3A_108 = arith.constant 64 : i32
    %add3A = arith.constant 0 : i32
    %add3A_109 = arith.addi %mul3A_0, %add3A : i32
    %dma_start3A_110 = arith.constant 0 : i32
    %dma_start3A_111 = arith.constant 0 : i32
    %dma_start3A_112 = tpu.memref_slice %arg8[%dma_start3A_110, %dma_start3A_111] : memref<1024x64xbf16, #tpu.memory_space<vmem>> -> memref<256x64xbf16, #tpu.memory_space<vmem>>
    %dma_start3A_113 = arith.constant 0 : i32
    %dma_start3A_114 = tpu.memref_slice %arg4[%add3A_109, %dma_start3A_113] : memref<16384x64xbf16, #tpu.memory_space<hbm>> -> memref<256x64xbf16, #tpu.memory_space<hbm>>
    %dma_start3A_115 = arith.constant 0 : i32
    %dma_start3A_116 = tpu.memref_slice %arg4[%add3A_109, %dma_start3A_115] : memref<16384x64xbf16, #tpu.memory_space<hbm>> -> memref<256x64xbf16, #tpu.memory_space<hbm>>
    %dma_start3A_117 = arith.constant 0 : i32
    %dma_start3A_118 = arith.constant 0 : i32
    %dma_start3A_119 = tpu.memref_slice %arg8[%dma_start3A_117, %dma_start3A_118] : memref<1024x64xbf16, #tpu.memory_space<vmem>> -> memref<256x64xbf16, #tpu.memory_space<vmem>>
    tpu.enqueue_dma source(%dma_start3A_119 : memref<256x64xbf16, #tpu.memory_space<vmem>>) target(%dma_start3A_116 : memref<256x64xbf16, #tpu.memory_space<hbm>>) target_semaphore(%arg14 : memref<!tpu.dma_semaphore, #tpu.memory_space<semaphore_mem>>)
    %dma_wait3A_120 = arith.constant 256 : i32
    %dma_wait3A_121 = arith.constant 0 : i32
    %dma_wait3A_122 = tpu.memref_slice %arg8[%dma_wait3A_120, %dma_wait3A_121] : memref<1024x64xbf16, #tpu.memory_space<vmem>> -> memref<256x64xbf16, #tpu.memory_space<vmem>>
    %dma_wait3A_123 = arith.constant 256 : i32
    %dma_wait3A_124 = tpu.memref_slice %arg6[%dma_wait3A_123] : memref<1024xi32, #tpu.memory_space<vmem>> -> memref<256xi32, #tpu.memory_space<vmem>>
    %dma_wait3A_125 = arith.constant 0 : i32
    %dma_wait3A_126 = arith.constant 0 : i32
    %dma_wait3A_127 = tpu.memref_slice %arg3[%dma_wait3A_125, %dma_wait3A_126] : memref<2000x64xbf16, #tpu.memory_space<hbm>> -> memref<2000x64xbf16, #tpu.memory_space<hbm>>
    tpu.wait_indirect_dma semaphore(%arg11 : memref<!tpu.dma_semaphore, #tpu.memory_space<semaphore_mem>>) src(%dma_wait3A_127 : memref<2000x64xbf16, #tpu.memory_space<hbm>>) dst(%dma_wait3A_122 : memref<256x64xbf16, #tpu.memory_space<vmem>>)
    %dma_wait3A_128 = arith.constant 256 : i32
    %dma_wait3A_129 = arith.constant 0 : i32
    %dma_wait3A_130 = tpu.memref_slice %arg9[%dma_wait3A_128, %dma_wait3A_129] : memref<1024x64xbf16, #tpu.memory_space<vmem>> -> memref<256x64xbf16, #tpu.memory_space<vmem>>
    %dma_wait3A_131 = arith.constant 256 : i32
    %dma_wait3A_132 = tpu.memref_slice %arg7[%dma_wait3A_131] : memref<1024xi32, #tpu.memory_space<vmem>> -> memref<256xi32, #tpu.memory_space<vmem>>
    %dma_wait3A_133 = arith.constant 0 : i32
    %dma_wait3A_134 = arith.constant 0 : i32
    %dma_wait3A_135 = tpu.memref_slice %arg3[%dma_wait3A_133, %dma_wait3A_134] : memref<2000x64xbf16, #tpu.memory_space<hbm>> -> memref<2000x64xbf16, #tpu.memory_space<hbm>>
    tpu.wait_indirect_dma semaphore(%arg11 : memref<!tpu.dma_semaphore, #tpu.memory_space<semaphore_mem>>) src(%dma_wait3A_135 : memref<2000x64xbf16, #tpu.memory_space<hbm>>) dst(%dma_wait3A_130 : memref<256x64xbf16, #tpu.memory_space<vmem>>)
    %scan3A_136 = arith.constant 0 : i32
    %scan3A_137 = arith.constant 0 : i32
    %scan3A_138 = arith.constant 64 : i32
    %scan3A_139 = arith.addi %scan3A_137, %scan3A_138 : i32
    %scan3A_140 = arith.constant 1 : i32
    scf.for %scan3A_262 = %scan3A_137 to %scan3A_139 step %scan3A_140  : i32 {
      %mul3A_263 = arith.constant 4 : i32
      %mul3A_264 = arith.muli %scan3A_262, %mul3A_263 : i32
      %add3A_265 = arith.constant 256 : i32
      %add3A_266 = arith.addi %add3A_265, %mul3A_264 : i32
      %add3A_267 = arith.constant 0 : i32
      %add3A_268 = arith.addi %add3A_266, %add3A_267 : i32
      %get3A = arith.index_cast %add3A_268 : i32 to index
      %get3A_269 = arith.constant 0 : index
      %get3A_270 = tpu.vector_load %arg8[%get3A, %get3A_269] {strides = array<i32>} : memref<1024x64xbf16, #tpu.memory_space<vmem>>, vector<1x32xbf16>,
      %get3A_271 = vector.shape_cast %get3A_270 : vector<1x32xbf16> to vector<32xbf16>
      %add3A_272 = arith.constant 0 : i32
      %add3A_273 = arith.addi %add3A_266, %add3A_272 : i32
      %get3A_274 = arith.index_cast %add3A_273 : i32 to index
      %get3A_275 = arith.constant 0 : index
      %get3A_276 = tpu.vector_load %arg9[%get3A_274, %get3A_275] {strides = array<i32>} : memref<1024x64xbf16, #tpu.memory_space<vmem>>, vector<1x32xbf16>,
      %get3A_277 = vector.shape_cast %get3A_276 : vector<1x32xbf16> to vector<32xbf16>
      %mul3A_278 = arith.mulf %get3A_271, %get3A_277 : vector<32xbf16>
      %add3A_279 = arith.constant 0 : i32
      %add3A_280 = arith.addi %add3A_266, %add3A_279 : i32
      %swap3A = arith.index_cast %add3A_280 : i32 to index
      %swap3A_281 = arith.constant 0 : index
      %swap3A_282 = tpu.vector_load %arg8[%swap3A, %swap3A_281] {strides = array<i32>} : memref<1024x64xbf16, #tpu.memory_space<vmem>>, vector<1x32xbf16>,
      %swap3A_283 = vector.shape_cast %swap3A_282 : vector<1x32xbf16> to vector<32xbf16>
      %swap3A_284 = vector.shape_cast %mul3A_278 : vector<32xbf16> to vector<1x32xbf16>
      tpu.vector_store %arg8[%swap3A, %swap3A_281], %swap3A_284 {strides = array<i32>} : memref<1024x64xbf16, #tpu.memory_space<vmem>>, vector<1x32xbf16>,
      %add3A_285 = arith.constant 0 : i32
      %add3A_286 = arith.addi %add3A_266, %add3A_285 : i32
      %get3A_287 = arith.index_cast %add3A_286 : i32 to index
      %get3A_288 = arith.constant 32 : index
      %get3A_289 = tpu.vector_load %arg8[%get3A_287, %get3A_288] {strides = array<i32>} : memref<1024x64xbf16, #tpu.memory_space<vmem>>, vector<1x32xbf16>,
      %get3A_290 = vector.shape_cast %get3A_289 : vector<1x32xbf16> to vector<32xbf16>
      %add3A_291 = arith.constant 0 : i32
      %add3A_292 = arith.addi %add3A_266, %add3A_291 : i32
      %get3A_293 = arith.index_cast %add3A_292 : i32 to index
      %get3A_294 = arith.constant 32 : index
      %get3A_295 = tpu.vector_load %arg9[%get3A_293, %get3A_294] {strides = array<i32>} : memref<1024x64xbf16, #tpu.memory_space<vmem>>, vector<1x32xbf16>,
      %get3A_296 = vector.shape_cast %get3A_295 : vector<1x32xbf16> to vector<32xbf16>
      %mul3A_297 = arith.mulf %get3A_290, %get3A_296 : vector<32xbf16>
      %add3A_298 = arith.constant 0 : i32
      %add3A_299 = arith.addi %add3A_266, %add3A_298 : i32
      %swap3A_300 = arith.index_cast %add3A_299 : i32 to index
      %swap3A_301 = arith.constant 32 : index
      %swap3A_302 = tpu.vector_load %arg8[%swap3A_300, %swap3A_301] {strides = array<i32>} : memref<1024x64xbf16, #tpu.memory_space<vmem>>, vector<1x32xbf16>,
      %swap3A_303 = vector.shape_cast %swap3A_302 : vector<1x32xbf16> to vector<32xbf16>
      %swap3A_304 = vector.shape_cast %mul3A_297 : vector<32xbf16> to vector<1x32xbf16>
      tpu.vector_store %arg8[%swap3A_300, %swap3A_301], %swap3A_304 {strides = array<i32>} : memref<1024x64xbf16, #tpu.memory_space<vmem>>, vector<1x32xbf16>,
      %add3A_305 = arith.constant 1 : i32
      %add3A_306 = arith.addi %add3A_266, %add3A_305 : i32
      %get3A_307 = arith.index_cast %add3A_306 : i32 to index
      %get3A_308 = arith.constant 0 : index
      %get3A_309 = tpu.vector_load %arg8[%get3A_307, %get3A_308] {strides = array<i32>} : memref<1024x64xbf16, #tpu.memory_space<vmem>>, vector<1x32xbf16>,
      %get3A_310 = vector.shape_cast %get3A_309 : vector<1x32xbf16> to vector<32xbf16>
      %add3A_311 = arith.constant 1 : i32
      %add3A_312 = arith.addi %add3A_266, %add3A_311 : i32
      %get3A_313 = arith.index_cast %add3A_312 : i32 to index
      %get3A_314 = arith.constant 0 : index
      %get3A_315 = tpu.vector_load %arg9[%get3A_313, %get3A_314] {strides = array<i32>} : memref<1024x64xbf16, #tpu.memory_space<vmem>>, vector<1x32xbf16>,
      %get3A_316 = vector.shape_cast %get3A_315 : vector<1x32xbf16> to vector<32xbf16>
      %mul3A_317 = arith.mulf %get3A_310, %get3A_316 : vector<32xbf16>
      %add3A_318 = arith.constant 1 : i32
      %add3A_319 = arith.addi %add3A_266, %add3A_318 : i32
      %swap3A_320 = arith.index_cast %add3A_319 : i32 to index
      %swap3A_321 = arith.constant 0 : index
      %swap3A_322 = tpu.vector_load %arg8[%swap3A_320, %swap3A_321] {strides = array<i32>} : memref<1024x64xbf16, #tpu.memory_space<vmem>>, vector<1x32xbf16>,
      %swap3A_323 = vector.shape_cast %swap3A_322 : vector<1x32xbf16> to vector<32xbf16>
      %swap3A_324 = vector.shape_cast %mul3A_317 : vector<32xbf16> to vector<1x32xbf16>
      tpu.vector_store %arg8[%swap3A_320, %swap3A_321], %swap3A_324 {strides = array<i32>} : memref<1024x64xbf16, #tpu.memory_space<vmem>>, vector<1x32xbf16>,
      %add3A_325 = arith.constant 1 : i32
      %add3A_326 = arith.addi %add3A_266, %add3A_325 : i32
      %get3A_327 = arith.index_cast %add3A_326 : i32 to index
      %get3A_328 = arith.constant 32 : index
      %get3A_329 = tpu.vector_load %arg8[%get3A_327, %get3A_328] {strides = array<i32>} : memref<1024x64xbf16, #tpu.memory_space<vmem>>, vector<1x32xbf16>,
      %get3A_330 = vector.shape_cast %get3A_329 : vector<1x32xbf16> to vector<32xbf16>
      %add3A_331 = arith.constant 1 : i32
      %add3A_332 = arith.addi %add3A_266, %add3A_331 : i32
      %get3A_333 = arith.index_cast %add3A_332 : i32 to index
      %get3A_334 = arith.constant 32 : index
      %get3A_335 = tpu.vector_load %arg9[%get3A_333, %get3A_334] {strides = array<i32>} : memref<1024x64xbf16, #tpu.memory_space<vmem>>, vector<1x32xbf16>,
      %get3A_336 = vector.shape_cast %get3A_335 : vector<1x32xbf16> to vector<32xbf16>
      %mul3A_337 = arith.mulf %get3A_330, %get3A_336 : vector<32xbf16>
      %add3A_338 = arith.constant 1 : i32
      %add3A_339 = arith.addi %add3A_266, %add3A_338 : i32
      %swap3A_340 = arith.index_cast %add3A_339 : i32 to index
      %swap3A_341 = arith.constant 32 : index
      %swap3A_342 = tpu.vector_load %arg8[%swap3A_340, %swap3A_341] {strides = array<i32>} : memref<1024x64xbf16, #tpu.memory_space<vmem>>, vector<1x32xbf16>,
      %swap3A_343 = vector.shape_cast %swap3A_342 : vector<1x32xbf16> to vector<32xbf16>
      %swap3A_344 = vector.shape_cast %mul3A_337 : vector<32xbf16> to vector<1x32xbf16>
      tpu.vector_store %arg8[%swap3A_340, %swap3A_341], %swap3A_344 {strides = array<i32>} : memref<1024x64xbf16, #tpu.memory_space<vmem>>, vector<1x32xbf16>,
      %add3A_345 = arith.constant 2 : i32
      %add3A_346 = arith.addi %add3A_266, %add3A_345 : i32
      %get3A_347 = arith.index_cast %add3A_346 : i32 to index
      %get3A_348 = arith.constant 0 : index
      %get3A_349 = tpu.vector_load %arg8[%get3A_347, %get3A_348] {strides = array<i32>} : memref<1024x64xbf16, #tpu.memory_space<vmem>>, vector<1x32xbf16>,
      %get3A_350 = vector.shape_cast %get3A_349 : vector<1x32xbf16> to vector<32xbf16>
      %add3A_351 = arith.constant 2 : i32
      %add3A_352 = arith.addi %add3A_266, %add3A_351 : i32
      %get3A_353 = arith.index_cast %add3A_352 : i32 to index
      %get3A_354 = arith.constant 0 : index
      %get3A_355 = tpu.vector_load %arg9[%get3A_353, %get3A_354] {strides = array<i32>} : memref<1024x64xbf16, #tpu.memory_space<vmem>>, vector<1x32xbf16>,
      %get3A_356 = vector.shape_cast %get3A_355 : vector<1x32xbf16> to vector<32xbf16>
      %mul3A_357 = arith.mulf %get3A_350, %get3A_356 : vector<32xbf16>
      %add3A_358 = arith.constant 2 : i32
      %add3A_359 = arith.addi %add3A_266, %add3A_358 : i32
      %swap3A_360 = arith.index_cast %add3A_359 : i32 to index
      %swap3A_361 = arith.constant 0 : index
      %swap3A_362 = tpu.vector_load %arg8[%swap3A_360, %swap3A_361] {strides = array<i32>} : memref<1024x64xbf16, #tpu.memory_space<vmem>>, vector<1x32xbf16>,
      %swap3A_363 = vector.shape_cast %swap3A_362 : vector<1x32xbf16> to vector<32xbf16>
      %swap3A_364 = vector.shape_cast %mul3A_357 : vector<32xbf16> to vector<1x32xbf16>
      tpu.vector_store %arg8[%swap3A_360, %swap3A_361], %swap3A_364 {strides = array<i32>} : memref<1024x64xbf16, #tpu.memory_space<vmem>>, vector<1x32xbf16>,
      %add3A_365 = arith.constant 2 : i32
      %add3A_366 = arith.addi %add3A_266, %add3A_365 : i32
      %get3A_367 = arith.index_cast %add3A_366 : i32 to index
      %get3A_368 = arith.constant 32 : index
      %get3A_369 = tpu.vector_load %arg8[%get3A_367, %get3A_368] {strides = array<i32>} : memref<1024x64xbf16, #tpu.memory_space<vmem>>, vector<1x32xbf16>,
      %get3A_370 = vector.shape_cast %get3A_369 : vector<1x32xbf16> to vector<32xbf16>
      %add3A_371 = arith.constant 2 : i32
      %add3A_372 = arith.addi %add3A_266, %add3A_371 : i32
      %get3A_373 = arith.index_cast %add3A_372 : i32 to index
      %get3A_374 = arith.constant 32 : index
      %get3A_375 = tpu.vector_load %arg9[%get3A_373, %get3A_374] {strides = array<i32>} : memref<1024x64xbf16, #tpu.memory_space<vmem>>, vector<1x32xbf16>,
      %get3A_376 = vector.shape_cast %get3A_375 : vector<1x32xbf16> to vector<32xbf16>
      %mul3A_377 = arith.mulf %get3A_370, %get3A_376 : vector<32xbf16>
      %add3A_378 = arith.constant 2 : i32
      %add3A_379 = arith.addi %add3A_266, %add3A_378 : i32
      %swap3A_380 = arith.index_cast %add3A_379 : i32 to index
      %swap3A_381 = arith.constant 32 : index
      %swap3A_382 = tpu.vector_load %arg8[%swap3A_380, %swap3A_381] {strides = array<i32>} : memref<1024x64xbf16, #tpu.memory_space<vmem>>, vector<1x32xbf16>,
      %swap3A_383 = vector.shape_cast %swap3A_382 : vector<1x32xbf16> to vector<32xbf16>
      %swap3A_384 = vector.shape_cast %mul3A_377 : vector<32xbf16> to vector<1x32xbf16>
      tpu.vector_store %arg8[%swap3A_380, %swap3A_381], %swap3A_384 {strides = array<i32>} : memref<1024x64xbf16, #tpu.memory_space<vmem>>, vector<1x32xbf16>,
      %add3A_385 = arith.constant 3 : i32
      %add3A_386 = arith.addi %add3A_266, %add3A_385 : i32
      %get3A_387 = arith.index_cast %add3A_386 : i32 to index
      %get3A_388 = arith.constant 0 : index
      %get3A_389 = tpu.vector_load %arg8[%get3A_387, %get3A_388] {strides = array<i32>} : memref<1024x64xbf16, #tpu.memory_space<vmem>>, vector<1x32xbf16>,
      %get3A_390 = vector.shape_cast %get3A_389 : vector<1x32xbf16> to vector<32xbf16>
      %add3A_391 = arith.constant 3 : i32
      %add3A_392 = arith.addi %add3A_266, %add3A_391 : i32
      %get3A_393 = arith.index_cast %add3A_392 : i32 to index
      %get3A_394 = arith.constant 0 : index
      %get3A_395 = tpu.vector_load %arg9[%get3A_393, %get3A_394] {strides = array<i32>} : memref<1024x64xbf16, #tpu.memory_space<vmem>>, vector<1x32xbf16>,
      %get3A_396 = vector.shape_cast %get3A_395 : vector<1x32xbf16> to vector<32xbf16>
      %mul3A_397 = arith.mulf %get3A_390, %get3A_396 : vector<32xbf16>
      %add3A_398 = arith.constant 3 : i32
      %add3A_399 = arith.addi %add3A_266, %add3A_398 : i32
      %swap3A_400 = arith.index_cast %add3A_399 : i32 to index
      %swap3A_401 = arith.constant 0 : index
      %swap3A_402 = tpu.vector_load %arg8[%swap3A_400, %swap3A_401] {strides = array<i32>} : memref<1024x64xbf16, #tpu.memory_space<vmem>>, vector<1x32xbf16>,
      %swap3A_403 = vector.shape_cast %swap3A_402 : vector<1x32xbf16> to vector<32xbf16>
      %swap3A_404 = vector.shape_cast %mul3A_397 : vector<32xbf16> to vector<1x32xbf16>
      tpu.vector_store %arg8[%swap3A_400, %swap3A_401], %swap3A_404 {strides = array<i32>} : memref<1024x64xbf16, #tpu.memory_space<vmem>>, vector<1x32xbf16>,
      %add3A_405 = arith.constant 3 : i32
      %add3A_406 = arith.addi %add3A_266, %add3A_405 : i32
      %get3A_407 = arith.index_cast %add3A_406 : i32 to index
      %get3A_408 = arith.constant 32 : index
      %get3A_409 = tpu.vector_load %arg8[%get3A_407, %get3A_408] {strides = array<i32>} : memref<1024x64xbf16, #tpu.memory_space<vmem>>, vector<1x32xbf16>,
      %get3A_410 = vector.shape_cast %get3A_409 : vector<1x32xbf16> to vector<32xbf16>
      %add3A_411 = arith.constant 3 : i32
      %add3A_412 = arith.addi %add3A_266, %add3A_411 : i32
      %get3A_413 = arith.index_cast %add3A_412 : i32 to index
      %get3A_414 = arith.constant 32 : index
      %get3A_415 = tpu.vector_load %arg9[%get3A_413, %get3A_414] {strides = array<i32>} : memref<1024x64xbf16, #tpu.memory_space<vmem>>, vector<1x32xbf16>,
      %get3A_416 = vector.shape_cast %get3A_415 : vector<1x32xbf16> to vector<32xbf16>
      %mul3A_417 = arith.mulf %get3A_410, %get3A_416 : vector<32xbf16>
      %add3A_418 = arith.constant 3 : i32
      %add3A_419 = arith.addi %add3A_266, %add3A_418 : i32
      %swap3A_420 = arith.index_cast %add3A_419 : i32 to index
      %swap3A_421 = arith.constant 32 : index
      %swap3A_422 = tpu.vector_load %arg8[%swap3A_420, %swap3A_421] {strides = array<i32>} : memref<1024x64xbf16, #tpu.memory_space<vmem>>, vector<1x32xbf16>,
      %swap3A_423 = vector.shape_cast %swap3A_422 : vector<1x32xbf16> to vector<32xbf16>
      %swap3A_424 = vector.shape_cast %mul3A_417 : vector<32xbf16> to vector<1x32xbf16>
      tpu.vector_store %arg8[%swap3A_420, %swap3A_421], %swap3A_424 {strides = array<i32>} : memref<1024x64xbf16, #tpu.memory_space<vmem>>, vector<1x32xbf16>,
    }
    %scan3A_141 = arith.constant 64 : i32
    %add3A_142 = arith.constant 256 : i32
    %add3A_143 = arith.addi %mul3A_0, %add3A_142 : i32
    %dma_start3A_144 = arith.constant 256 : i32
    %dma_start3A_145 = arith.constant 0 : i32
    %dma_start3A_146 = tpu.memref_slice %arg8[%dma_start3A_144, %dma_start3A_145] : memref<1024x64xbf16, #tpu.memory_space<vmem>> -> memref<256x64xbf16, #tpu.memory_space<vmem>>
    %dma_start3A_147 = arith.constant 0 : i32
    %dma_start3A_148 = tpu.memref_slice %arg4[%add3A_143, %dma_start3A_147] : memref<16384x64xbf16, #tpu.memory_space<hbm>> -> memref<256x64xbf16, #tpu.memory_space<hbm>>
    %dma_start3A_149 = arith.constant 0 : i32
    %dma_start3A_150 = tpu.memref_slice %arg4[%add3A_143, %dma_start3A_149] : memref<16384x64xbf16, #tpu.memory_space<hbm>> -> memref<256x64xbf16, #tpu.memory_space<hbm>>
    %dma_start3A_151 = arith.constant 256 : i32
    %dma_start3A_152 = arith.constant 0 : i32
    %dma_start3A_153 = tpu.memref_slice %arg8[%dma_start3A_151, %dma_start3A_152] : memref<1024x64xbf16, #tpu.memory_space<vmem>> -> memref<256x64xbf16, #tpu.memory_space<vmem>>
    tpu.enqueue_dma source(%dma_start3A_153 : memref<256x64xbf16, #tpu.memory_space<vmem>>) target(%dma_start3A_150 : memref<256x64xbf16, #tpu.memory_space<hbm>>) target_semaphore(%arg14 : memref<!tpu.dma_semaphore, #tpu.memory_space<semaphore_mem>>)
    %dma_wait3A_154 = arith.constant 512 : i32
    %dma_wait3A_155 = arith.constant 0 : i32
    %dma_wait3A_156 = tpu.memref_slice %arg8[%dma_wait3A_154, %dma_wait3A_155] : memref<1024x64xbf16, #tpu.memory_space<vmem>> -> memref<256x64xbf16, #tpu.memory_space<vmem>>
    %dma_wait3A_157 = arith.constant 512 : i32
    %dma_wait3A_158 = tpu.memref_slice %arg6[%dma_wait3A_157] : memref<1024xi32, #tpu.memory_space<vmem>> -> memref<256xi32, #tpu.memory_space<vmem>>
    %dma_wait3A_159 = arith.constant 0 : i32
    %dma_wait3A_160 = arith.constant 0 : i32
    %dma_wait3A_161 = tpu.memref_slice %arg3[%dma_wait3A_159, %dma_wait3A_160] : memref<2000x64xbf16, #tpu.memory_space<hbm>> -> memref<2000x64xbf16, #tpu.memory_space<hbm>>
    tpu.wait_indirect_dma semaphore(%arg12 : memref<!tpu.dma_semaphore, #tpu.memory_space<semaphore_mem>>) src(%dma_wait3A_161 : memref<2000x64xbf16, #tpu.memory_space<hbm>>) dst(%dma_wait3A_156 : memref<256x64xbf16, #tpu.memory_space<vmem>>)
    %dma_wait3A_162 = arith.constant 512 : i32
    %dma_wait3A_163 = arith.constant 0 : i32
    %dma_wait3A_164 = tpu.memref_slice %arg9[%dma_wait3A_162, %dma_wait3A_163] : memref<1024x64xbf16, #tpu.memory_space<vmem>> -> memref<256x64xbf16, #tpu.memory_space<vmem>>
    %dma_wait3A_165 = arith.constant 512 : i32
    %dma_wait3A_166 = tpu.memref_slice %arg7[%dma_wait3A_165] : memref<1024xi32, #tpu.memory_space<vmem>> -> memref<256xi32, #tpu.memory_space<vmem>>
    %dma_wait3A_167 = arith.constant 0 : i32
    %dma_wait3A_168 = arith.constant 0 : i32
    %dma_wait3A_169 = tpu.memref_slice %arg3[%dma_wait3A_167, %dma_wait3A_168] : memref<2000x64xbf16, #tpu.memory_space<hbm>> -> memref<2000x64xbf16, #tpu.memory_space<hbm>>
    tpu.wait_indirect_dma semaphore(%arg12 : memref<!tpu.dma_semaphore, #tpu.memory_space<semaphore_mem>>) src(%dma_wait3A_169 : memref<2000x64xbf16, #tpu.memory_space<hbm>>) dst(%dma_wait3A_164 : memref<256x64xbf16, #tpu.memory_space<vmem>>)
    %scan3A_170 = arith.constant 0 : i32
    %scan3A_171 = arith.constant 0 : i32
    %scan3A_172 = arith.constant 64 : i32
    %scan3A_173 = arith.addi %scan3A_171, %scan3A_172 : i32
    %scan3A_174 = arith.constant 1 : i32
    scf.for %scan3A_262 = %scan3A_171 to %scan3A_173 step %scan3A_174  : i32 {
      %mul3A_263 = arith.constant 4 : i32
      %mul3A_264 = arith.muli %scan3A_262, %mul3A_263 : i32
      %add3A_265 = arith.constant 512 : i32
      %add3A_266 = arith.addi %add3A_265, %mul3A_264 : i32
      %add3A_267 = arith.constant 0 : i32
      %add3A_268 = arith.addi %add3A_266, %add3A_267 : i32
      %get3A = arith.index_cast %add3A_268 : i32 to index
      %get3A_269 = arith.constant 0 : index
      %get3A_270 = tpu.vector_load %arg8[%get3A, %get3A_269] {strides = array<i32>} : memref<1024x64xbf16, #tpu.memory_space<vmem>>, vector<1x32xbf16>,
      %get3A_271 = vector.shape_cast %get3A_270 : vector<1x32xbf16> to vector<32xbf16>
      %add3A_272 = arith.constant 0 : i32
      %add3A_273 = arith.addi %add3A_266, %add3A_272 : i32
      %get3A_274 = arith.index_cast %add3A_273 : i32 to index
      %get3A_275 = arith.constant 0 : index
      %get3A_276 = tpu.vector_load %arg9[%get3A_274, %get3A_275] {strides = array<i32>} : memref<1024x64xbf16, #tpu.memory_space<vmem>>, vector<1x32xbf16>,
      %get3A_277 = vector.shape_cast %get3A_276 : vector<1x32xbf16> to vector<32xbf16>
      %mul3A_278 = arith.mulf %get3A_271, %get3A_277 : vector<32xbf16>
      %add3A_279 = arith.constant 0 : i32
      %add3A_280 = arith.addi %add3A_266, %add3A_279 : i32
      %swap3A = arith.index_cast %add3A_280 : i32 to index
      %swap3A_281 = arith.constant 0 : index
      %swap3A_282 = tpu.vector_load %arg8[%swap3A, %swap3A_281] {strides = array<i32>} : memref<1024x64xbf16, #tpu.memory_space<vmem>>, vector<1x32xbf16>,
      %swap3A_283 = vector.shape_cast %swap3A_282 : vector<1x32xbf16> to vector<32xbf16>
      %swap3A_284 = vector.shape_cast %mul3A_278 : vector<32xbf16> to vector<1x32xbf16>
      tpu.vector_store %arg8[%swap3A, %swap3A_281], %swap3A_284 {strides = array<i32>} : memref<1024x64xbf16, #tpu.memory_space<vmem>>, vector<1x32xbf16>,
      %add3A_285 = arith.constant 0 : i32
      %add3A_286 = arith.addi %add3A_266, %add3A_285 : i32
      %get3A_287 = arith.index_cast %add3A_286 : i32 to index
      %get3A_288 = arith.constant 32 : index
      %get3A_289 = tpu.vector_load %arg8[%get3A_287, %get3A_288] {strides = array<i32>} : memref<1024x64xbf16, #tpu.memory_space<vmem>>, vector<1x32xbf16>,
      %get3A_290 = vector.shape_cast %get3A_289 : vector<1x32xbf16> to vector<32xbf16>
      %add3A_291 = arith.constant 0 : i32
      %add3A_292 = arith.addi %add3A_266, %add3A_291 : i32
      %get3A_293 = arith.index_cast %add3A_292 : i32 to index
      %get3A_294 = arith.constant 32 : index
      %get3A_295 = tpu.vector_load %arg9[%get3A_293, %get3A_294] {strides = array<i32>} : memref<1024x64xbf16, #tpu.memory_space<vmem>>, vector<1x32xbf16>,
      %get3A_296 = vector.shape_cast %get3A_295 : vector<1x32xbf16> to vector<32xbf16>
      %mul3A_297 = arith.mulf %get3A_290, %get3A_296 : vector<32xbf16>
      %add3A_298 = arith.constant 0 : i32
      %add3A_299 = arith.addi %add3A_266, %add3A_298 : i32
      %swap3A_300 = arith.index_cast %add3A_299 : i32 to index
      %swap3A_301 = arith.constant 32 : index
      %swap3A_302 = tpu.vector_load %arg8[%swap3A_300, %swap3A_301] {strides = array<i32>} : memref<1024x64xbf16, #tpu.memory_space<vmem>>, vector<1x32xbf16>,
      %swap3A_303 = vector.shape_cast %swap3A_302 : vector<1x32xbf16> to vector<32xbf16>
      %swap3A_304 = vector.shape_cast %mul3A_297 : vector<32xbf16> to vector<1x32xbf16>
      tpu.vector_store %arg8[%swap3A_300, %swap3A_301], %swap3A_304 {strides = array<i32>} : memref<1024x64xbf16, #tpu.memory_space<vmem>>, vector<1x32xbf16>,
      %add3A_305 = arith.constant 1 : i32
      %add3A_306 = arith.addi %add3A_266, %add3A_305 : i32
      %get3A_307 = arith.index_cast %add3A_306 : i32 to index
      %get3A_308 = arith.constant 0 : index
      %get3A_309 = tpu.vector_load %arg8[%get3A_307, %get3A_308] {strides = array<i32>} : memref<1024x64xbf16, #tpu.memory_space<vmem>>, vector<1x32xbf16>,
      %get3A_310 = vector.shape_cast %get3A_309 : vector<1x32xbf16> to vector<32xbf16>
      %add3A_311 = arith.constant 1 : i32
      %add3A_312 = arith.addi %add3A_266, %add3A_311 : i32
      %get3A_313 = arith.index_cast %add3A_312 : i32 to index
      %get3A_314 = arith.constant 0 : index
      %get3A_315 = tpu.vector_load %arg9[%get3A_313, %get3A_314] {strides = array<i32>} : memref<1024x64xbf16, #tpu.memory_space<vmem>>, vector<1x32xbf16>,
      %get3A_316 = vector.shape_cast %get3A_315 : vector<1x32xbf16> to vector<32xbf16>
      %mul3A_317 = arith.mulf %get3A_310, %get3A_316 : vector<32xbf16>
      %add3A_318 = arith.constant 1 : i32
      %add3A_319 = arith.addi %add3A_266, %add3A_318 : i32
      %swap3A_320 = arith.index_cast %add3A_319 : i32 to index
      %swap3A_321 = arith.constant 0 : index
      %swap3A_322 = tpu.vector_load %arg8[%swap3A_320, %swap3A_321] {strides = array<i32>} : memref<1024x64xbf16, #tpu.memory_space<vmem>>, vector<1x32xbf16>,
      %swap3A_323 = vector.shape_cast %swap3A_322 : vector<1x32xbf16> to vector<32xbf16>
      %swap3A_324 = vector.shape_cast %mul3A_317 : vector<32xbf16> to vector<1x32xbf16>
      tpu.vector_store %arg8[%swap3A_320, %swap3A_321], %swap3A_324 {strides = array<i32>} : memref<1024x64xbf16, #tpu.memory_space<vmem>>, vector<1x32xbf16>,
      %add3A_325 = arith.constant 1 : i32
      %add3A_326 = arith.addi %add3A_266, %add3A_325 : i32
      %get3A_327 = arith.index_cast %add3A_326 : i32 to index
      %get3A_328 = arith.constant 32 : index
      %get3A_329 = tpu.vector_load %arg8[%get3A_327, %get3A_328] {strides = array<i32>} : memref<1024x64xbf16, #tpu.memory_space<vmem>>, vector<1x32xbf16>,
      %get3A_330 = vector.shape_cast %get3A_329 : vector<1x32xbf16> to vector<32xbf16>
      %add3A_331 = arith.constant 1 : i32
      %add3A_332 = arith.addi %add3A_266, %add3A_331 : i32
      %get3A_333 = arith.index_cast %add3A_332 : i32 to index
      %get3A_334 = arith.constant 32 : index
      %get3A_335 = tpu.vector_load %arg9[%get3A_333, %get3A_334] {strides = array<i32>} : memref<1024x64xbf16, #tpu.memory_space<vmem>>, vector<1x32xbf16>,
      %get3A_336 = vector.shape_cast %get3A_335 : vector<1x32xbf16> to vector<32xbf16>
      %mul3A_337 = arith.mulf %get3A_330, %get3A_336 : vector<32xbf16>
      %add3A_338 = arith.constant 1 : i32
      %add3A_339 = arith.addi %add3A_266, %add3A_338 : i32
      %swap3A_340 = arith.index_cast %add3A_339 : i32 to index
      %swap3A_341 = arith.constant 32 : index
      %swap3A_342 = tpu.vector_load %arg8[%swap3A_340, %swap3A_341] {strides = array<i32>} : memref<1024x64xbf16, #tpu.memory_space<vmem>>, vector<1x32xbf16>,
      %swap3A_343 = vector.shape_cast %swap3A_342 : vector<1x32xbf16> to vector<32xbf16>
      %swap3A_344 = vector.shape_cast %mul3A_337 : vector<32xbf16> to vector<1x32xbf16>
      tpu.vector_store %arg8[%swap3A_340, %swap3A_341], %swap3A_344 {strides = array<i32>} : memref<1024x64xbf16, #tpu.memory_space<vmem>>, vector<1x32xbf16>,
      %add3A_345 = arith.constant 2 : i32
      %add3A_346 = arith.addi %add3A_266, %add3A_345 : i32
      %get3A_347 = arith.index_cast %add3A_346 : i32 to index
      %get3A_348 = arith.constant 0 : index
      %get3A_349 = tpu.vector_load %arg8[%get3A_347, %get3A_348] {strides = array<i32>} : memref<1024x64xbf16, #tpu.memory_space<vmem>>, vector<1x32xbf16>,
      %get3A_350 = vector.shape_cast %get3A_349 : vector<1x32xbf16> to vector<32xbf16>
      %add3A_351 = arith.constant 2 : i32
      %add3A_352 = arith.addi %add3A_266, %add3A_351 : i32
      %get3A_353 = arith.index_cast %add3A_352 : i32 to index
      %get3A_354 = arith.constant 0 : index
      %get3A_355 = tpu.vector_load %arg9[%get3A_353, %get3A_354] {strides = array<i32>} : memref<1024x64xbf16, #tpu.memory_space<vmem>>, vector<1x32xbf16>,
      %get3A_356 = vector.shape_cast %get3A_355 : vector<1x32xbf16> to vector<32xbf16>
      %mul3A_357 = arith.mulf %get3A_350, %get3A_356 : vector<32xbf16>
      %add3A_358 = arith.constant 2 : i32
      %add3A_359 = arith.addi %add3A_266, %add3A_358 : i32
      %swap3A_360 = arith.index_cast %add3A_359 : i32 to index
      %swap3A_361 = arith.constant 0 : index
      %swap3A_362 = tpu.vector_load %arg8[%swap3A_360, %swap3A_361] {strides = array<i32>} : memref<1024x64xbf16, #tpu.memory_space<vmem>>, vector<1x32xbf16>,
      %swap3A_363 = vector.shape_cast %swap3A_362 : vector<1x32xbf16> to vector<32xbf16>
      %swap3A_364 = vector.shape_cast %mul3A_357 : vector<32xbf16> to vector<1x32xbf16>
      tpu.vector_store %arg8[%swap3A_360, %swap3A_361], %swap3A_364 {strides = array<i32>} : memref<1024x64xbf16, #tpu.memory_space<vmem>>, vector<1x32xbf16>,
      %add3A_365 = arith.constant 2 : i32
      %add3A_366 = arith.addi %add3A_266, %add3A_365 : i32
      %get3A_367 = arith.index_cast %add3A_366 : i32 to index
      %get3A_368 = arith.constant 32 : index
      %get3A_369 = tpu.vector_load %arg8[%get3A_367, %get3A_368] {strides = array<i32>} : memref<1024x64xbf16, #tpu.memory_space<vmem>>, vector<1x32xbf16>,
      %get3A_370 = vector.shape_cast %get3A_369 : vector<1x32xbf16> to vector<32xbf16>
      %add3A_371 = arith.constant 2 : i32
      %add3A_372 = arith.addi %add3A_266, %add3A_371 : i32
      %get3A_373 = arith.index_cast %add3A_372 : i32 to index
      %get3A_374 = arith.constant 32 : index
      %get3A_375 = tpu.vector_load %arg9[%get3A_373, %get3A_374] {strides = array<i32>} : memref<1024x64xbf16, #tpu.memory_space<vmem>>, vector<1x32xbf16>,
      %get3A_376 = vector.shape_cast %get3A_375 : vector<1x32xbf16> to vector<32xbf16>
      %mul3A_377 = arith.mulf %get3A_370, %get3A_376 : vector<32xbf16>
      %add3A_378 = arith.constant 2 : i32
      %add3A_379 = arith.addi %add3A_266, %add3A_378 : i32
      %swap3A_380 = arith.index_cast %add3A_379 : i32 to index
      %swap3A_381 = arith.constant 32 : index
      %swap3A_382 = tpu.vector_load %arg8[%swap3A_380, %swap3A_381] {strides = array<i32>} : memref<1024x64xbf16, #tpu.memory_space<vmem>>, vector<1x32xbf16>,
      %swap3A_383 = vector.shape_cast %swap3A_382 : vector<1x32xbf16> to vector<32xbf16>
      %swap3A_384 = vector.shape_cast %mul3A_377 : vector<32xbf16> to vector<1x32xbf16>
      tpu.vector_store %arg8[%swap3A_380, %swap3A_381], %swap3A_384 {strides = array<i32>} : memref<1024x64xbf16, #tpu.memory_space<vmem>>, vector<1x32xbf16>,
      %add3A_385 = arith.constant 3 : i32
      %add3A_386 = arith.addi %add3A_266, %add3A_385 : i32
      %get3A_387 = arith.index_cast %add3A_386 : i32 to index
      %get3A_388 = arith.constant 0 : index
      %get3A_389 = tpu.vector_load %arg8[%get3A_387, %get3A_388] {strides = array<i32>} : memref<1024x64xbf16, #tpu.memory_space<vmem>>, vector<1x32xbf16>,
      %get3A_390 = vector.shape_cast %get3A_389 : vector<1x32xbf16> to vector<32xbf16>
      %add3A_391 = arith.constant 3 : i32
      %add3A_392 = arith.addi %add3A_266, %add3A_391 : i32
      %get3A_393 = arith.index_cast %add3A_392 : i32 to index
      %get3A_394 = arith.constant 0 : index
      %get3A_395 = tpu.vector_load %arg9[%get3A_393, %get3A_394] {strides = array<i32>} : memref<1024x64xbf16, #tpu.memory_space<vmem>>, vector<1x32xbf16>,
      %get3A_396 = vector.shape_cast %get3A_395 : vector<1x32xbf16> to vector<32xbf16>
      %mul3A_397 = arith.mulf %get3A_390, %get3A_396 : vector<32xbf16>
      %add3A_398 = arith.constant 3 : i32
      %add3A_399 = arith.addi %add3A_266, %add3A_398 : i32
      %swap3A_400 = arith.index_cast %add3A_399 : i32 to index
      %swap3A_401 = arith.constant 0 : index
      %swap3A_402 = tpu.vector_load %arg8[%swap3A_400, %swap3A_401] {strides = array<i32>} : memref<1024x64xbf16, #tpu.memory_space<vmem>>, vector<1x32xbf16>,
      %swap3A_403 = vector.shape_cast %swap3A_402 : vector<1x32xbf16> to vector<32xbf16>
      %swap3A_404 = vector.shape_cast %mul3A_397 : vector<32xbf16> to vector<1x32xbf16>
      tpu.vector_store %arg8[%swap3A_400, %swap3A_401], %swap3A_404 {strides = array<i32>} : memref<1024x64xbf16, #tpu.memory_space<vmem>>, vector<1x32xbf16>,
      %add3A_405 = arith.constant 3 : i32
      %add3A_406 = arith.addi %add3A_266, %add3A_405 : i32
      %get3A_407 = arith.index_cast %add3A_406 : i32 to index
      %get3A_408 = arith.constant 32 : index
      %get3A_409 = tpu.vector_load %arg8[%get3A_407, %get3A_408] {strides = array<i32>} : memref<1024x64xbf16, #tpu.memory_space<vmem>>, vector<1x32xbf16>,
      %get3A_410 = vector.shape_cast %get3A_409 : vector<1x32xbf16> to vector<32xbf16>
      %add3A_411 = arith.constant 3 : i32
      %add3A_412 = arith.addi %add3A_266, %add3A_411 : i32
      %get3A_413 = arith.index_cast %add3A_412 : i32 to index
      %get3A_414 = arith.constant 32 : index
      %get3A_415 = tpu.vector_load %arg9[%get3A_413, %get3A_414] {strides = array<i32>} : memref<1024x64xbf16, #tpu.memory_space<vmem>>, vector<1x32xbf16>,
      %get3A_416 = vector.shape_cast %get3A_415 : vector<1x32xbf16> to vector<32xbf16>
      %mul3A_417 = arith.mulf %get3A_410, %get3A_416 : vector<32xbf16>
      %add3A_418 = arith.constant 3 : i32
      %add3A_419 = arith.addi %add3A_266, %add3A_418 : i32
      %swap3A_420 = arith.index_cast %add3A_419 : i32 to index
      %swap3A_421 = arith.constant 32 : index
      %swap3A_422 = tpu.vector_load %arg8[%swap3A_420, %swap3A_421] {strides = array<i32>} : memref<1024x64xbf16, #tpu.memory_space<vmem>>, vector<1x32xbf16>,
      %swap3A_423 = vector.shape_cast %swap3A_422 : vector<1x32xbf16> to vector<32xbf16>
      %swap3A_424 = vector.shape_cast %mul3A_417 : vector<32xbf16> to vector<1x32xbf16>
      tpu.vector_store %arg8[%swap3A_420, %swap3A_421], %swap3A_424 {strides = array<i32>} : memref<1024x64xbf16, #tpu.memory_space<vmem>>, vector<1x32xbf16>,
    }
    %scan3A_175 = arith.constant 64 : i32
    %add3A_176 = arith.constant 512 : i32
    %add3A_177 = arith.addi %mul3A_0, %add3A_176 : i32
    %dma_start3A_178 = arith.constant 512 : i32
    %dma_start3A_179 = arith.constant 0 : i32
    %dma_start3A_180 = tpu.memref_slice %arg8[%dma_start3A_178, %dma_start3A_179] : memref<1024x64xbf16, #tpu.memory_space<vmem>> -> memref<256x64xbf16, #tpu.memory_space<vmem>>
    %dma_start3A_181 = arith.constant 0 : i32
    %dma_start3A_182 = tpu.memref_slice %arg4[%add3A_177, %dma_start3A_181] : memref<16384x64xbf16, #tpu.memory_space<hbm>> -> memref<256x64xbf16, #tpu.memory_space<hbm>>
    %dma_start3A_183 = arith.constant 0 : i32
    %dma_start3A_184 = tpu.memref_slice %arg4[%add3A_177, %dma_start3A_183] : memref<16384x64xbf16, #tpu.memory_space<hbm>> -> memref<256x64xbf16, #tpu.memory_space<hbm>>
    %dma_start3A_185 = arith.constant 512 : i32
    %dma_start3A_186 = arith.constant 0 : i32
    %dma_start3A_187 = tpu.memref_slice %arg8[%dma_start3A_185, %dma_start3A_186] : memref<1024x64xbf16, #tpu.memory_space<vmem>> -> memref<256x64xbf16, #tpu.memory_space<vmem>>
    tpu.enqueue_dma source(%dma_start3A_187 : memref<256x64xbf16, #tpu.memory_space<vmem>>) target(%dma_start3A_184 : memref<256x64xbf16, #tpu.memory_space<hbm>>) target_semaphore(%arg14 : memref<!tpu.dma_semaphore, #tpu.memory_space<semaphore_mem>>)
    %dma_wait3A_188 = arith.constant 768 : i32
    %dma_wait3A_189 = arith.constant 0 : i32
    %dma_wait3A_190 = tpu.memref_slice %arg8[%dma_wait3A_188, %dma_wait3A_189] : memref<1024x64xbf16, #tpu.memory_space<vmem>> -> memref<256x64xbf16, #tpu.memory_space<vmem>>
    %dma_wait3A_191 = arith.constant 768 : i32
    %dma_wait3A_192 = tpu.memref_slice %arg6[%dma_wait3A_191] : memref<1024xi32, #tpu.memory_space<vmem>> -> memref<256xi32, #tpu.memory_space<vmem>>
    %dma_wait3A_193 = arith.constant 0 : i32
    %dma_wait3A_194 = arith.constant 0 : i32
    %dma_wait3A_195 = tpu.memref_slice %arg3[%dma_wait3A_193, %dma_wait3A_194] : memref<2000x64xbf16, #tpu.memory_space<hbm>> -> memref<2000x64xbf16, #tpu.memory_space<hbm>>
    tpu.wait_indirect_dma semaphore(%arg13 : memref<!tpu.dma_semaphore, #tpu.memory_space<semaphore_mem>>) src(%dma_wait3A_195 : memref<2000x64xbf16, #tpu.memory_space<hbm>>) dst(%dma_wait3A_190 : memref<256x64xbf16, #tpu.memory_space<vmem>>)
    %dma_wait3A_196 = arith.constant 768 : i32
    %dma_wait3A_197 = arith.constant 0 : i32
    %dma_wait3A_198 = tpu.memref_slice %arg9[%dma_wait3A_196, %dma_wait3A_197] : memref<1024x64xbf16, #tpu.memory_space<vmem>> -> memref<256x64xbf16, #tpu.memory_space<vmem>>
    %dma_wait3A_199 = arith.constant 768 : i32
    %dma_wait3A_200 = tpu.memref_slice %arg7[%dma_wait3A_199] : memref<1024xi32, #tpu.memory_space<vmem>> -> memref<256xi32, #tpu.memory_space<vmem>>
    %dma_wait3A_201 = arith.constant 0 : i32
    %dma_wait3A_202 = arith.constant 0 : i32
    %dma_wait3A_203 = tpu.memref_slice %arg3[%dma_wait3A_201, %dma_wait3A_202] : memref<2000x64xbf16, #tpu.memory_space<hbm>> -> memref<2000x64xbf16, #tpu.memory_space<hbm>>
    tpu.wait_indirect_dma semaphore(%arg13 : memref<!tpu.dma_semaphore, #tpu.memory_space<semaphore_mem>>) src(%dma_wait3A_203 : memref<2000x64xbf16, #tpu.memory_space<hbm>>) dst(%dma_wait3A_198 : memref<256x64xbf16, #tpu.memory_space<vmem>>)
    %scan3A_204 = arith.constant 0 : i32
    %scan3A_205 = arith.constant 0 : i32
    %scan3A_206 = arith.constant 64 : i32
    %scan3A_207 = arith.addi %scan3A_205, %scan3A_206 : i32
    %scan3A_208 = arith.constant 1 : i32
    scf.for %scan3A_262 = %scan3A_205 to %scan3A_207 step %scan3A_208  : i32 {
      %mul3A_263 = arith.constant 4 : i32
      %mul3A_264 = arith.muli %scan3A_262, %mul3A_263 : i32
      %add3A_265 = arith.constant 768 : i32
      %add3A_266 = arith.addi %add3A_265, %mul3A_264 : i32
      %add3A_267 = arith.constant 0 : i32
      %add3A_268 = arith.addi %add3A_266, %add3A_267 : i32
      %get3A = arith.index_cast %add3A_268 : i32 to index
      %get3A_269 = arith.constant 0 : index
      %get3A_270 = tpu.vector_load %arg8[%get3A, %get3A_269] {strides = array<i32>} : memref<1024x64xbf16, #tpu.memory_space<vmem>>, vector<1x32xbf16>,
      %get3A_271 = vector.shape_cast %get3A_270 : vector<1x32xbf16> to vector<32xbf16>
      %add3A_272 = arith.constant 0 : i32
      %add3A_273 = arith.addi %add3A_266, %add3A_272 : i32
      %get3A_274 = arith.index_cast %add3A_273 : i32 to index
      %get3A_275 = arith.constant 0 : index
      %get3A_276 = tpu.vector_load %arg9[%get3A_274, %get3A_275] {strides = array<i32>} : memref<1024x64xbf16, #tpu.memory_space<vmem>>, vector<1x32xbf16>,
      %get3A_277 = vector.shape_cast %get3A_276 : vector<1x32xbf16> to vector<32xbf16>
      %mul3A_278 = arith.mulf %get3A_271, %get3A_277 : vector<32xbf16>
      %add3A_279 = arith.constant 0 : i32
      %add3A_280 = arith.addi %add3A_266, %add3A_279 : i32
      %swap3A = arith.index_cast %add3A_280 : i32 to index
      %swap3A_281 = arith.constant 0 : index
      %swap3A_282 = tpu.vector_load %arg8[%swap3A, %swap3A_281] {strides = array<i32>} : memref<1024x64xbf16, #tpu.memory_space<vmem>>, vector<1x32xbf16>,
      %swap3A_283 = vector.shape_cast %swap3A_282 : vector<1x32xbf16> to vector<32xbf16>
      %swap3A_284 = vector.shape_cast %mul3A_278 : vector<32xbf16> to vector<1x32xbf16>
      tpu.vector_store %arg8[%swap3A, %swap3A_281], %swap3A_284 {strides = array<i32>} : memref<1024x64xbf16, #tpu.memory_space<vmem>>, vector<1x32xbf16>,
      %add3A_285 = arith.constant 0 : i32
      %add3A_286 = arith.addi %add3A_266, %add3A_285 : i32
      %get3A_287 = arith.index_cast %add3A_286 : i32 to index
      %get3A_288 = arith.constant 32 : index
      %get3A_289 = tpu.vector_load %arg8[%get3A_287, %get3A_288] {strides = array<i32>} : memref<1024x64xbf16, #tpu.memory_space<vmem>>, vector<1x32xbf16>,
      %get3A_290 = vector.shape_cast %get3A_289 : vector<1x32xbf16> to vector<32xbf16>
      %add3A_291 = arith.constant 0 : i32
      %add3A_292 = arith.addi %add3A_266, %add3A_291 : i32
      %get3A_293 = arith.index_cast %add3A_292 : i32 to index
      %get3A_294 = arith.constant 32 : index
      %get3A_295 = tpu.vector_load %arg9[%get3A_293, %get3A_294] {strides = array<i32>} : memref<1024x64xbf16, #tpu.memory_space<vmem>>, vector<1x32xbf16>,
      %get3A_296 = vector.shape_cast %get3A_295 : vector<1x32xbf16> to vector<32xbf16>
      %mul3A_297 = arith.mulf %get3A_290, %get3A_296 : vector<32xbf16>
      %add3A_298 = arith.constant 0 : i32
      %add3A_299 = arith.addi %add3A_266, %add3A_298 : i32
      %swap3A_300 = arith.index_cast %add3A_299 : i32 to index
      %swap3A_301 = arith.constant 32 : index
      %swap3A_302 = tpu.vector_load %arg8[%swap3A_300, %swap3A_301] {strides = array<i32>} : memref<1024x64xbf16, #tpu.memory_space<vmem>>, vector<1x32xbf16>,
      %swap3A_303 = vector.shape_cast %swap3A_302 : vector<1x32xbf16> to vector<32xbf16>
      %swap3A_304 = vector.shape_cast %mul3A_297 : vector<32xbf16> to vector<1x32xbf16>
      tpu.vector_store %arg8[%swap3A_300, %swap3A_301], %swap3A_304 {strides = array<i32>} : memref<1024x64xbf16, #tpu.memory_space<vmem>>, vector<1x32xbf16>,
      %add3A_305 = arith.constant 1 : i32
      %add3A_306 = arith.addi %add3A_266, %add3A_305 : i32
      %get3A_307 = arith.index_cast %add3A_306 : i32 to index
      %get3A_308 = arith.constant 0 : index
      %get3A_309 = tpu.vector_load %arg8[%get3A_307, %get3A_308] {strides = array<i32>} : memref<1024x64xbf16, #tpu.memory_space<vmem>>, vector<1x32xbf16>,
      %get3A_310 = vector.shape_cast %get3A_309 : vector<1x32xbf16> to vector<32xbf16>
      %add3A_311 = arith.constant 1 : i32
      %add3A_312 = arith.addi %add3A_266, %add3A_311 : i32
      %get3A_313 = arith.index_cast %add3A_312 : i32 to index
      %get3A_314 = arith.constant 0 : index
      %get3A_315 = tpu.vector_load %arg9[%get3A_313, %get3A_314] {strides = array<i32>} : memref<1024x64xbf16, #tpu.memory_space<vmem>>, vector<1x32xbf16>,
      %get3A_316 = vector.shape_cast %get3A_315 : vector<1x32xbf16> to vector<32xbf16>
      %mul3A_317 = arith.mulf %get3A_310, %get3A_316 : vector<32xbf16>
      %add3A_318 = arith.constant 1 : i32
      %add3A_319 = arith.addi %add3A_266, %add3A_318 : i32
      %swap3A_320 = arith.index_cast %add3A_319 : i32 to index
      %swap3A_321 = arith.constant 0 : index
      %swap3A_322 = tpu.vector_load %arg8[%swap3A_320, %swap3A_321] {strides = array<i32>} : memref<1024x64xbf16, #tpu.memory_space<vmem>>, vector<1x32xbf16>,
      %swap3A_323 = vector.shape_cast %swap3A_322 : vector<1x32xbf16> to vector<32xbf16>
      %swap3A_324 = vector.shape_cast %mul3A_317 : vector<32xbf16> to vector<1x32xbf16>
      tpu.vector_store %arg8[%swap3A_320, %swap3A_321], %swap3A_324 {strides = array<i32>} : memref<1024x64xbf16, #tpu.memory_space<vmem>>, vector<1x32xbf16>,
      %add3A_325 = arith.constant 1 : i32
      %add3A_326 = arith.addi %add3A_266, %add3A_325 : i32
      %get3A_327 = arith.index_cast %add3A_326 : i32 to index
      %get3A_328 = arith.constant 32 : index
      %get3A_329 = tpu.vector_load %arg8[%get3A_327, %get3A_328] {strides = array<i32>} : memref<1024x64xbf16, #tpu.memory_space<vmem>>, vector<1x32xbf16>,
      %get3A_330 = vector.shape_cast %get3A_329 : vector<1x32xbf16> to vector<32xbf16>
      %add3A_331 = arith.constant 1 : i32
      %add3A_332 = arith.addi %add3A_266, %add3A_331 : i32
      %get3A_333 = arith.index_cast %add3A_332 : i32 to index
      %get3A_334 = arith.constant 32 : index
      %get3A_335 = tpu.vector_load %arg9[%get3A_333, %get3A_334] {strides = array<i32>} : memref<1024x64xbf16, #tpu.memory_space<vmem>>, vector<1x32xbf16>,
      %get3A_336 = vector.shape_cast %get3A_335 : vector<1x32xbf16> to vector<32xbf16>
      %mul3A_337 = arith.mulf %get3A_330, %get3A_336 : vector<32xbf16>
      %add3A_338 = arith.constant 1 : i32
      %add3A_339 = arith.addi %add3A_266, %add3A_338 : i32
      %swap3A_340 = arith.index_cast %add3A_339 : i32 to index
      %swap3A_341 = arith.constant 32 : index
      %swap3A_342 = tpu.vector_load %arg8[%swap3A_340, %swap3A_341] {strides = array<i32>} : memref<1024x64xbf16, #tpu.memory_space<vmem>>, vector<1x32xbf16>,
      %swap3A_343 = vector.shape_cast %swap3A_342 : vector<1x32xbf16> to vector<32xbf16>
      %swap3A_344 = vector.shape_cast %mul3A_337 : vector<32xbf16> to vector<1x32xbf16>
      tpu.vector_store %arg8[%swap3A_340, %swap3A_341], %swap3A_344 {strides = array<i32>} : memref<1024x64xbf16, #tpu.memory_space<vmem>>, vector<1x32xbf16>,
      %add3A_345 = arith.constant 2 : i32
      %add3A_346 = arith.addi %add3A_266, %add3A_345 : i32
      %get3A_347 = arith.index_cast %add3A_346 : i32 to index
      %get3A_348 = arith.constant 0 : index
      %get3A_349 = tpu.vector_load %arg8[%get3A_347, %get3A_348] {strides = array<i32>} : memref<1024x64xbf16, #tpu.memory_space<vmem>>, vector<1x32xbf16>,
      %get3A_350 = vector.shape_cast %get3A_349 : vector<1x32xbf16> to vector<32xbf16>
      %add3A_351 = arith.constant 2 : i32
      %add3A_352 = arith.addi %add3A_266, %add3A_351 : i32
      %get3A_353 = arith.index_cast %add3A_352 : i32 to index
      %get3A_354 = arith.constant 0 : index
      %get3A_355 = tpu.vector_load %arg9[%get3A_353, %get3A_354] {strides = array<i32>} : memref<1024x64xbf16, #tpu.memory_space<vmem>>, vector<1x32xbf16>,
      %get3A_356 = vector.shape_cast %get3A_355 : vector<1x32xbf16> to vector<32xbf16>
      %mul3A_357 = arith.mulf %get3A_350, %get3A_356 : vector<32xbf16>
      %add3A_358 = arith.constant 2 : i32
      %add3A_359 = arith.addi %add3A_266, %add3A_358 : i32
      %swap3A_360 = arith.index_cast %add3A_359 : i32 to index
      %swap3A_361 = arith.constant 0 : index
      %swap3A_362 = tpu.vector_load %arg8[%swap3A_360, %swap3A_361] {strides = array<i32>} : memref<1024x64xbf16, #tpu.memory_space<vmem>>, vector<1x32xbf16>,
      %swap3A_363 = vector.shape_cast %swap3A_362 : vector<1x32xbf16> to vector<32xbf16>
      %swap3A_364 = vector.shape_cast %mul3A_357 : vector<32xbf16> to vector<1x32xbf16>
      tpu.vector_store %arg8[%swap3A_360, %swap3A_361], %swap3A_364 {strides = array<i32>} : memref<1024x64xbf16, #tpu.memory_space<vmem>>, vector<1x32xbf16>,
      %add3A_365 = arith.constant 2 : i32
      %add3A_366 = arith.addi %add3A_266, %add3A_365 : i32
      %get3A_367 = arith.index_cast %add3A_366 : i32 to index
      %get3A_368 = arith.constant 32 : index
      %get3A_369 = tpu.vector_load %arg8[%get3A_367, %get3A_368] {strides = array<i32>} : memref<1024x64xbf16, #tpu.memory_space<vmem>>, vector<1x32xbf16>,
      %get3A_370 = vector.shape_cast %get3A_369 : vector<1x32xbf16> to vector<32xbf16>
      %add3A_371 = arith.constant 2 : i32
      %add3A_372 = arith.addi %add3A_266, %add3A_371 : i32
      %get3A_373 = arith.index_cast %add3A_372 : i32 to index
      %get3A_374 = arith.constant 32 : index
      %get3A_375 = tpu.vector_load %arg9[%get3A_373, %get3A_374] {strides = array<i32>} : memref<1024x64xbf16, #tpu.memory_space<vmem>>, vector<1x32xbf16>,
      %get3A_376 = vector.shape_cast %get3A_375 : vector<1x32xbf16> to vector<32xbf16>
      %mul3A_377 = arith.mulf %get3A_370, %get3A_376 : vector<32xbf16>
      %add3A_378 = arith.constant 2 : i32
      %add3A_379 = arith.addi %add3A_266, %add3A_378 : i32
      %swap3A_380 = arith.index_cast %add3A_379 : i32 to index
      %swap3A_381 = arith.constant 32 : index
      %swap3A_382 = tpu.vector_load %arg8[%swap3A_380, %swap3A_381] {strides = array<i32>} : memref<1024x64xbf16, #tpu.memory_space<vmem>>, vector<1x32xbf16>,
      %swap3A_383 = vector.shape_cast %swap3A_382 : vector<1x32xbf16> to vector<32xbf16>
      %swap3A_384 = vector.shape_cast %mul3A_377 : vector<32xbf16> to vector<1x32xbf16>
      tpu.vector_store %arg8[%swap3A_380, %swap3A_381], %swap3A_384 {strides = array<i32>} : memref<1024x64xbf16, #tpu.memory_space<vmem>>, vector<1x32xbf16>,
      %add3A_385 = arith.constant 3 : i32
      %add3A_386 = arith.addi %add3A_266, %add3A_385 : i32
      %get3A_387 = arith.index_cast %add3A_386 : i32 to index
      %get3A_388 = arith.constant 0 : index
      %get3A_389 = tpu.vector_load %arg8[%get3A_387, %get3A_388] {strides = array<i32>} : memref<1024x64xbf16, #tpu.memory_space<vmem>>, vector<1x32xbf16>,
      %get3A_390 = vector.shape_cast %get3A_389 : vector<1x32xbf16> to vector<32xbf16>
      %add3A_391 = arith.constant 3 : i32
      %add3A_392 = arith.addi %add3A_266, %add3A_391 : i32
      %get3A_393 = arith.index_cast %add3A_392 : i32 to index
      %get3A_394 = arith.constant 0 : index
      %get3A_395 = tpu.vector_load %arg9[%get3A_393, %get3A_394] {strides = array<i32>} : memref<1024x64xbf16, #tpu.memory_space<vmem>>, vector<1x32xbf16>,
      %get3A_396 = vector.shape_cast %get3A_395 : vector<1x32xbf16> to vector<32xbf16>
      %mul3A_397 = arith.mulf %get3A_390, %get3A_396 : vector<32xbf16>
      %add3A_398 = arith.constant 3 : i32
      %add3A_399 = arith.addi %add3A_266, %add3A_398 : i32
      %swap3A_400 = arith.index_cast %add3A_399 : i32 to index
      %swap3A_401 = arith.constant 0 : index
      %swap3A_402 = tpu.vector_load %arg8[%swap3A_400, %swap3A_401] {strides = array<i32>} : memref<1024x64xbf16, #tpu.memory_space<vmem>>, vector<1x32xbf16>,
      %swap3A_403 = vector.shape_cast %swap3A_402 : vector<1x32xbf16> to vector<32xbf16>
      %swap3A_404 = vector.shape_cast %mul3A_397 : vector<32xbf16> to vector<1x32xbf16>
      tpu.vector_store %arg8[%swap3A_400, %swap3A_401], %swap3A_404 {strides = array<i32>} : memref<1024x64xbf16, #tpu.memory_space<vmem>>, vector<1x32xbf16>,
      %add3A_405 = arith.constant 3 : i32
      %add3A_406 = arith.addi %add3A_266, %add3A_405 : i32
      %get3A_407 = arith.index_cast %add3A_406 : i32 to index
      %get3A_408 = arith.constant 32 : index
      %get3A_409 = tpu.vector_load %arg8[%get3A_407, %get3A_408] {strides = array<i32>} : memref<1024x64xbf16, #tpu.memory_space<vmem>>, vector<1x32xbf16>,
      %get3A_410 = vector.shape_cast %get3A_409 : vector<1x32xbf16> to vector<32xbf16>
      %add3A_411 = arith.constant 3 : i32
      %add3A_412 = arith.addi %add3A_266, %add3A_411 : i32
      %get3A_413 = arith.index_cast %add3A_412 : i32 to index
      %get3A_414 = arith.constant 32 : index
      %get3A_415 = tpu.vector_load %arg9[%get3A_413, %get3A_414] {strides = array<i32>} : memref<1024x64xbf16, #tpu.memory_space<vmem>>, vector<1x32xbf16>,
      %get3A_416 = vector.shape_cast %get3A_415 : vector<1x32xbf16> to vector<32xbf16>
      %mul3A_417 = arith.mulf %get3A_410, %get3A_416 : vector<32xbf16>
      %add3A_418 = arith.constant 3 : i32
      %add3A_419 = arith.addi %add3A_266, %add3A_418 : i32
      %swap3A_420 = arith.index_cast %add3A_419 : i32 to index
      %swap3A_421 = arith.constant 32 : index
      %swap3A_422 = tpu.vector_load %arg8[%swap3A_420, %swap3A_421] {strides = array<i32>} : memref<1024x64xbf16, #tpu.memory_space<vmem>>, vector<1x32xbf16>,
      %swap3A_423 = vector.shape_cast %swap3A_422 : vector<1x32xbf16> to vector<32xbf16>
      %swap3A_424 = vector.shape_cast %mul3A_417 : vector<32xbf16> to vector<1x32xbf16>
      tpu.vector_store %arg8[%swap3A_420, %swap3A_421], %swap3A_424 {strides = array<i32>} : memref<1024x64xbf16, #tpu.memory_space<vmem>>, vector<1x32xbf16>,
    }
    %scan3A_209 = arith.constant 64 : i32
    %add3A_210 = arith.constant 768 : i32
    %add3A_211 = arith.addi %mul3A_0, %add3A_210 : i32
    %dma_start3A_212 = arith.constant 768 : i32
    %dma_start3A_213 = arith.constant 0 : i32
    %dma_start3A_214 = tpu.memref_slice %arg8[%dma_start3A_212, %dma_start3A_213] : memref<1024x64xbf16, #tpu.memory_space<vmem>> -> memref<256x64xbf16, #tpu.memory_space<vmem>>
    %dma_start3A_215 = arith.constant 0 : i32
    %dma_start3A_216 = tpu.memref_slice %arg4[%add3A_211, %dma_start3A_215] : memref<16384x64xbf16, #tpu.memory_space<hbm>> -> memref<256x64xbf16, #tpu.memory_space<hbm>>
    %dma_start3A_217 = arith.constant 0 : i32
    %dma_start3A_218 = tpu.memref_slice %arg4[%add3A_211, %dma_start3A_217] : memref<16384x64xbf16, #tpu.memory_space<hbm>> -> memref<256x64xbf16, #tpu.memory_space<hbm>>
    %dma_start3A_219 = arith.constant 768 : i32
    %dma_start3A_220 = arith.constant 0 : i32
    %dma_start3A_221 = tpu.memref_slice %arg8[%dma_start3A_219, %dma_start3A_220] : memref<1024x64xbf16, #tpu.memory_space<vmem>> -> memref<256x64xbf16, #tpu.memory_space<vmem>>
    tpu.enqueue_dma source(%dma_start3A_221 : memref<256x64xbf16, #tpu.memory_space<vmem>>) target(%dma_start3A_218 : memref<256x64xbf16, #tpu.memory_space<hbm>>) target_semaphore(%arg14 : memref<!tpu.dma_semaphore, #tpu.memory_space<semaphore_mem>>)
    %dma_wait3A_222 = arith.constant 0 : i32
    %dma_wait3A_223 = arith.constant 0 : i32
    %dma_wait3A_224 = tpu.memref_slice %arg8[%dma_wait3A_222, %dma_wait3A_223] : memref<1024x64xbf16, #tpu.memory_space<vmem>> -> memref<256x64xbf16, #tpu.memory_space<vmem>>
    %dma_wait3A_225 = arith.constant 0 : i32
    %dma_wait3A_226 = tpu.memref_slice %arg4[%add3A_109, %dma_wait3A_225] : memref<16384x64xbf16, #tpu.memory_space<hbm>> -> memref<256x64xbf16, #tpu.memory_space<hbm>>
    %dma_wait3A_227 = arith.constant 0 : i32
    %dma_wait3A_228 = tpu.memref_slice %arg4[%add3A_109, %dma_wait3A_227] : memref<16384x64xbf16, #tpu.memory_space<hbm>> -> memref<256x64xbf16, #tpu.memory_space<hbm>>
    %dma_wait3A_229 = arith.constant 0 : i32
    %dma_wait3A_230 = arith.constant 0 : i32
    %dma_wait3A_231 = tpu.memref_slice %arg8[%dma_wait3A_229, %dma_wait3A_230] : memref<1024x64xbf16, #tpu.memory_space<vmem>> -> memref<256x64xbf16, #tpu.memory_space<vmem>>
    tpu.wait_dma2 semaphore(%arg14 : memref<!tpu.dma_semaphore, #tpu.memory_space<semaphore_mem>>) src(%dma_wait3A_231 : memref<256x64xbf16, #tpu.memory_space<vmem>>) dst(%dma_wait3A_228 : memref<256x64xbf16, #tpu.memory_space<hbm>>)
    %dma_wait3A_232 = arith.constant 256 : i32
    %dma_wait3A_233 = arith.constant 0 : i32
    %dma_wait3A_234 = tpu.memref_slice %arg8[%dma_wait3A_232, %dma_wait3A_233] : memref<1024x64xbf16, #tpu.memory_space<vmem>> -> memref<256x64xbf16, #tpu.memory_space<vmem>>
    %dma_wait3A_235 = arith.constant 0 : i32
    %dma_wait3A_236 = tpu.memref_slice %arg4[%add3A_143, %dma_wait3A_235] : memref<16384x64xbf16, #tpu.memory_space<hbm>> -> memref<256x64xbf16, #tpu.memory_space<hbm>>
    %dma_wait3A_237 = arith.constant 0 : i32
    %dma_wait3A_238 = tpu.memref_slice %arg4[%add3A_143, %dma_wait3A_237] : memref<16384x64xbf16, #tpu.memory_space<hbm>> -> memref<256x64xbf16, #tpu.memory_space<hbm>>
    %dma_wait3A_239 = arith.constant 256 : i32
    %dma_wait3A_240 = arith.constant 0 : i32
    %dma_wait3A_241 = tpu.memref_slice %arg8[%dma_wait3A_239, %dma_wait3A_240] : memref<1024x64xbf16, #tpu.memory_space<vmem>> -> memref<256x64xbf16, #tpu.memory_space<vmem>>
    tpu.wait_dma2 semaphore(%arg14 : memref<!tpu.dma_semaphore, #tpu.memory_space<semaphore_mem>>) src(%dma_wait3A_241 : memref<256x64xbf16, #tpu.memory_space<vmem>>) dst(%dma_wait3A_238 : memref<256x64xbf16, #tpu.memory_space<hbm>>)
    %dma_wait3A_242 = arith.constant 512 : i32
    %dma_wait3A_243 = arith.constant 0 : i32
    %dma_wait3A_244 = tpu.memref_slice %arg8[%dma_wait3A_242, %dma_wait3A_243] : memref<1024x64xbf16, #tpu.memory_space<vmem>> -> memref<256x64xbf16, #tpu.memory_space<vmem>>
    %dma_wait3A_245 = arith.constant 0 : i32
    %dma_wait3A_246 = tpu.memref_slice %arg4[%add3A_177, %dma_wait3A_245] : memref<16384x64xbf16, #tpu.memory_space<hbm>> -> memref<256x64xbf16, #tpu.memory_space<hbm>>
    %dma_wait3A_247 = arith.constant 0 : i32
    %dma_wait3A_248 = tpu.memref_slice %arg4[%add3A_177, %dma_wait3A_247] : memref<16384x64xbf16, #tpu.memory_space<hbm>> -> memref<256x64xbf16, #tpu.memory_space<hbm>>
    %dma_wait3A_249 = arith.constant 512 : i32
    %dma_wait3A_250 = arith.constant 0 : i32
    %dma_wait3A_251 = tpu.memref_slice %arg8[%dma_wait3A_249, %dma_wait3A_250] : memref<1024x64xbf16, #tpu.memory_space<vmem>> -> memref<256x64xbf16, #tpu.memory_space<vmem>>
    tpu.wait_dma2 semaphore(%arg14 : memref<!tpu.dma_semaphore, #tpu.memory_space<semaphore_mem>>) src(%dma_wait3A_251 : memref<256x64xbf16, #tpu.memory_space<vmem>>) dst(%dma_wait3A_248 : memref<256x64xbf16, #tpu.memory_space<hbm>>)
    %dma_wait3A_252 = arith.constant 768 : i32
    %dma_wait3A_253 = arith.constant 0 : i32
    %dma_wait3A_254 = tpu.memref_slice %arg8[%dma_wait3A_252, %dma_wait3A_253] : memref<1024x64xbf16, #tpu.memory_space<vmem>> -> memref<256x64xbf16, #tpu.memory_space<vmem>>
    %dma_wait3A_255 = arith.constant 0 : i32
    %dma_wait3A_256 = tpu.memref_slice %arg4[%add3A_211, %dma_wait3A_255] : memref<16384x64xbf16, #tpu.memory_space<hbm>> -> memref<256x64xbf16, #tpu.memory_space<hbm>>
    %dma_wait3A_257 = arith.constant 0 : i32
    %dma_wait3A_258 = tpu.memref_slice %arg4[%add3A_211, %dma_wait3A_257] : memref<16384x64xbf16, #tpu.memory_space<hbm>> -> memref<256x64xbf16, #tpu.memory_space<hbm>>
    %dma_wait3A_259 = arith.constant 768 : i32
    %dma_wait3A_260 = arith.constant 0 : i32
    %dma_wait3A_261 = tpu.memref_slice %arg8[%dma_wait3A_259, %dma_wait3A_260] : memref<1024x64xbf16, #tpu.memory_space<vmem>> -> memref<256x64xbf16, #tpu.memory_space<vmem>>
    tpu.wait_dma2 semaphore(%arg14 : memref<!tpu.dma_semaphore, #tpu.memory_space<semaphore_mem>>) src(%dma_wait3A_261 : memref<256x64xbf16, #tpu.memory_space<vmem>>) dst(%dma_wait3A_258 : memref<256x64xbf16, #tpu.memory_space<hbm>>)
    return
  }
}

</mosaic_0001>

<sc_bundles>
// kernel: kernel.3.cloned.1.call-start
scs
__scs_entry_jumppad:
0x0: {  	(pc) =	sbr.rel $0x88, $3  }
0x1: {  	(tag) =	ssettag $0x0;
	lr =	simm.s32 $0x1  }
0x2: {  	[smem:$0x3F9E] =	sst lr;
	_ =	strace $0xD0000000  }
0x3: {  	_ = 	snop  }
0x4: {  	_ = 	snop  }
0x5: {  	_ = 	snop  }
0x6: {  	_ = 	snop  }
0x7: {  	_ = 	snop  }
__scs_overlays_trampoline_lowered:
0x8: {  	[smem:$0x3FAD] =	sst s0  }
0x9: {  	[smem:$0x3FAE] =	sst s1  }
0xa: {  	[smem:$0x3FAF] =	sst s2  }
0xb: {  	[smem:$0x3FB0] =	sst s3  }
0xc: {  	[smem:$0x3FB1] =	sst s4  }
0xd: {  	[smem:$0x3FB2] =	sst s5  }
0xe: {  	[smem:$0x3FB3] =	sst s6  }
0xf: {  	[smem:$0x3FB4] =	sst s7  }
0x10: {  	[smem:$0x3FB5] =	sst s8  }
0x11: {  	[smem:$0x3FB6] =	sst s9;
	s0 =	simm.s32 @!p0 $0x0  }
0x12: {  	s1 =	sld [smem:$0x3F9C];
	s0 =	simm.s32 @p0 $0x1  }
0x13: {  	[smem:$0x3FB7] =	sst s0;
	s0 =	simm.s32 @!p1 $0x0  }
0x14: {  	s2 =	sld [smem:$0x3F9B];
	s0 =	simm.s32 @p1 $0x1  }
0x15: {  	[smem:$0x3FB8] =	sst s0;
	s0 =	simm.s32 @!p2 $0x0  }
0x16: {  	s3 =	sld [smem:$0x3FDB];
	s0 =	simm.s32 @p2 $0x1  }
0x17: {  	s4 =	simm.s32 $0x1BF5;
	[smem:$0x3FBA] =	sst s0  }
0x18: {  	s0 =	sld [smem:$0x3F9D];
	_ =	swait.ge [sflag:s4], $0x0  }
0x19: {  	s7 =	sld [smem:$0x3F9E]  }
0x1a: {  	s8 =	sadd.s32 $0xFFFFE003, lr  }
0x1b: {  	s9 =	sadd.s32 $0xFFFFFEF7, lr;
	s5 =	simm.s32 $0xFFFFFFFF;
	p2 =	slt.u32 s8, $0xFFFFF086  }
0x1c: {  	p1 =	slt.u32 s9, $0xF7A;
	s5 =	simm.s32 @!p2 $0x0  }
0x1d: {  	s5 =	simm.s32 @p1 $0x1;
	p0 =	seq.s32 s7, s2  }
0x1e: {  	s7 =	smul.u32 @!p0 $0xF7A, s2;
	p2 =	seq.s32 @!p0 s5, $0x0  }
0x1f: {  	s9 =	smul.u32 $0xF7A, s1;
	s8 =	simm.s32 @!p0 $0x1BF5;
	p2 =	por !p2, p0  }
0x20: {  	[sflag:s8] =	ssyncset.s32 @!p0 $0xFFFFF086;
	s6 =	sadd.s32 @!p0 s3, s7;
	s7 =	simm.s32 @!p0 $0x108  }
0x21: {  	s3 =	sadd.s32 s3, s9;
	s6 =	sadd.s32 @!p0 $0x88, s6;
	s7 =	simm.s32 @p2 $0x1082  }
0x22: {  	[simem:s7], [sflag:s8] =	dma.local @!p0 [hbm:s6], $0xF7A  }
0x23: {  	s9 =	sor.u32 $0xD0000000, s2;
	s6 =	simm.s32 $0x108;
	_ =	swait.ge @!p0 [sflag:s8], $0x0  }
0x24: {  	s3 =	sadd.s32 $0x88, s3;
	s6 =	simm.s32 @!p1 $0x1082;
	[sflag:s4] =	ssyncset.s32 $0xFFFFF086  }
0x25: {  	[simem:s6], [sflag:s4] =	dma.local [hbm:s3], $0xF7A  }
0x26: {  	[smem:$0x3F9E] =	sst s1;
	(tag) =	ssettag s2;
	_ =	strace s9  }
0x27: {  	s1 =	sld [smem:$0x3FAE]  }
0x28: {  	s2 =	sld [smem:$0x3FAF]  }
0x29: {  	s4 =	sld [smem:$0x3FB1]  }
0x2a: {  	p0 =	seq.s32 s5, $0x0;
	s5 =	sld [smem:$0x3FB2]  }
0x2b: {  	s6 =	sld [smem:$0x3FB3]  }
0x2c: {  	s7 =	sld [smem:$0x3FB4]  }
0x2d: {  	s3 =	simm.s32 $0x108;
	s8 =	sld [smem:$0x3FB5]  }
0x2e: {  	s3 =	simm.s32 @!p0 $0x1082;
	s9 =	sld [smem:$0x3FB6]  }
0x2f: {  	lr =	sadd.s32 s0, s3;
	s0 =	sld [smem:$0x3FAD]  }
0x30: {  	s3 =	sld [smem:$0x3FB0]  }
0x31: {  	[smem:$0x3FB9] =	sst s10  }
0x32: {  	s10 =	sld [smem:$0x3FB7];
	_ =	sdelay $0x3  }
0x33: {  	p0 =	seq.s32 s10, $0x1;
	s10 =	sld [smem:$0x3FB9];
	_ =	sdelay $0x3  }
0x34: {  	[smem:$0x3FB9] =	sst s10  }
0x35: {  	s10 =	sld [smem:$0x3FB8];
	_ =	sdelay $0x3  }
0x36: {  	p1 =	seq.s32 s10, $0x1;
	s10 =	sld [smem:$0x3FB9];
	_ =	sdelay $0x3  }
0x37: {  	[smem:$0x3FB9] =	sst s10  }
0x38: {  	s10 =	sld [smem:$0x3FBA]  }
0x39: {  	_ = 	snop;
	(pc) =	sbr.ind lr, $3  }
0x3a: {  	_ = 	snop  }
0x3b: {  	_ = 	snop  }
0x3c: {  	p2 =	seq.s32 s10, $0x1;
	s10 =	sld [smem:$0x3FB9]  }
0x3d: {  	_ =	shalt  }
0x3e: {  	_ =	shalt  }
0x3f: {  	_ =	shalt  }
0x40: {  	_ =	shalt  }
0x41: {  	_ =	shalt  }
0x42: {  	_ =	shalt  }
0x43: {  	_ =	shalt  }
0x44: {  	_ =	shalt  }
0x45: {  	_ =	shalt  }
0x46: {  	_ =	shalt  }
0x47: {  	_ =	shalt  }
0x48: {  	_ =	shalt  }
0x49: {  	_ =	shalt  }
0x4a: {  	_ =	shalt  }
0x4b: {  	_ =	shalt  }
0x4c: {  	_ =	shalt  }
0x4d: {  	_ =	shalt  }
0x4e: {  	_ =	shalt  }
0x4f: {  	_ =	shalt  }
0x50: {  	_ =	shalt  }
0x51: {  	_ =	shalt  }
0x52: {  	_ =	shalt  }
0x53: {  	_ =	shalt  }
0x54: {  	_ =	shalt  }
0x55: {  	_ =	shalt  }
0x56: {  	_ =	shalt  }
0x57: {  	_ =	shalt  }
0x58: {  	_ =	shalt  }
0x59: {  	_ =	shalt  }
0x5a: {  	_ =	shalt  }
0x5b: {  	_ =	shalt  }
0x5c: {  	_ =	shalt  }
0x5d: {  	_ =	shalt  }
0x5e: {  	_ =	shalt  }
0x5f: {  	_ =	shalt  }
0x60: {  	_ =	shalt  }
0x61: {  	_ =	shalt  }
0x62: {  	_ =	shalt  }
0x63: {  	_ =	shalt  }
0x64: {  	_ =	shalt  }
0x65: {  	_ =	shalt  }
0x66: {  	_ =	shalt  }
0x67: {  	_ =	shalt  }
0x68: {  	_ =	shalt  }
0x69: {  	_ =	shalt  }
0x6a: {  	_ =	shalt  }
0x6b: {  	_ =	shalt  }
0x6c: {  	_ =	shalt  }
0x6d: {  	_ =	shalt  }
0x6e: {  	_ =	shalt  }
0x6f: {  	_ =	shalt  }
0x70: {  	_ =	shalt  }
0x71: {  	_ =	shalt  }
0x72: {  	_ =	shalt  }
0x73: {  	_ =	shalt  }
0x74: {  	_ =	shalt  }
0x75: {  	_ =	shalt  }
0x76: {  	_ =	shalt  }
0x77: {  	_ =	shalt  }
0x78: {  	_ =	shalt  }
0x79: {  	_ =	shalt  }
0x7a: {  	_ =	shalt  }
0x7b: {  	_ =	shalt  }
0x7c: {  	_ =	shalt  }
0x7d: {  	_ =	shalt  }
0x7e: {  	_ =	shalt  }
0x7f: {  	_ =	shalt  }
0x80: {  	_ =	shalt  }
0x81: {  	_ =	shalt  }
0x82: {  	_ =	shalt  }
0x83: {  	_ =	shalt  }
0x84: {  	_ =	shalt  }
0x85: {  	_ =	shalt  }
0x86: {  	_ =	shalt  }
0x87: {  	_ =	shalt  }
.Lfunc_end0:
.L_simem_size_0:
called_computation_lowered:
.L_overlay_start_0:
0x88: {  	s0 =	sld [smem:$0x3FD9]  }
0x89: {  	s1 =	sld [smem:$0x3FFE];
	_ =	sdelay $0x3  }
0x8a: {  	s0 =	sadd.s32 s1, s0  }
0x8b: {  	[smem:$0x3FC5] =	sst s0  }
0x8c: {  	_ = 	snop  }
0x8d: {  	s0 =	sld [smem:$0x3FC9]  }
0x8e: {  	s16 =	sld [smem:$0x3FD0];
	(tm) =	ssettm $0x1  }
0x8f: {  	s2 =	sld [smem:$0x3FFB];
	_ =	sdelay $0x3  }
0x90: {  	_ =	strace s2  }
0x91: {  	s2 =	sld [smem:$0x3FFC];
	_ =	sdelay $0x3  }
0x92: {  	_ =	strace s2  }
0x93: {  	s2 =	sld [smem:$0x3FFD];
	_ =	sdelay $0x3  }
0x94: {  	_ =	strace s2  }
0x95: {  	_ =	strace $0x8FFFFFFF  }
0x96: {  	s17 =	sld [smem:$0x3FDB];
	_ =	sdelay $0x1  }
0x97: {  	s3 =	simm.s32 $_scs_section_size  }
0x98: {  	s4 =	simm.s32 $_size__tile_overlayer_lowered;
	s5 =	simm.s32 $_tile_overlayer_lowered  }
0x99: {  	s20 =	simm.s32 $0x1BFF;
	s19 =	sshll.u32 s5, $0x1;
	s2 =	sadd.s32 s3, s17  }
0x9a: {  	s6 =	simm.s32 $0x0;
	s18 =	sshll.u32 s4, $0x1;
	s4 =	sadd.s32 s19, s2  }
0x9b: {  	[timem:s6], [sflag:s20] =	dma.local [hbm:s4], s18  }
0x9c: {  	_ =	swait.ge [sflag:s20], s18  }
0x9d: {  	s3 =	ssub.s32 $0x0, s18;
	[sflag:s20] =	ssyncset.done $0x0  }
0x9e: {  	[sflag:s20] =	ssyncadd.s32 s3;
	_ =	sdelay $0x1  }
0x9f: {  	s21 =	simm.s32 $0x1B8B  }
0xa0: {  	_ =	swait.ge [sflag:s21], $0x1  }
0xa1: {  	[sflag:s21] =	ssyncset.done $0x0  }
0xa2: {  	s23 =	simm.s32 $0x1B8E;
	s22 =	sld [smem:$0x3FFE];
	[sflag:s21] =	ssyncadd.s32 $0xFFFFFFFF  }
0xa3: {  	s24 =	simm.s32 $execute0_lowered;
	[smem:$0x3FD2] =	sst s23  }
0xa4: {  	s4 =	sshll.u32 s24, $0x1;
	_ =	strace $0x80000046;
	[dreg:$0x1] =	wrdreg $0xFFFFFFFF  }
0xa5: {  	s25 =	simm.s32 $_size_execute0_lowered;
	s2 =	sadd.s32 s2, s4;
	[dreg:$0x0] =	wrdreg $0x0  }
0xa6: {  	s4 =	sshll.u32 s25, $0x1;
	[dreg:$0x2] =	wrdreg s2  }
0xa7: {  	[dreg:$0x3] =	wrdreg s4  }
0xa8: {  	[dreg:$0x4] =	wrdreg $0xC0  }
0xa9: {  	_ =	task [dreg:s6], $0x5FFFF  }
0xaa: {  	[dreg:$0x1] =	wrdreg $0xFFFFFFFF  }
0xab: {  	[dreg:$0x0] =	wrdreg $0x60  }
0xac: {  	[dreg:$0x2] =	wrdreg s0  }
0xad: {  	[dreg:$0x3] =	wrdreg s22  }
0xae: {  	[dreg:$0x4] =	wrdreg s16  }
0xaf: {  	[dreg:$0x5] =	wrdreg $0x9  }
0xb0: {  	_ =	task.clear_ibuf [dreg:s6], $0x6FFFF;
	_ =	strace $0x90000046  }
0xb1: {  	s26 =	simm.s32 $0x9;
	_ =	strace $0x80000048  }
0xb2: {  	_ =	swait.ge [sflag:s26], $0x1  }
0xb3: {  	[sflag:s26] =	ssyncadd.s32 $0xFFFFFFFF  }
0xb4: {  	_ =	strace $0x90000048  }
0xb5: {  	_ =	sfence  }
0xb6: {  	s28 =	sld [smem:$0x0];
	_ =	sdelay $0x1  }
0xb7: {  	s29 =	srdreg.scid  }
0xb8: {  	s30 =	sshll.u32 s29, $0xD;
	s31 =	sshrl.u32 s29, $0x2  }
0xb9: {  	s1 =	sand.u32 $0x1, s29;
	s2 =	sand.u32 $0x4000, s30;
	s0 =	sadd.s32 s31, s28  }
0xba: {  	s1 =	sor.u32 s2, s1;
	s0 =	sshll.u32 s0, $0x11  }
0xbb: {  	s0 =	sor.u32 s0, s1  }
0xbc: {  	s0 =	sadd.s32 $0x8F2B, s0  }
0xbd: {  	[sflag:s0] =	ssyncadd.remote.s32 $0x1  }
0xbe: {  	_ =	sfence.sel $0xFFFF  }
0xbf: {  	[dreg:$0x0] =	wrdreg $0xFFFFFFFF;
	(pc) =	sbr.abs _section_cstart, $3  }
0xc0: {  	[dreg:$0x1] =	wrdreg $0xFFFFFFFF  }
0xc1: {  	_ =	task.clear_ibuf [dreg:s6], $0x2FFFF;
	_ =	strace $0x9FFFFFFF  }
0xc2: {  	(tm) =	ssettm $0x7FFFFFFF  }
0xc3: {  	_ =	shalt  }
tec
execute0_lowered:
.L_overlay_start_1:
0x0: {  	(tag) =	ssettag $0x1  }
0x1: {  	s0 =	rddreg [dreg:$0x0]  }
0x2: {  	s2 =	rddreg [dreg:$0x1];
	s3 =	simm.s32 $0x0;
	s1 =	stileid.u32  }
0x3: {  	[smem:$0x7FF] =	sst s3;
	s4 =	sshll.u32 s1, $0x7  }
0x4: {  	s23 =	simm.s32 $0x6;
	_ =	strace $0x80000047;
	s0 =	sadd.s32 s0, s4  }
0x5: {  	[tilespmem:s3], [sflag:$0x6] =	stream.linear.gather [hbm4b:s0+s3], $0x400, $0x38;
	[tilespmem:$0x10C00] =	vst v63  }
0x6: {  	_ =	swait.ge [sflag:s23], $0x400  }
0x7: {  	[sflag:s23] =	ssyncset.done $0x0  }
0x8: {  	s24 =	simm.s32 $0x0;
	[sflag:s23] =	ssyncadd.s32 $0xFFFFFC00  }
0x9: {  	v0 =	vld [tilespmem:s24+$0x0];
	_ =	sdelay $0x4  }
0xa: {  	(v2sf) =	vpush v0, $0x0  }
0xb: {  	(v2sf) =	vpush v0, $0x5  }
0xc: {  	(v2sf) =	vpush v0, $0x1  }
0xd: {  	(v2sf) =	vpush v0, $0x2;
	_ =	sdelay $0x1  }
0xe: {  	(v2sf) =	vpush v0, $0x7;
	_ =	sdelay $0x2  }
0xf: {  	(v2sf) =	vpush v0, $0x3  }
0x10: {  	(v2sf) =	vpush v0, $0x4  }
0x11: {  	(v2sf) =	vpush v0, $0xC  }
0x12: {  	(v2sf) =	vpush v0, $0xD  }
0x13: {  	(v2sf) =	vpush v0, $0xE  }
0x14: {  	(v2sf) =	vpush v0, $0x6  }
0x15: {  	(v2sf) =	vpush v0, $0xF  }
0x16: {  	(v2sf) =	vpush v0, $0x8;
	s26 =	spop (v2sf)  }
0x17: {  	s7 =	spop (v2sf);
	s14 =	smulhi.u32 $0x10624DD3, s26;
	s0 =	sshra.s32 s26, $0x1F  }
0x18: {  	(v2sf) =	vpush v0, $0x9;
	s5 =	spop (v2sf);
	s0 =	smul.u32 $0x10624DD3, s0  }
0x19: {  	s6 =	smulhi.u32 $0x10624DD3, s5;
	s8 =	spop (v2sf)  }
0x1a: {  	s25 =	simm.s32 $0x0;
	s5 =	sshra.s32 s5, $0x1F;
	s4 =	smulhi.u32 $0x10624DD3, s8  }
0x1b: {  	s3 =	sadd.s32 $0x400, s2;
	s9 =	spop (v2sf);
	s5 =	smul.u32 $0x10624DD3, s5  }
0x1c: {  	[dreg:$0x4] =	wrdreg s25;
	s8 =	sshra.s32 s8, $0x1F;
	s10 =	smulhi.u32 $0x10624DD3, s9  }
0x1d: {  	[dreg:$0xb] =	wrdreg s3;
	s9 =	sshra.s32 s9, $0x1F;
	s8 =	smul.u32 $0x10624DD3, s8  }
0x1e: {  	(v2sf) =	vpush v0, $0xB;
	s12 =	spop (v2sf);
	s9 =	smul.u32 $0x10624DD3, s9  }
0x1f: {  	s11 =	simm.s32 $0x80;
	s16 =	spop (v2sf);
	s19 =	smulhi.u32 $0x10624DD3, s12  }
0x20: {  	s20 =	sshra.s32 s12, $0x1F;
	s15 =	spop (v2sf);
	s13 =	sshra.s32 s16, $0x1F  }
0x21: {  	s18 =	sadd.s32 s5, s6;
	s17 =	spop (v2sf);
	s13 =	smul.u32 $0x10624DD3, s13  }
0x22: {  	s2 =	sadd.s32 s8, s4;
	s26 =	smulhi.u32 $0x10624DD3, s15;
	s21 =	spop (v2sf)  }
0x23: {  	s24 =	sshra.s32 s15, $0x1F;
	s22 =	smulhi.u32 $0x10624DD3, s17;
	s25 =	spop (v2sf)  }
0x24: {  	s17 =	sshra.s32 s17, $0x1F;
	s12 =	smul.u32 $0x10624DD3, s24;
	s23 =	spop (v2sf)  }
0x25: {  	(v2sf) =	vpush v0, $0xA;
	s24 =	sshra.s32 s2, $0x6;
	s6 =	smul.u32 $0x10624DD3, s17;
	s17 =	spop (v2sf)  }
0x26: {  	[dreg:$0x8] =	wrdreg s24;
	s8 =	sadd.s32 s12, s26;
	s24 =	smulhi.u32 $0x10624DD3, s17  }
0x27: {  	s1 =	spop (v2sf);
	s26 =	sshra.s32 s17, $0x1F;
	s17 =	smulhi.u32 $0x10624DD3, s25  }
0x28: {  	s5 =	sadd.s32 s9, s10;
	s10 =	sshra.s32 s2, $0x1F;
	s4 =	smulhi.u32 $0x10624DD3, s1  }
0x29: {  	s22 =	sadd.s32 s6, s22;
	s3 =	sshra.s32 s1, $0x1F;
	s1 =	smul.u32 $0x10624DD3, s20  }
0x2a: {  	v1 =	vimm.s32 $0xECA86420;
	s6 =	simm.s32 $0x10;
	s26 =	smul.u32 $0x10624DD3, s26;
	s20 =	sshra.s32 s23, $0x1F  }
0x2b: {  	vm10 =	vcmask $0xB08;
	vm2 =	vcmask $0x1310;
	vm3 =	vcmask $0x1B18;
	s9 =	smul.u32 $0x10624DD3, s3;
	s3 =	sshra.s32 s8, $0x6;
	s15 =	sadd.s32 s1, s19  }
0x2c: {  	vm11 =	vcmask $0x300;
	vm6 =	vcmask $0x2320;
	v2 =	vmov s3;
	s1 =	smul.u32 $0x10624DD3, s20;
	s3 =	sshra.s32 s25, $0x1F;
	s20 =	sshrl.u32 s18, $0x1F  }
0x2d: {  	vm5 =	vcmask $0x2B28;
	vm4 =	vcmask $0x3330;
	vm1 =	vcmask $0x3B38;
	v3 =	vld [tilespmem:s6+$0x0];
	s28 =	spop (v2sf);
	s19 =	sshra.s32 s7, $0x1F;
	s12 =	sadd.s32 s9, s4  }
0x2e: {  	vm0 =	vmmov $0xff;
	vm15 =	vcmask $0x704;
	vm14 =	vcmask $0xF0C;
	s9 =	sshrl.u32 s2, $0x1F;
	s4 =	sshrl.u32 s8, $0x1F;
	s8 =	sshra.s32 s22, $0x6  }
0x2f: {  	vm13 =	vcmask $0x1714;
	vm12 =	vcmask $0x1F1C;
	vm9 =	vcmask $0x2724;
	s2 =	sadd.s32 s26, s24;
	s26 =	smulhi.u32 $0x10624DD3, s23;
	s24 =	sadd.s32 s0, s14  }
0x30: {  	vm8 =	vcmask $0x2F2C;
	vm7 =	vcmask $0x3734;
	v1 =	vunpack.c.l.s4.s8 v1;
	s0 =	sshra.s32 s21, $0x1F;
	s23 =	smulhi.u32 $0x10624DD3, s21;
	s21 =	sshra.s32 s18, $0x6  }
0x31: {  	s31 =	smul.u32 $0x10624DD3, s3;
	s29 =	sshra.s32 s28, $0x1F;
	v5 =	vmov s4;
	v4 =	vsel vm10, s8, v2;
	v2 =	vlaneseq.u32;
	s4 =	sshrl.u32 s22, $0x1F  }
0x32: {  	v1 =	vunpack.c.0.s8.s32 v1;
	s8 =	sshra.s32 s5, $0x1F;
	s22 =	sshrl.u32 s2, $0x1F;
	(v2sf) =	vpush v3, $0x0;
	s30 =	smul.u32 $0x10624DD3, s0;
	v2 =	vmul.u32 $0x2, v2  }
0x33: {  	s25 =	sshra.s32 s24, $0x6;
	v5 =	vsel vm10, s4, v5;
	s14 =	sadd.s32 s1, s26;
	v7 =	vmov s8;
	s26 =	smulhi.u32 $0x10624DD3, s16;
	(v2sf) =	vpush v3, $0x5  }
0x34: {  	v6 =	vmov s22;
	s22 =	sshra.s32 s18, $0x1F;
	v7 =	vsel vm11, s25, v7;
	s25 =	sshra.s32 s2, $0x6;
	(v2sf) =	vpush v3, $0x1;
	s2 =	spop (v2sf)  }
.LBB2_1:
0x35: {  	s1 =	sshrl.u32 s15, $0x1F;
	s0 =	sadd.s32 s13, s26  }
0x36: {  	(v2sf) =	vpush v3, $0x2;
	s18 =	smov.u32 s11;
	s3 =	rddreg [dreg:$0x4];
	s26 =	smov.u32 s6  }
0x37: {  	s4 =	sshra.s32 s12, $0x6;
	s16 =	sshra.s32 s24, $0x1F;
	s8 =	smulhi.u32 $0x10624DD3, s2  }
0x38: {  	v8 =	vmov s25;
	s25 =	sshra.s32 s2, $0x1F;
	s7 =	smulhi.u32 $0x10624DD3, s7;
	p0 =	sne.s32 s11, $0x3C0;
	(v2sf) =	vpush v3, $0x7  }
0x39: {  	s30 =	sadd.s32 s30, s23;
	s23 =	smov.u32 s3;
	s2 =	smul.u32 $0x10624DD3, s25  }
0x3a: {  	[dreg:$0x4] =	wrdreg s26;
	s26 =	sshrl.u32 s24, $0x1F;
	v8 =	vsel vm10, s4, v8;
	s25 =	smul.u32 $0x10624DD3, s29;
	(v2sf) =	vpush v3, $0x3  }
0x3b: {  	s6 =	sadd.s32 s31, s17;
	v7 =	vsel vm15, s16, v7;
	s4 =	smulhi.u32 $0x10624DD3, s28;
	v9 =	vmov s26;
	s3 =	sshra.s32 s30, $0x6;
	(v2sf) =	vpush v3, $0x4  }
0x3c: {  	s24 =	sshrl.u32 s0, $0x1F;
	v7 =	vsel vm10, s21, v7;
	s21 =	sshrl.u32 s30, $0x1F;
	s13 =	sshrl.u32 s6, $0x1F;
	v9 =	vnsel vm11, $0x0, v9;
	v4 =	vsel vm2, s3, v4  }
0x3d: {  	v7 =	vsel vm14, s22, v7;
	s2 =	sadd.s32 s2, s8;
	s22 =	rddreg [dreg:$0x8];
	s17 =	sadd.s32 s25, s4;
	v5 =	vsel vm2, s21, v5;
	(v2sf) =	vpush v3, $0xC  }
0x3e: {  	s4 =	smul.u32 $0x10624DD3, s19;
	s19 =	sshrl.u32 s12, $0x1F;
	s21 =	sshra.s32 s14, $0x6;
	v9 =	vsel vm10, s20, v9;
	v7 =	vsel vm2, s22, v7;
	(v2sf) =	vpush v3, $0xD  }
0x3f: {  	s8 =	sshrl.u32 s5, $0x1F;
	s26 =	sshra.s32 s2, $0x6;
	v6 =	vsel vm10, s19, v6;
	v4 =	vsel vm3, s21, v4;
	s2 =	sshrl.u32 s2, $0x1F;
	v9 =	vsel vm2, s9, v9  }
0x40: {  	s3 =	sshra.s32 s15, $0x6;
	s15 =	sshra.s32 s15, $0x1F;
	s20 =	sshra.s32 s0, $0x6;
	v7 =	vsel vm13, s10, v7;
	v8 =	vsel vm2, s26, v8;
	v6 =	vsel vm2, s2, v6  }
0x41: {  	s22 =	sshra.s32 s17, $0x6;
	s0 =	sshra.s32 s0, $0x1F;
	s25 =	sshrl.u32 s17, $0x1F;
	v9 =	vsel vm3, s1, v9;
	v7 =	vsel vm3, s3, v7;
	(v2sf) =	vpush v3, $0xE  }
0x42: {  	s19 =	sshra.s32 s5, $0x6;
	s1 =	sadd.s32 s4, s7;
	v8 =	vsel vm3, s22, v8;
	v7 =	vsel vm12, s15, v7;
	(v2sf) =	vpush v3, $0x6;
	s4 =	spop (v2sf)  }
0x43: {  	v6 =	vsel vm3, s25, v6;
	v4 =	vcombine.low v8, v4;
	s3 =	sshra.s32 s1, $0x6;
	s15 =	sshrl.u32 s14, $0x1F;
	v7 =	vsel vm6, s20, v7;
	s7 =	spop (v2sf)  }
0x44: {  	s17 =	sshrl.u32 s1, $0x1F;
	(v2sf) =	vpush v3, $0xF;
	v5 =	vsel vm3, s15, v5;
	v7 =	vsel vm9, s0, v7;
	s14 =	smulhi.u32 $0x10624DD3, s4;
	s20 =	spop (v2sf)  }
0x45: {  	s1 =	sshra.s32 s1, $0x1F;
	(v2sf) =	vpush v3, $0x8;
	v5 =	vcombine.low v6, v5;
	v6 =	vsel vm5, s3, v7;
	s21 =	smulhi.u32 $0x10624DD3, s20;
	s22 =	spop (v2sf)  }
0x46: {  	s26 =	sshra.s32 s6, $0x6;
	v9 =	vsel vm6, s24, v9;
	v6 =	vsel vm8, s1, v6;
	s5 =	sshra.s32 s20, $0x1F;
	s24 =	smulhi.u32 $0x10624DD3, s22  }
0x47: {  	s6 =	sshra.s32 s6, $0x1F;
	v8 =	vsel vm5, s17, v9;
	v4 =	vperm.xlane v4, v1;
	v6 =	vsel vm4, s26, v6;
	s25 =	spop (v2sf);
	s5 =	smul.u32 $0x10624DD3, s5  }
0x48: {  	s16 =	sadd.s32 $0x40, s11;
	v7 =	vsel vm4, s13, v8;
	v5 =	vperm.xlane v5, v1;
	v6 =	vsel vm7, s6, v6;
	s10 =	sshra.s32 s22, $0x1F;
	s0 =	smulhi.u32 $0x10624DD3, s25  }
0x49: {  	v7 =	vsel vm1, s8, v7;
	(v2sf) =	vpush v3, $0x9;
	v6 =	vsel vm1, s19, v6;
	s26 =	sshra.s32 s25, $0x1F;
	s3 =	spop (v2sf);
	s9 =	smul.u32 $0x10624DD3, s10  }
0x4a: {  	v7 =	vperm.xlane v7, v2;
	s15 =	sshra.s32 s4, $0x1F;
	v6 =	vperm.xlane v6, v2;
	s12 =	spop (v2sf);
	s6 =	smul.u32 $0x10624DD3, s26  }
0x4b: {  	s22 =	sadd.s32 s5, s21;
	s11 =	smulhi.u32 $0x10624DD3, s3;
	s4 =	sshra.s32 s12, $0x1F  }
0x4c: {  	v5 =	vsel vm0, v7, v5;
	v4 =	vsel vm0, v6, v4;
	s21 =	spop (v2sf);
	s1 =	sadd.s32 s9, s24;
	s13 =	smul.u32 $0x10624DD3, s4  }
0x4d: {  	v4 =	vadd.s32 v5, v4;
	s10 =	spop (v2sf);
	s17 =	sshra.s32 s21, $0x1F;
	s21 =	smulhi.u32 $0x10624DD3, s21  }
0x4e: {  	v5 =	vadd.s32 $0x3E8, v4;
	v4 =	vmul.u32 $0xFFFFFC18, v4;
	s4 =	sshra.s32 s1, $0x6;
	s2 =	smulhi.u32 $0x10624DD3, s10  }
0x4f: {  	(v2sf) =	vpush v3, $0xB;
	s9 =	sshrl.u32 s1, $0x1F;
	s24 =	sshra.s32 s10, $0x1F;
	s8 =	smul.u32 $0x10624DD3, s17  }
0x50: {  	[tilespmem:s23+$0x800] =	vst v5;
	s25 =	spop (v2sf);
	s10 =	sshra.s32 s1, $0x1F;
	v4 =	vadd.s32 v0, v4;
	s1 =	smul.u32 $0x10624DD3, s24  }
0x51: {  	s20 =	sshra.s32 s3, $0x1F;
	s26 =	spop (v2sf);
	[tilespmem:s23+$0x400] =	vst v4;
	s23 =	smulhi.u32 $0x10624DD3, s25  }
0x52: {  	[dreg:$0x8] =	wrdreg s4;
	(v2sf) =	vpush v3, $0xA;
	s30 =	sshra.s32 s25, $0x1F;
	s17 =	smulhi.u32 $0x10624DD3, s26  }
0x53: {  	s5 =	sadd.s32 s6, s0;
	s28 =	spop (v2sf);
	s30 =	smul.u32 $0x10624DD3, s30  }
0x54: {  	s0 =	sadd.s32 s8, s21;
	s29 =	spop (v2sf);
	s3 =	smulhi.u32 $0x10624DD3, s28  }
0x55: {  	s8 =	sshrl.u32 s0, $0x1F;
	s0 =	sshra.s32 s0, $0x6;
	s4 =	smulhi.u32 $0x10624DD3, s29  }
0x56: {  	s19 =	sshra.s32 s7, $0x1F;
	v4 =	vmov s0;
	s0 =	smul.u32 $0x10624DD3, s20  }
0x57: {  	s24 =	sshra.s32 s29, $0x1F;
	v5 =	vmov s8;
	s8 =	sshra.s32 s26, $0x1F;
	s26 =	smulhi.u32 $0x10624DD3, s12  }
0x58: {  	s1 =	sadd.s32 s1, s2;
	s2 =	smul.u32 $0x10624DD3, s24;
	s21 =	spop (v2sf)  }
0x59: {  	s6 =	sshra.s32 s18, $0x2;
	s25 =	sshra.s32 s21, $0x1F;
	s18 =	smulhi.u32 $0x10624DD3, s21  }
0x5a: {  	v0 =	vmov v3;
	v3 =	vld [tilespmem:s6+$0x0];
	s31 =	sshra.s32 s28, $0x1F;
	s24 =	sshra.s32 s1, $0x6;
	s25 =	smul.u32 $0x10624DD3, s25  }
0x5b: {  	s20 =	sshrl.u32 s22, $0x1F;
	s1 =	sshrl.u32 s1, $0x1F;
	v4 =	vsel vm10, s24, v4;
	s24 =	sshra.s32 s5, $0x1F  }
0x5c: {  	s2 =	sadd.s32 s2, s4;
	s12 =	sadd.s32 s25, s18;
	s25 =	smul.u32 $0x10624DD3, s15  }
.Ltmp0:
0x5d: {  	s21 =	sshra.s32 s22, $0x6;
	s22 =	sshra.s32 s22, $0x1F;
	(pc) =	sbr.rel @p0 .LBB2_1-.Ltmp0, $4  }
0x5e: {  	s28 =	spop (v2sf);
	s15 =	sadd.s32 s0, s11;
	s0 =	smul.u32 $0x10624DD3, s31  }
0x5f: {  	v7 =	vmov s24;
	(v2sf) =	vpush v3, $0x0;
	s11 =	sshrl.u32 s2, $0x1F;
	s31 =	smul.u32 $0x10624DD3, s8;
	s24 =	sadd.s32 s25, s14  }
0x60: {  	s29 =	sshra.s32 s28, $0x1F;
	(v2sf) =	vpush v3, $0x5;
	v6 =	vmov s11;
	s11 =	smov.u32 s16;
	s18 =	sshra.s32 s24, $0x6  }
0x61: {  	v5 =	vsel vm10, s1, v5;
	s25 =	sshra.s32 s2, $0x6;
	(v2sf) =	vpush v3, $0x1;
	s14 =	sadd.s32 s0, s3;
	v7 =	vsel vm11, s18, v7;
	s2 =	spop (v2sf)  }
0x62: {  	_ = 	snop  }
0x63: {  	(v2sf) =	vpush v3, $0x2  }
0x64: {  	(v2sf) =	vpush v3, $0x7;
	_ =	sdelay $0x1  }
0x65: {  	(v2sf) =	vpush v3, $0x3  }
0x66: {  	s1 =	sshra.s32 s2, $0x1F;
	s0 =	smul.u32 $0x10624DD3, s29  }
0x67: {  	s11 =	smul.u32 $0x10624DD3, s1;
	(v2sf) =	vpush v3, $0x4  }
0x68: {  	s1 =	smulhi.u32 $0x10624DD3, s28  }
0x69: {  	s8 =	smulhi.u32 $0x10624DD3, s2;
	[smem:$0x7EF] =	sst s0;
	(v2sf) =	vpush v3, $0xC  }
0x6a: {  	[smem:$0x7F0] =	sst s1;
	(v2sf) =	vpush v3, $0xD  }
0x6b: {  	s2 =	smul.u32 $0x10624DD3, s19;
	s11 =	sadd.s32 s11, s8;
	s8 =	sld [smem:$0x7EF]  }
0x6c: {  	s16 =	smulhi.u32 $0x10624DD3, s7;
	s30 =	sadd.s32 s30, s23;
	s23 =	sld [smem:$0x7F0]  }
0x6d: {  	[smem:$0x7F1] =	sst s2;
	(v2sf) =	vpush v3, $0xE;
	s4 =	spop (v2sf)  }
0x6e: {  	[smem:$0x7F2] =	sst s16;
	(v2sf) =	vpush v3, $0x6;
	s3 =	spop (v2sf)  }
0x6f: {  	s8 =	sadd.s32 s8, s23;
	s23 =	sld [smem:$0x7F2];
	(v2sf) =	vpush v3, $0xF;
	s16 =	spop (v2sf)  }
0x70: {  	(v2sf) =	vpush v3, $0x8;
	[dreg:$0x10] =	wrdreg s3;
	s18 =	smulhi.u32 $0x10624DD3, s16;
	s16 =	sshra.s32 s16, $0x1F  }
0x71: {  	s28 =	spop (v2sf);
	s19 =	smul.u32 $0x10624DD3, s16  }
0x72: {  	(v2sf) =	vpush v3, $0x9;
	s29 =	spop (v2sf);
	s7 =	smulhi.u32 $0x10624DD3, s28  }
0x73: {  	[smem:$0x7F3] =	sst s18;
	s1 =	smulhi.u32 $0x10624DD3, s29  }
0x74: {  	s28 =	sshra.s32 s28, $0x1F;
	s2 =	spop (v2sf);
	[smem:$0x7F4] =	sst s19  }
0x75: {  	s28 =	smul.u32 $0x10624DD3, s28;
	[dreg:$0x1e] =	wrdreg s2  }
0x76: {  	s3 =	sshra.s32 s29, $0x1F;
	[smem:$0x7F5] =	sst s7;
	s16 =	spop (v2sf)  }
0x77: {  	s0 =	smul.u32 $0x10624DD3, s3;
	[smem:$0x7F6] =	sst s1  }
0x78: {  	[smem:$0x7FB] =	sst s16;
	s18 =	spop (v2sf)  }
0x79: {  	s19 =	spop (v2sf);
	s29 =	sshra.s32 s18, $0x1F;
	s18 =	smulhi.u32 $0x10624DD3, s18  }
0x7a: {  	s1 =	sld [smem:$0x7F1];
	s3 =	smulhi.u32 $0x10624DD3, s19  }
0x7b: {  	[smem:$0x7F7] =	sst s0;
	s2 =	smul.u32 $0x10624DD3, s29  }
0x7c: {  	s0 =	sshra.s32 s19, $0x1F;
	[smem:$0x7F9] =	sst s3;
	s3 =	spop (v2sf)  }
0x7d: {  	s0 =	smul.u32 $0x10624DD3, s0;
	s7 =	spop (v2sf)  }
0x7e: {  	[smem:$0x7F8] =	sst s2;
	s2 =	spop (v2sf)  }
0x7f: {  	s1 =	sadd.s32 s1, s23;
	s23 =	sld [smem:$0x7F4];
	s16 =	spop (v2sf)  }
0x80: {  	s26 =	sadd.s32 s13, s26;
	[dreg:$0xd] =	wrdreg s7;
	s29 =	smulhi.u32 $0x10624DD3, s16  }
0x81: {  	s19 =	sshra.s32 s16, $0x1F;
	s7 =	spop (v2sf);
	s16 =	smulhi.u32 $0x10624DD3, s4  }
0x82: {  	[smem:$0x7FA] =	sst s0;
	s13 =	smulhi.u32 $0x10624DD3, s7;
	s0 =	sshra.s32 s7, $0x1F  }
0x83: {  	s7 =	smul.u32 $0x10624DD3, s0;
	s0 =	sld [smem:$0x7F3]  }
0x84: {  	v9 =	vmov s25;
	s25 =	rddreg [dreg:$0x8];
	s4 =	sshra.s32 s4, $0x1F;
	s19 =	smul.u32 $0x10624DD3, s19  }
0x85: {  	s17 =	sadd.s32 s31, s17;
	s31 =	sld [smem:$0x7FA];
	s4 =	smul.u32 $0x10624DD3, s4  }
0x86: {  	s7 =	sadd.s32 s7, s13;
	s0 =	sadd.s32 s23, s0;
	s23 =	sld [smem:$0x7F5]  }
0x87: {  	s13 =	sadd.s32 s19, s29;
	s29 =	sshra.s32 s15, $0x6;
	[dreg:$0x1b] =	wrdreg s7  }
0x88: {  	s7 =	sadd.s32 s4, s16;
	s4 =	sshra.s32 s24, $0x1F;
	s16 =	sshrl.u32 s30, $0x1F  }
0x89: {  	(v2sf) =	vpush v3, $0xB;
	[dreg:$0x15] =	wrdreg s0;
	v7 =	vsel vm15, s4, v7;
	s4 =	sshrl.u32 s12, $0x1F;
	s0 =	sadd.s32 s28, s23  }
0x8a: {  	(v2sf) =	vpush v3, $0xA;
	v7 =	vsel vm10, s21, v7;
	s28 =	smulhi.u32 $0x10624DD3, s2;
	s23 =	sld [smem:$0x7F7];
	s2 =	sshra.s32 s2, $0x1F  }
0x8b: {  	s21 =	sshra.s32 s26, $0x1F;
	v7 =	vsel vm14, s22, v7;
	[smem:$0x7FD] =	sst s0;
	s2 =	smul.u32 $0x10624DD3, s2  }
0x8c: {  	s22 =	sshra.s32 s11, $0x6;
	s11 =	sshrl.u32 s11, $0x1F;
	s0 =	sld [smem:$0x7F6];
	v7 =	vsel vm2, s25, v7  }
0x8d: {  	s25 =	sshra.s32 s14, $0x6;
	v7 =	vsel vm13, s10, v7;
	s10 =	sshrl.u32 s1, $0x1F;
	s19 =	sadd.s32 s2, s28  }
0x8e: {  	s2 =	sshrl.u32 s24, $0x1F;
	s24 =	sshrl.u32 s15, $0x1F;
	v7 =	vsel vm3, s29, v7;
	s29 =	rddreg [dreg:$0x1e]  }
0x8f: {  	s15 =	sshra.s32 s15, $0x1F;
	s0 =	sadd.s32 s23, s0;
	s23 =	sld [smem:$0x7F8]  }
0x90: {  	v8 =	vmov s2;
	[smem:$0x7FC] =	sst s0;
	s0 =	smulhi.u32 $0x10624DD3, s3;
	s3 =	sshra.s32 s3, $0x1F  }
0x91: {  	s2 =	sshrl.u32 s17, $0x1F;
	v7 =	vsel vm12, s15, v7;
	s15 =	sshra.s32 s29, $0x1F;
	v8 =	vnsel vm11, $0x0, v8;
	s3 =	smul.u32 $0x10624DD3, s3  }
0x92: {  	v8 =	vsel vm10, s20, v8;
	s20 =	sshra.s32 s17, $0x6;
	s17 =	sshra.s32 s17, $0x1F;
	s18 =	sadd.s32 s23, s18  }
0x93: {  	s23 =	sld [smem:$0x7F9];
	v8 =	vsel vm2, s9, v8;
	s9 =	sshra.s32 s1, $0x6;
	s1 =	sshra.s32 s1, $0x1F  }
0x94: {  	s28 =	sadd.s32 s3, s0;
	s3 =	sshra.s32 s30, $0x6;
	s30 =	sshra.s32 s12, $0x6  }
0x95: {  	s12 =	sshrl.u32 s26, $0x1F;
	s0 =	sshra.s32 s26, $0x6;
	s26 =	sshra.s32 s8, $0x6  }
0x96: {  	v5 =	vsel vm2, s16, v5;
	s8 =	sshrl.u32 s8, $0x1F;
	v8 =	vsel vm3, s24, v8;
	s24 =	sld [smem:$0x7FB];
	s16 =	sshrl.u32 s18, $0x1F  }
0x97: {  	v9 =	vsel vm10, s30, v9;
	s30 =	sshrl.u32 s14, $0x1F;
	s14 =	smulhi.u32 $0x10624DD3, s29;
	v7 =	vsel vm6, s0, v7;
	s0 =	sshra.s32 s18, $0x6  }
0x98: {  	v4 =	vsel vm2, s3, v4;
	s18 =	spop (v2sf);
	v8 =	vsel vm6, s12, v8;
	s23 =	sadd.s32 s31, s23;
	v7 =	vsel vm9, s21, v7;
	s21 =	sshrl.u32 s13, $0x1F  }
0x99: {  	v6 =	vsel vm10, s4, v6;
	v4 =	vsel vm3, s25, v4;
	s29 =	spop (v2sf);
	v8 =	vsel vm5, s10, v8;
	s10 =	sshra.s32 s13, $0x6;
	s25 =	sshrl.u32 s5, $0x1F  }
0x9a: {  	v6 =	vsel vm2, s11, v6;
	v9 =	vsel vm2, s22, v9;
	s22 =	rddreg [dreg:$0x10];
	s3 =	sshra.s32 s24, $0x1F;
	s11 =	smulhi.u32 $0x10624DD3, s29  }
0x9b: {  	s4 =	sshra.s32 s23, $0x6;
	v7 =	vsel vm5, s9, v7;
	s9 =	sshra.s32 s22, $0x1F;
	s22 =	smulhi.u32 $0x10624DD3, s22  }
0x9c: {  	s12 =	sshrl.u32 s23, $0x1F;
	s23 =	sshra.s32 s29, $0x1F;
	s3 =	smul.u32 $0x10624DD3, s3  }
0x9d: {  	v9 =	vsel vm3, s26, v9;
	v8 =	vsel vm4, s2, v8;
	s26 =	sshra.s32 s18, $0x1F;
	s2 =	smul.u32 $0x10624DD3, s23;
	s23 =	sld [smem:$0x7FC]  }
0x9e: {  	v6 =	vsel vm3, s8, v6;
	v11 =	vmov s0;
	s13 =	sshra.s32 s7, $0x6;
	v8 =	vsel vm1, s25, v8;
	s8 =	smul.u32 $0x10624DD3, s26;
	s25 =	sld [smem:$0x7FD]  }
0x9f: {  	v5 =	vsel vm3, s30, v5;
	v11 =	vsel vm10, s4, v11;
	s4 =	smulhi.u32 $0x10624DD3, s18;
	s18 =	rddreg [dreg:$0x1b];
	s26 =	sshra.s32 s7, $0x1F  }
0xa0: {  	v10 =	vmov s16;
	v13 =	vmov s10;
	v5 =	vcombine.low v6, v5;
	s9 =	smul.u32 $0x10624DD3, s9;
	s16 =	sshra.s32 s18, $0x6;
	s18 =	sshrl.u32 s18, $0x1F  }
0xa1: {  	v6 =	vmov s21;
	v10 =	vsel vm10, s12, v10;
	v13 =	vsel vm10, s16, v13;
	s2 =	sadd.s32 s2, s11;
	s16 =	rddreg [dreg:$0x15];
	s29 =	sshra.s32 s23, $0x1F  }
0xa2: {  	v4 =	vcombine.low v9, v4;
	v7 =	vsel vm8, s1, v7;
	s4 =	sadd.s32 s8, s4;
	s12 =	sshra.s32 s25, $0x6;
	s0 =	sshrl.u32 s25, $0x1F;
	v12 =	vmov s29  }
0xa3: {  	v5 =	vperm.xlane v5, v1;
	v8 =	vperm.xlane v8, v2;
	s21 =	sshra.s32 s2, $0x6;
	s10 =	sshra.s32 s25, $0x1F;
	s25 =	smov.u32 s16;
	v12 =	vsel vm11, s13, v12  }
0xa4: {  	v7 =	vsel vm4, s20, v7;
	v6 =	vsel vm10, s18, v6;
	s2 =	sshrl.u32 s2, $0x1F;
	s29 =	sshra.s32 s16, $0x6;
	s13 =	sshra.s32 s28, $0x6;
	v12 =	vsel vm15, s26, v12  }
0xa5: {  	v5 =	vsel vm0, v8, v5;
	v11 =	vsel vm2, s13, v11;
	s26 =	sshra.s32 s19, $0x6;
	s13 =	smul.u32 $0x10624DD3, s15;
	s15 =	sshra.s32 s16, $0x1F;
	v12 =	vsel vm10, s29, v12  }
0xa6: {  	v13 =	vsel vm2, s21, v13;
	s21 =	rddreg [dreg:$0xd];
	v11 =	vsel vm3, s26, v11;
	s29 =	sshra.s32 s4, $0x6;
	s26 =	smulhi.u32 $0x10624DD3, s24;
	v62 =	vsel vm14, s15, v12  }
0xa7: {  	v6 =	vsel vm2, s2, v6;
	s4 =	sshrl.u32 s4, $0x1F;
	v8 =	vsel vm3, s29, v13;
	s29 =	sshrl.u32 s28, $0x1F;
	s11 =	sadd.s32 s13, s14;
	v9 =	vsel vm2, s12, v62  }
0xa8: {  	s14 =	sshrl.u32 s19, $0x1F;
	s15 =	sshrl.u32 s7, $0x1F;
	v6 =	vsel vm3, s4, v6;
	v10 =	vsel vm2, s29, v10;
	s18 =	sshra.s32 s11, $0x6;
	v9 =	vsel vm13, s10, v9  }
0xa9: {  	s8 =	smulhi.u32 $0x10624DD3, s21;
	s3 =	sadd.s32 s3, s26;
	v63 =	vmov s15;
	s19 =	sshra.s32 s11, $0x1F;
	v10 =	vsel vm3, s14, v10;
	v9 =	vsel vm3, s18, v9  }
0xaa: {  	s24 =	sshra.s32 s21, $0x1F;
	s26 =	sshrl.u32 s25, $0x1F;
	s29 =	sshra.s32 s3, $0x6;
	v6 =	vcombine.low v6, v10;
	v10 =	vnsel vm11, $0x0, v63;
	v9 =	vsel vm12, s19, v9  }
0xab: {  	v4 =	vperm.xlane v4, v1;
	s4 =	sadd.s32 s9, s22;
	s12 =	smul.u32 $0x10624DD3, s24;
	s13 =	sshra.s32 s3, $0x1F;
	v10 =	vsel vm10, s26, v10;
	v9 =	vsel vm6, s29, v9  }
0xac: {  	v7 =	vsel vm7, s17, v7;
	s15 =	sshrl.u32 s11, $0x1F;
	s16 =	sshra.s32 s4, $0x6;
	s14 =	sshra.s32 s5, $0x6;
	v10 =	vsel vm2, s0, v10;
	v9 =	vsel vm9, s13, v9  }
0xad: {  	v8 =	vcombine.low v8, v11;
	s1 =	sadd.s32 s12, s8;
	s18 =	sshrl.u32 s3, $0x1F;
	s19 =	sshra.s32 s4, $0x1F;
	v10 =	vsel vm3, s15, v10;
	v9 =	vsel vm5, s16, v9  }
0xae: {  	s21 =	sshrl.u32 s4, $0x1F;
	v7 =	vsel vm1, s14, v7;
	s20 =	sshra.s32 s1, $0x6;
	v10 =	vsel vm6, s18, v10;
	v9 =	vsel vm8, s19, v9  }
0xaf: {  	v8 =	vperm.xlane v8, v1;
	s22 =	sshrl.u32 s1, $0x1F;
	s1 =	sshra.s32 s1, $0x1F;
	v10 =	vsel vm5, s21, v10;
	v9 =	vsel vm4, s20, v9  }
0xb0: {  	s24 =	sshrl.u32 s23, $0x1F;
	s25 =	sshra.s32 s23, $0x6;
	v7 =	vperm.xlane v7, v2;
	v10 =	vsel vm4, s22, v10;
	v9 =	vsel vm7, s1, v9  }
0xb1: {  	v1 =	vperm.xlane v6, v1;
	v6 =	vsel vm1, s24, v10;
	v9 =	vsel vm1, s25, v9  }
0xb2: {  	v4 =	vsel vm0, v7, v4;
	v6 =	vperm.xlane v6, v2;
	v2 =	vperm.xlane v9, v2  }
0xb3: {  	v4 =	vadd.s32 v5, v4  }
0xb4: {  	v5 =	vmul.u32 $0xFFFFFC18, v4;
	v1 =	vsel vm0, v6, v1;
	v2 =	vsel vm0, v2, v8  }
0xb5: {  	s26 =	rddreg [dreg:$0x4];
	v4 =	vadd.s32 $0x3E8, v4;
	v1 =	vadd.s32 v1, v2  }
0xb6: {  	[tilespmem:s26+$0x800] =	vst v4;
	v0 =	vadd.s32 v0, v5;
	v2 =	vmul.u32 $0xFFFFFC18, v1  }
0xb7: {  	[tilespmem:s26+$0x400] =	vst v0;
	v0 =	vadd.s32 $0x3E8, v1  }
0xb8: {  	s5 =	rddreg [dreg:$0xb];
	[tilespmem:s6+$0x800] =	vst v0;
	v0 =	vadd.s32 v3, v2  }
0xb9: {  	s3 =	simm.s32 $0x400;
	s4 =	simm.s32 $0xC00;
	s29 =	simm.s32 $0x100;
	[tilespmem:s6+$0x400] =	vst v0  }
0xba: {  	[tilespmem:s4], [sflag:$0x1] =	stream.indirect.gather [hbm4b:s5+s29], $0x20, s3, s29, $0xb8;
	[tilespmem:$0x10C00] =	vst v63  }
0xbb: {  	s7 =	simm.s32 $0x8C00;
	s8 =	simm.s32 $0x0;
	s6 =	simm.s32 $0x800  }
0xbc: {  	[tilespmem:s7], [sflag:$0x1] =	stream.indirect.gather [hbm4b:s5+s29], $0x20, s6, s29, $0xb8;
	[tilespmem:$0x10C00] =	vst v63  }
0xbd: {  	v0 =	vld [tilespmem:s8+$0x100];
	_ =	sdelay $0x4  }
0xbe: {  	(v2sf) =	vpush v0, $0x0  }
0xbf: {  	(v2sf) =	vpush v0, $0x5  }
0xc0: {  	(v2sf) =	vpush v0, $0x1  }
0xc1: {  	(v2sf) =	vpush v0, $0x2;
	_ =	sdelay $0x1  }
0xc2: {  	(v2sf) =	vpush v0, $0x7;
	_ =	sdelay $0x1  }
0xc3: {  	(v2sf) =	vpush v0, $0x3  }
0xc4: {  	(v2sf) =	vpush v0, $0x4;
	_ =	sdelay $0x1  }
0xc5: {  	(v2sf) =	vpush v0, $0xC  }
0xc6: {  	(v2sf) =	vpush v0, $0xD;
	_ =	sdelay $0x2  }
0xc7: {  	(v2sf) =	vpush v0, $0xE  }
0xc8: {  	(v2sf) =	vpush v0, $0x6;
	s10 =	spop (v2sf)  }
0xc9: {  	s7 =	spop (v2sf);
	s12 =	smulhi.u32 $0x10624DD3, s10;
	s1 =	sshra.s32 s10, $0x1F  }
0xca: {  	s11 =	spop (v2sf);
	s1 =	smul.u32 $0x10624DD3, s1  }
0xcb: {  	(v2sf) =	vpush v0, $0xF;
	s13 =	smulhi.u32 $0x10624DD3, s11;
	s21 =	spop (v2sf)  }
0xcc: {  	(v2sf) =	vpush v0, $0x8;
	s0 =	sshra.s32 s11, $0x1F;
	s5 =	smulhi.u32 $0x10624DD3, s21  }
0xcd: {  	s9 =	simm.s32 $0x0;
	s22 =	spop (v2sf);
	s23 =	smul.u32 $0x10624DD3, s0  }
0xce: {  	[dreg:$0x5] =	wrdreg s9;
	s3 =	sshra.s32 s21, $0x1F;
	s9 =	smulhi.u32 $0x10624DD3, s22  }
0xcf: {  	(v2sf) =	vpush v0, $0x9;
	s6 =	sshra.s32 s22, $0x1F;
	s24 =	spop (v2sf);
	s3 =	smul.u32 $0x10624DD3, s3  }
0xd0: {  	s6 =	smul.u32 $0x10624DD3, s6;
	s0 =	spop (v2sf)  }
0xd1: {  	s16 =	smulhi.u32 $0x10624DD3, s24;
	s25 =	sshra.s32 s0, $0x1F  }
0xd2: {  	s26 =	spop (v2sf);
	s11 =	smul.u32 $0x10624DD3, s25  }
0xd3: {  	s2 =	sadd.s32 s23, s13;
	s19 =	spop (v2sf);
	s13 =	smulhi.u32 $0x10624DD3, s26  }
0xd4: {  	s15 =	simm.s32 $0x80;
	s21 =	sshra.s32 s26, $0x1F;
	s17 =	smulhi.u32 $0x10624DD3, s19  }
0xd5: {  	s10 =	sshra.s32 s24, $0x1F;
	s22 =	smul.u32 $0x10624DD3, s21;
	s29 =	sshra.s32 s19, $0x1F  }
0xd6: {  	(v2sf) =	vpush v0, $0xB;
	s3 =	sadd.s32 s3, s5;
	s18 =	spop (v2sf);
	s4 =	smul.u32 $0x10624DD3, s29  }
0xd7: {  	(v2sf) =	vpush v0, $0xA;
	s8 =	sshra.s32 s3, $0x6;
	s20 =	spop (v2sf);
	s21 =	smulhi.u32 $0x10624DD3, s18  }
0xd8: {  	s5 =	sadd.s32 s6, s9;
	s9 =	sshrl.u32 s3, $0x1F;
	s14 =	smulhi.u32 $0x10624DD3, s20  }
0xd9: {  	s19 =	sadd.s32 s22, s13;
	s22 =	smul.u32 $0x10624DD3, s10;
	s31 =	sshra.s32 s20, $0x1F  }
0xda: {  	s10 =	sshra.s32 s3, $0x1F;
	s31 =	smul.u32 $0x10624DD3, s31;
	s23 =	spop (v2sf)  }
0xdb: {  	s20 =	sshra.s32 s5, $0x1F;
	s24 =	spop (v2sf);
	s25 =	smulhi.u32 $0x10624DD3, s23  }
0xdc: {  	s4 =	sadd.s32 s4, s17;
	s23 =	sshra.s32 s23, $0x1F;
	s26 =	smulhi.u32 $0x10624DD3, s24  }
0xdd: {  	v7 =	vmov s20;
	s20 =	sshrl.u32 s2, $0x1F;
	s17 =	sshra.s32 s24, $0x1F;
	s23 =	smul.u32 $0x10624DD3, s23  }
0xde: {  	s29 =	spop (v2sf);
	s3 =	smul.u32 $0x10624DD3, s17;
	s17 =	simm.s32 $0x10  }
0xdf: {  	s24 =	sshrl.u32 s19, $0x1F;
	s19 =	sshra.s32 s19, $0x6;
	s13 =	smulhi.u32 $0x10624DD3, s29;
	v1 =	vld [tilespmem:s17+$0x100]  }
0xe0: {  	v2 =	vimm.s32 $0xECA86420;
	s6 =	sshra.s32 s29, $0x1F;
	s29 =	sshra.s32 s18, $0x1F;
	v4 =	vmov s19;
	s19 =	smulhi.u32 $0x10624DD3, s0  }
0xe1: {  	v2 =	vunpack.c.l.s4.s8 v2;
	s18 =	sadd.s32 s22, s16;
	s16 =	sshra.s32 s7, $0x1F;
	s6 =	smul.u32 $0x10624DD3, s6  }
0xe2: {  	v3 =	vmov s24;
	s22 =	sshra.s32 s2, $0x6;
	s24 =	sadd.s32 s1, s12;
	s30 =	smul.u32 $0x10624DD3, s29  }
0xe3: {  	v2 =	vunpack.c.0.s8.s32 v2;
	s29 =	sshra.s32 s24, $0x6;
	s13 =	sadd.s32 s6, s13;
	s6 =	sshra.s32 s4, $0x6  }
0xe4: {  	s12 =	sadd.s32 s23, s25;
	s3 =	sadd.s32 s3, s26;
	v7 =	vsel vm11, s29, v7;
	s4 =	sshrl.u32 s4, $0x1F;
	v5 =	vsel vm10, s6, v4;
	(v2sf) =	vpush v1, $0x0  }
0xe5: {  	s23 =	sshra.s32 s2, $0x1F;
	s26 =	spop (v2sf);
	s25 =	sshrl.u32 s3, $0x1F;
	v4 =	vsel vm10, s4, v3;
	v3 =	vlaneseq.u32;
	(v2sf) =	vpush v1, $0x5  }
0xe6: {  	s28 =	sshra.s32 s26, $0x1F;
	s2 =	spop (v2sf);
	v6 =	vmov s25;
	s25 =	sshra.s32 s3, $0x6;
	v3 =	vmul.u32 $0x2, v3;
	(v2sf) =	vpush v1, $0x1  }
.LBB2_3:
0xe7: {  	s3 =	sshrl.u32 s18, $0x1F;
	s0 =	sadd.s32 s11, s19  }
0xe8: {  	(v2sf) =	vpush v1, $0x2;
	s4 =	rddreg [dreg:$0x5];
	s11 =	smov.u32 s17;
	v8 =	vmov s25;
	s25 =	smulhi.u32 $0x10624DD3, s2  }
0xe9: {  	s17 =	sshra.s32 s24, $0x1F;
	s29 =	sshra.s32 s2, $0x1F;
	s7 =	smulhi.u32 $0x10624DD3, s7  }
0xea: {  	s1 =	sadd.s32 s30, s21;
	s21 =	smov.u32 s4;
	[dreg:$0x5] =	wrdreg s11;
	(v2sf) =	vpush v1, $0x7  }
0xeb: {  	s6 =	sadd.s32 s31, s14;
	s14 =	sshra.s32 s13, $0x6;
	s2 =	smul.u32 $0x10624DD3, s29  }
0xec: {  	s4 =	sshrl.u32 s24, $0x1F;
	v7 =	vsel vm15, s17, v7;
	s24 =	sadd.s32 $0x40, s15;
	s29 =	smul.u32 $0x10624DD3, s28;
	(v2sf) =	vpush v1, $0x3  }
0xed: {  	v8 =	vsel vm10, s14, v8;
	v9 =	vmov s4;
	s14 =	sshrl.u32 s0, $0x1F;
	s17 =	sshra.s32 s1, $0x6;
	[dreg:$0x9] =	wrdreg s24;
	(v2sf) =	vpush v1, $0x4  }
0xee: {  	v7 =	vsel vm10, s22, v7;
	s1 =	sshrl.u32 s1, $0x1F;
	s4 =	smulhi.u32 $0x10624DD3, s26;
	s11 =	sshrl.u32 s6, $0x1F;
	v9 =	vnsel vm11, $0x0, v9;
	v5 =	vsel vm2, s17, v5  }
0xef: {  	s26 =	sshra.s32 s18, $0x1F;
	v7 =	vsel vm14, s23, v7;
	s2 =	sadd.s32 s2, s25;
	s25 =	smul.u32 $0x10624DD3, s16;
	v4 =	vsel vm2, s1, v4;
	(v2sf) =	vpush v1, $0xC  }
0xf0: {  	s23 =	sshrl.u32 s12, $0x1F;
	v9 =	vsel vm10, s20, v9;
	v7 =	vsel vm2, s8, v7;
	s8 =	sshrl.u32 s5, $0x1F;
	s17 =	sshra.s32 s2, $0x6;
	(v2sf) =	vpush v1, $0xD  }
0xf1: {  	s20 =	sshra.s32 s18, $0x6;
	s24 =	sadd.s32 s29, s4;
	s29 =	sshrl.u32 s13, $0x1F;
	v4 =	vsel vm3, s23, v4;
	v9 =	vsel vm2, s9, v9;
	v7 =	vsel vm13, s10, v7  }
0xf2: {  	s4 =	sshra.s32 s0, $0x6;
	s0 =	sshra.s32 s0, $0x1F;
	v8 =	vsel vm2, s17, v8;
	v6 =	vsel vm10, s29, v6;
	s10 =	sshra.s32 s12, $0x6;
	v9 =	vsel vm3, s3, v9  }
0xf3: {  	s18 =	sshrl.u32 s2, $0x1F;
	s13 =	sshra.s32 s24, $0x6;
	s16 =	sshrl.u32 s24, $0x1F;
	v7 =	vsel vm3, s20, v7;
	(v2sf) =	vpush v1, $0xE;
	v5 =	vsel vm3, s10, v5  }
0xf4: {  	s17 =	sshra.s32 s6, $0x6;
	s3 =	sadd.s32 s25, s7;
	v8 =	vsel vm3, s13, v8;
	v7 =	vsel vm12, s26, v7;
	(v2sf) =	vpush v1, $0x6;
	s22 =	spop (v2sf)  }
0xf5: {  	s6 =	sshra.s32 s6, $0x1F;
	v6 =	vsel vm2, s18, v6;
	s20 =	sshra.s32 s3, $0x6;
	v7 =	vsel vm6, s4, v7;
	(v2sf) =	vpush v1, $0xF;
	s7 =	spop (v2sf)  }
0xf6: {  	s24 =	sshrl.u32 s3, $0x1F;
	v6 =	vsel vm3, s16, v6;
	v7 =	vsel vm9, s0, v7;
	(v2sf) =	vpush v1, $0x8;
	s12 =	smulhi.u32 $0x10624DD3, s22;
	s29 =	spop (v2sf)  }
0xf7: {  	v5 =	vcombine.low v8, v5;
	s25 =	sshra.s32 s3, $0x1F;
	v4 =	vcombine.low v6, v4;
	v6 =	vsel vm5, s20, v7;
	s4 =	smulhi.u32 $0x10624DD3, s29;
	s13 =	spop (v2sf)  }
0xf8: {  	v9 =	vsel vm6, s14, v9;
	s26 =	sshra.s32 s5, $0x6;
	v6 =	vsel vm8, s25, v6;
	s5 =	sshra.s32 s29, $0x1F;
	s14 =	smulhi.u32 $0x10624DD3, s13  }
0xf9: {  	v8 =	vsel vm5, s24, v9;
	v5 =	vperm.xlane v5, v2;
	v6 =	vsel vm4, s17, v6;
	s18 =	sshra.s32 s22, $0x1F;
	s22 =	spop (v2sf);
	s5 =	smul.u32 $0x10624DD3, s5  }
0xfa: {  	s19 =	smov.u32 s15;
	v7 =	vsel vm4, s11, v8;
	(v2sf) =	vpush v1, $0x9;
	v6 =	vsel vm7, s6, v6;
	s9 =	sshra.s32 s13, $0x1F;
	s0 =	smulhi.u32 $0x10624DD3, s22  }
0xfb: {  	v4 =	vperm.xlane v4, v2;
	v7 =	vsel vm1, s8, v7;
	v6 =	vsel vm1, s26, v6;
	s23 =	sshra.s32 s22, $0x1F;
	s24 =	spop (v2sf);
	s26 =	smul.u32 $0x10624DD3, s9  }
0xfc: {  	p0 =	sne.s32 s15, $0x3C0;
	v7 =	vperm.xlane v7, v3;
	v6 =	vperm.xlane v6, v3;
	s13 =	spop (v2sf);
	s6 =	smul.u32 $0x10624DD3, s23  }
0xfd: {  	s20 =	sshra.s32 s24, $0x1F;
	s15 =	smulhi.u32 $0x10624DD3, s24;
	s25 =	sshra.s32 s13, $0x1F  }
0xfe: {  	v4 =	vsel vm0, v7, v4;
	v5 =	vsel vm0, v6, v5;
	s23 =	sadd.s32 s5, s4;
	s29 =	spop (v2sf);
	s11 =	smul.u32 $0x10624DD3, s25  }
0xff: {  	(v2sf) =	vpush v1, $0xB;
	v4 =	vadd.s32 v4, v5;
	s1 =	sadd.s32 s26, s14;
	s17 =	spop (v2sf);
	s28 =	smulhi.u32 $0x10624DD3, s29  }
0x100: {  	v5 =	vadd.s32 $0x3E8, v4;
	v4 =	vmul.u32 $0xFFFFFC18, v4;
	s22 =	sshra.s32 s29, $0x1F;
	s8 =	sshra.s32 s1, $0x6;
	s2 =	smulhi.u32 $0x10624DD3, s17  }
0x101: {  	s9 =	sshrl.u32 s1, $0x1F;
	s24 =	sshra.s32 s17, $0x1F;
	s4 =	smul.u32 $0x10624DD3, s22  }
0x102: {  	[tilespmem:s21+$0x900] =	vst v5;
	s10 =	sshra.s32 s1, $0x1F;
	s26 =	spop (v2sf);
	v4 =	vadd.s32 v0, v4;
	s1 =	smul.u32 $0x10624DD3, s24  }
0x103: {  	s16 =	sshra.s32 s7, $0x1F;
	s25 =	spop (v2sf);
	(v2sf) =	vpush v1, $0xA;
	[tilespmem:s21+$0x500] =	vst v4;
	s21 =	smulhi.u32 $0x10624DD3, s26  }
0x104: {  	s5 =	sadd.s32 s6, s0;
	s14 =	smulhi.u32 $0x10624DD3, s25;
	s17 =	spop (v2sf)  }
0x105: {  	s24 =	sadd.s32 s4, s28;
	s30 =	spop (v2sf);
	s31 =	smulhi.u32 $0x10624DD3, s17  }
0x106: {  	s3 =	sshra.s32 s26, $0x1F;
	s0 =	sshra.s32 s24, $0x6;
	s4 =	smulhi.u32 $0x10624DD3, s30  }
0x107: {  	s29 =	sshra.s32 s17, $0x1F;
	s17 =	sshrl.u32 s24, $0x1F;
	v5 =	vmov s0;
	s0 =	smul.u32 $0x10624DD3, s20  }
0x108: {  	s22 =	sshra.s32 s30, $0x1F;
	v4 =	vmov s17;
	s17 =	sshra.s32 s19, $0x2;
	s19 =	smulhi.u32 $0x10624DD3, s13  }
0x109: {  	s1 =	sadd.s32 s1, s2;
	s2 =	smul.u32 $0x10624DD3, s22;
	s26 =	spop (v2sf)  }
0x10a: {  	s6 =	sshra.s32 s25, $0x1F;
	s28 =	sshra.s32 s26, $0x1F;
	s24 =	smulhi.u32 $0x10624DD3, s26  }
0x10b: {  	v0 =	vmov v1;
	s25 =	sshra.s32 s5, $0x1F;
	s22 =	sshra.s32 s1, $0x6;
	v1 =	vld [tilespmem:s17+$0x100];
	s20 =	smul.u32 $0x10624DD3, s28  }
0x10c: {  	s30 =	smul.u32 $0x10624DD3, s3;
	s1 =	sshrl.u32 s1, $0x1F;
	v5 =	vsel vm10, s22, v5;
	s22 =	sshra.s32 s23, $0x6  }
0x10d: {  	s2 =	sadd.s32 s2, s4;
	s13 =	sadd.s32 s20, s24;
	s24 =	smul.u32 $0x10624DD3, s18  }
.Ltmp1:
0x10e: {  	v7 =	vmov s25;
	s25 =	sshra.s32 s2, $0x6;
	s26 =	spop (v2sf);
	(pc) =	sbr.rel @p0 .LBB2_3-.Ltmp1, $4  }
0x10f: {  	s18 =	sadd.s32 s0, s15;
	s0 =	smul.u32 $0x10624DD3, s29;
	s20 =	sshrl.u32 s23, $0x1F  }
0x110: {  	s23 =	sshra.s32 s23, $0x1F;
	(v2sf) =	vpush v1, $0x0;
	s15 =	sshrl.u32 s2, $0x1F;
	s24 =	sadd.s32 s24, s12  }
0x111: {  	s28 =	sshra.s32 s26, $0x1F;
	(v2sf) =	vpush v1, $0x5;
	v6 =	vmov s15;
	s15 =	rddreg [dreg:$0x9];
	s29 =	sshra.s32 s24, $0x6  }
0x112: {  	v4 =	vsel vm10, s1, v4;
	(v2sf) =	vpush v1, $0x1;
	s12 =	sadd.s32 s0, s31;
	s31 =	smul.u32 $0x10624DD3, s6;
	v7 =	vsel vm11, s29, v7;
	s2 =	spop (v2sf)  }
0x113: {  	_ =	sdelay $0x1  }
0x114: {  	(v2sf) =	vpush v1, $0x2  }
0x115: {  	(v2sf) =	vpush v1, $0x7  }
0x116: {  	(v2sf) =	vpush v1, $0x3  }
0x117: {  	(v2sf) =	vpush v1, $0x4  }
0x118: {  	s4 =	smulhi.u32 $0x10624DD3, s2  }
0x119: {  	s0 =	smul.u32 $0x10624DD3, s28  }
0x11a: {  	s29 =	smulhi.u32 $0x10624DD3, s26;
	(v2sf) =	vpush v1, $0xC  }
0x11b: {  	s1 =	sshra.s32 s2, $0x1F;
	s3 =	smulhi.u32 $0x10624DD3, s7;
	(v2sf) =	vpush v1, $0xD  }
0x11c: {  	s15 =	smul.u32 $0x10624DD3, s1;
	[smem:$0x7DF] =	sst s0  }
0x11d: {  	s1 =	smul.u32 $0x10624DD3, s16;
	[smem:$0x7E0] =	sst s29;
	(v2sf) =	vpush v1, $0xE  }
0x11e: {  	[smem:$0x7E2] =	sst s3;
	(v2sf) =	vpush v1, $0x6;
	s6 =	spop (v2sf)  }
0x11f: {  	s19 =	sadd.s32 s11, s19;
	[smem:$0x7E1] =	sst s1;
	s2 =	spop (v2sf)  }
0x120: {  	s15 =	sadd.s32 s15, s4;
	s4 =	sld [smem:$0x7DF];
	(v2sf) =	vpush v1, $0xF;
	s7 =	spop (v2sf)  }
0x121: {  	s11 =	sld [smem:$0x7E0];
	(v2sf) =	vpush v1, $0x8;
	s16 =	smulhi.u32 $0x10624DD3, s7;
	s1 =	sshra.s32 s7, $0x1F  }
0x122: {  	[dreg:$0x11] =	wrdreg s2;
	s26 =	smul.u32 $0x10624DD3, s1  }
0x123: {  	(v2sf) =	vpush v1, $0x9;
	[smem:$0x7E3] =	sst s16;
	s16 =	spop (v2sf)  }
0x124: {  	[smem:$0x7E4] =	sst s26;
	s29 =	spop (v2sf)  }
0x125: {  	s2 =	smulhi.u32 $0x10624DD3, s29;
	s3 =	spop (v2sf)  }
0x126: {  	s7 =	sshra.s32 s29, $0x1F;
	[dreg:$0x1f] =	wrdreg s3;
	s29 =	spop (v2sf)  }
0x127: {  	s0 =	smul.u32 $0x10624DD3, s7;
	[smem:$0x7E6] =	sst s2  }
0x128: {  	s26 =	smulhi.u32 $0x10624DD3, s16;
	[smem:$0x7EC] =	sst s29  }
0x129: {  	s16 =	sshra.s32 s16, $0x1F;
	[smem:$0x7E7] =	sst s0;
	s0 =	spop (v2sf)  }
0x12a: {  	s29 =	smul.u32 $0x10624DD3, s16;
	s2 =	spop (v2sf)  }
0x12b: {  	[smem:$0x7E5] =	sst s26;
	s26 =	sshra.s32 s0, $0x1F;
	s7 =	smulhi.u32 $0x10624DD3, s2  }
0x12c: {  	s3 =	spop (v2sf);
	s16 =	sshra.s32 s2, $0x1F;
	s2 =	smul.u32 $0x10624DD3, s26  }
0x12d: {  	s26 =	spop (v2sf);
	[smem:$0x7E9] =	sst s7  }
0x12e: {  	s1 =	smul.u32 $0x10624DD3, s16;
	[smem:$0x7E8] =	sst s2  }
0x12f: {  	[dreg:$0xe] =	wrdreg s26;
	s2 =	spop (v2sf)  }
0x130: {  	s26 =	smulhi.u32 $0x10624DD3, s0;
	s7 =	spop (v2sf)  }
0x131: {  	s11 =	sadd.s32 s4, s11;
	s4 =	sld [smem:$0x7E2];
	s0 =	smulhi.u32 $0x10624DD3, s7  }
0x132: {  	[smem:$0x7EA] =	sst s1;
	s16 =	sshra.s32 s7, $0x1F;
	s1 =	spop (v2sf)  }
0x133: {  	s28 =	smul.u32 $0x10624DD3, s16;
	[smem:$0x7EB] =	sst s0  }
0x134: {  	s16 =	smulhi.u32 $0x10624DD3, s1;
	s0 =	sshra.s32 s1, $0x1F;
	s1 =	sld [smem:$0x7E1]  }
0x135: {  	s30 =	sadd.s32 s30, s21;
	s21 =	smulhi.u32 $0x10624DD3, s6  }
0x136: {  	s6 =	sshra.s32 s6, $0x1F;
	s7 =	smul.u32 $0x10624DD3, s0;
	s0 =	sld [smem:$0x7E3]  }
0x137: {  	s1 =	sadd.s32 s1, s4;
	s4 =	smul.u32 $0x10624DD3, s6;
	s6 =	sld [smem:$0x7E4]  }
0x138: {  	s14 =	sadd.s32 s31, s14;
	s31 =	sld [smem:$0x7EA]  }
0x139: {  	s7 =	sadd.s32 s7, s16;
	s16 =	sld [smem:$0x7EB]  }
0x13a: {  	s0 =	sadd.s32 s6, s0;
	s6 =	sld [smem:$0x7E5]  }
0x13b: {  	v9 =	vmov s25;
	[dreg:$0x1c] =	wrdreg s7;
	s25 =	sshra.s32 s1, $0x6  }
0x13c: {  	s7 =	sadd.s32 s4, s21;
	s4 =	sshra.s32 s24, $0x1F;
	[dreg:$0x16] =	wrdreg s0  }
0x13d: {  	s21 =	sshra.s32 s30, $0x6;
	s0 =	sadd.s32 s29, s6;
	s6 =	sld [smem:$0x7E7]  }
0x13e: {  	s16 =	sadd.s32 s28, s16;
	v7 =	vsel vm15, s4, v7;
	s4 =	sshrl.u32 s13, $0x1F;
	[smem:$0x7EE] =	sst s0  }
0x13f: {  	(v2sf) =	vpush v1, $0xB;
	s29 =	smulhi.u32 $0x10624DD3, s2;
	s2 =	sshra.s32 s2, $0x1F;
	s0 =	sld [smem:$0x7E6]  }
0x140: {  	(v2sf) =	vpush v1, $0xA;
	v5 =	vsel vm2, s21, v5;
	s21 =	rddreg [dreg:$0x1f];
	v7 =	vsel vm10, s22, v7;
	s22 =	sshra.s32 s11, $0x6;
	s2 =	smul.u32 $0x10624DD3, s2  }
0x141: {  	s11 =	sshrl.u32 s11, $0x1F;
	v7 =	vsel vm14, s23, v7;
	s23 =	sshra.s32 s15, $0x6;
	s15 =	sshrl.u32 s15, $0x1F  }
0x142: {  	s2 =	sadd.s32 s2, s29;
	s0 =	sadd.s32 s6, s0;
	s6 =	sld [smem:$0x7E8]  }
0x143: {  	v7 =	vsel vm2, s8, v7;
	s8 =	sshra.s32 s14, $0x1F;
	[dreg:$0x19] =	wrdreg s2;
	s2 =	sshra.s32 s13, $0x6  }
0x144: {  	[smem:$0x7ED] =	sst s0;
	s0 =	smulhi.u32 $0x10624DD3, s3;
	s3 =	sshra.s32 s3, $0x1F  }
0x145: {  	s29 =	sshrl.u32 s18, $0x1F;
	s13 =	sshrl.u32 s19, $0x1F;
	v9 =	vsel vm10, s2, v9;
	s3 =	smul.u32 $0x10624DD3, s3  }
0x146: {  	s2 =	sshrl.u32 s12, $0x1F;
	v9 =	vsel vm2, s23, v9;
	s26 =	sadd.s32 s6, s26;
	s6 =	sld [smem:$0x7E9]  }
0x147: {  	v9 =	vsel vm3, s22, v9;
	s22 =	sshra.s32 s7, $0x6;
	s28 =	sadd.s32 s3, s0;
	s3 =	sshrl.u32 s24, $0x1F  }
0x148: {  	v7 =	vsel vm13, s10, v7;
	s24 =	sshrl.u32 s30, $0x1F;
	s30 =	sshra.s32 s18, $0x6;
	s18 =	sshra.s32 s18, $0x1F  }
0x149: {  	s0 =	sshra.s32 s19, $0x6;
	s19 =	sshra.s32 s19, $0x1F;
	v8 =	vmov s3;
	s3 =	sshrl.u32 s14, $0x1F;
	v7 =	vsel vm3, s30, v7;
	v4 =	vsel vm2, s24, v4  }
0x14a: {  	s6 =	sadd.s32 s31, s6;
	v8 =	vnsel vm11, $0x0, v8;
	v7 =	vsel vm12, s18, v7;
	s18 =	sshra.s32 s21, $0x1F;
	v4 =	vsel vm3, s2, v4;
	s2 =	sshra.s32 s16, $0x6  }
0x14b: {  	v8 =	vsel vm10, s20, v8;
	s20 =	sshra.s32 s14, $0x6;
	s14 =	sshra.s32 s12, $0x6;
	s12 =	smulhi.u32 $0x10624DD3, s21  }
0x14c: {  	v6 =	vsel vm10, s4, v6;
	s21 =	sshrl.u32 s26, $0x1F;
	v7 =	vsel vm6, s0, v7;
	s0 =	sshra.s32 s26, $0x6;
	s4 =	sshra.s32 s6, $0x6  }
0x14d: {  	s6 =	sshrl.u32 s6, $0x1F;
	v8 =	vsel vm2, s9, v8;
	s9 =	sshrl.u32 s1, $0x1F;
	v7 =	vsel vm9, s19, v7;
	s19 =	rddreg [dreg:$0x11]  }
0x14e: {  	s1 =	sshra.s32 s1, $0x1F;
	v5 =	vsel vm3, s14, v5;
	s14 =	spop (v2sf);
	v10 =	vmov s21;
	s21 =	sld [smem:$0x7ED]  }
0x14f: {  	v11 =	vmov s0;
	v8 =	vsel vm3, s29, v8;
	s29 =	sld [smem:$0x7EC];
	s23 =	spop (v2sf);
	v7 =	vsel vm5, s25, v7;
	s25 =	sshrl.u32 s5, $0x1F  }
0x150: {  	v6 =	vsel vm2, s15, v6;
	s26 =	sshra.s32 s14, $0x1F;
	s15 =	sshra.s32 s19, $0x1F;
	v11 =	vsel vm10, s4, v11;
	s4 =	smulhi.u32 $0x10624DD3, s14  }
0x151: {  	v6 =	vsel vm3, s11, v6;
	s14 =	rddreg [dreg:$0x16];
	v8 =	vsel vm6, s13, v8;
	s13 =	sshrl.u32 s16, $0x1F;
	s11 =	smul.u32 $0x10624DD3, s26  }
0x152: {  	s24 =	sshra.s32 s23, $0x1F;
	s26 =	sshra.s32 s14, $0x6;
	s15 =	smul.u32 $0x10624DD3, s15  }
0x153: {  	v8 =	vsel vm5, s9, v8;
	s9 =	smulhi.u32 $0x10624DD3, s23;
	s16 =	sshra.s32 s21, $0x1F;
	s23 =	sld [smem:$0x7EE]  }
0x154: {  	v4 =	vcombine.low v6, v4;
	v6 =	vmov s13;
	s13 =	sshra.s32 s28, $0x6;
	s10 =	sshra.s32 s29, $0x1F;
	v8 =	vsel vm4, s3, v8;
	s3 =	smul.u32 $0x10624DD3, s24  }
0x155: {  	v12 =	vmov s16;
	s16 =	rddreg [dreg:$0x1c];
	v11 =	vsel vm2, s13, v11;
	s4 =	sadd.s32 s11, s4;
	s13 =	smul.u32 $0x10624DD3, s18  }
0x156: {  	v13 =	vmov s2;
	v10 =	vsel vm10, s6, v10;
	s18 =	sshra.s32 s14, $0x1F;
	s10 =	smul.u32 $0x10624DD3, s10;
	s24 =	sshra.s32 s16, $0x6  }
0x157: {  	v4 =	vperm.xlane v4, v2;
	v5 =	vcombine.low v9, v5;
	v8 =	vsel vm1, s25, v8;
	s25 =	sshra.s32 s7, $0x1F;
	s6 =	sshra.s32 s23, $0x6;
	s0 =	sshrl.u32 s23, $0x1F  }
0x158: {  	v7 =	vsel vm8, s1, v7;
	v12 =	vsel vm11, s22, v12;
	v13 =	vsel vm10, s24, v13;
	s2 =	sadd.s32 s3, s9;
	s24 =	rddreg [dreg:$0x19];
	s9 =	sshra.s32 s23, $0x1F  }
0x159: {  	v5 =	vperm.xlane v5, v2;
	v12 =	vsel vm15, s25, v12;
	v8 =	vperm.xlane v8, v3;
	s11 =	sadd.s32 s13, s12;
	s13 =	sshrl.u32 s7, $0x1F;
	s22 =	sshra.s32 s2, $0x6  }
0x15a: {  	s23 =	smov.u32 s14;
	s25 =	sshra.s32 s24, $0x6;
	v12 =	vsel vm10, s26, v12;
	s26 =	sshra.s32 s4, $0x6;
	v63 =	vmov s13;
	v13 =	vsel vm2, s22, v13  }
0x15b: {  	s2 =	sshrl.u32 s2, $0x1F;
	s4 =	sshrl.u32 s4, $0x1F;
	v11 =	vsel vm3, s25, v11;
	v4 =	vsel vm0, v8, v4;
	s25 =	sshrl.u32 s16, $0x1F;
	v62 =	vsel vm14, s18, v12  }
0x15c: {  	s12 =	sshrl.u32 s24, $0x1F;
	v8 =	vsel vm3, s26, v13;
	s26 =	smulhi.u32 $0x10624DD3, s29;
	s29 =	sshrl.u32 s28, $0x1F;
	v6 =	vsel vm10, s25, v6;
	v9 =	vsel vm2, s6, v62  }
0x15d: {  	s14 =	sshra.s32 s11, $0x6;
	s24 =	smulhi.u32 $0x10624DD3, s19;
	s22 =	rddreg [dreg:$0xe];
	v10 =	vsel vm2, s29, v10;
	v6 =	vsel vm2, s2, v6;
	v9 =	vsel vm13, s9, v9  }
0x15e: {  	s18 =	sshra.s32 s11, $0x1F;
	s3 =	smulhi.u32 $0x10624DD3, s22;
	v10 =	vsel vm3, s12, v10;
	v6 =	vsel vm3, s4, v6;
	s4 =	sadd.s32 s10, s26;
	v9 =	vsel vm3, s14, v9  }
0x15f: {  	s25 =	sshra.s32 s22, $0x1F;
	s26 =	sshrl.u32 s23, $0x1F;
	v6 =	vcombine.low v6, v10;
	v10 =	vnsel vm11, $0x0, v63;
	v9 =	vsel vm12, s18, v9;
	s29 =	sshra.s32 s4, $0x6  }
0x160: {  	v7 =	vsel vm4, s20, v7;
	s6 =	sadd.s32 s15, s24;
	s12 =	smul.u32 $0x10624DD3, s25;
	s13 =	sshra.s32 s4, $0x1F;
	v10 =	vsel vm10, s26, v10;
	v9 =	vsel vm6, s29, v9  }
0x161: {  	v7 =	vsel vm7, s8, v7;
	s15 =	sshrl.u32 s11, $0x1F;
	s16 =	sshra.s32 s6, $0x6;
	s19 =	sshra.s32 s6, $0x1F;
	v10 =	vsel vm2, s0, v10;
	v9 =	vsel vm9, s13, v9  }
0x162: {  	v8 =	vcombine.low v8, v11;
	s14 =	sshra.s32 s5, $0x6;
	s18 =	sshrl.u32 s4, $0x1F;
	s1 =	sadd.s32 s12, s3;
	v10 =	vsel vm3, s15, v10;
	v9 =	vsel vm5, s16, v9  }
0x163: {  	s22 =	sshrl.u32 s6, $0x1F;
	v7 =	vsel vm1, s14, v7;
	s20 =	sshra.s32 s1, $0x6;
	v10 =	vsel vm6, s18, v10;
	v9 =	vsel vm8, s19, v9  }
0x164: {  	v8 =	vperm.xlane v8, v2;
	s23 =	sshrl.u32 s1, $0x1F;
	s1 =	sshra.s32 s1, $0x1F;
	v10 =	vsel vm5, s22, v10;
	v9 =	vsel vm4, s20, v9  }
0x165: {  	s24 =	sshrl.u32 s21, $0x1F;
	s25 =	sshra.s32 s21, $0x6;
	v7 =	vperm.xlane v7, v3;
	v10 =	vsel vm4, s23, v10;
	v9 =	vsel vm7, s1, v9  }
0x166: {  	v2 =	vperm.xlane v6, v2;
	v6 =	vsel vm1, s24, v10;
	v9 =	vsel vm1, s25, v9  }
0x167: {  	v5 =	vsel vm0, v7, v5;
	v6 =	vperm.xlane v6, v3;
	v3 =	vperm.xlane v9, v3  }
0x168: {  	v4 =	vadd.s32 v4, v5  }
0x169: {  	v5 =	vmul.u32 $0xFFFFFC18, v4;
	v2 =	vsel vm0, v6, v2;
	v3 =	vsel vm0, v3, v8  }
0x16a: {  	s26 =	rddreg [dreg:$0x5];
	v4 =	vadd.s32 $0x3E8, v4;
	v2 =	vadd.s32 v2, v3  }
0x16b: {  	[tilespmem:s26+$0x900] =	vst v4;
	v0 =	vadd.s32 v0, v5;
	v3 =	vmul.u32 $0xFFFFFC18, v2  }
0x16c: {  	[tilespmem:s26+$0x500] =	vst v0;
	v0 =	vadd.s32 $0x3E8, v2  }
0x16d: {  	s5 =	rddreg [dreg:$0xb];
	[tilespmem:s17+$0x900] =	vst v0;
	v0 =	vadd.s32 v1, v3  }
0x16e: {  	s4 =	simm.s32 $0x2C00;
	s29 =	simm.s32 $0x100;
	s3 =	simm.s32 $0x500;
	[tilespmem:s17+$0x500] =	vst v0  }
0x16f: {  	[tilespmem:s4], [sflag:$0x2] =	stream.indirect.gather [hbm4b:s5+s29], $0x20, s3, s29, $0xb8;
	[tilespmem:$0x10C00] =	vst v63  }
0x170: {  	s8 =	simm.s32 $0x0;
	s7 =	simm.s32 $0xAC00;
	s6 =	simm.s32 $0x900  }
0x171: {  	[tilespmem:s7], [sflag:$0x2] =	stream.indirect.gather [hbm4b:s5+s29], $0x20, s6, s29, $0xb8;
	[tilespmem:$0x10C00] =	vst v63  }
0x172: {  	v0 =	vld [tilespmem:s8+$0x200];
	_ =	sdelay $0x4  }
0x173: {  	(v2sf) =	vpush v0, $0x0  }
0x174: {  	(v2sf) =	vpush v0, $0x5  }
0x175: {  	(v2sf) =	vpush v0, $0x1  }
0x176: {  	(v2sf) =	vpush v0, $0x2;
	_ =	sdelay $0x1  }
0x177: {  	(v2sf) =	vpush v0, $0x7;
	_ =	sdelay $0x1  }
0x178: {  	(v2sf) =	vpush v0, $0x3  }
0x179: {  	(v2sf) =	vpush v0, $0x4;
	_ =	sdelay $0x1  }
0x17a: {  	(v2sf) =	vpush v0, $0xC  }
0x17b: {  	(v2sf) =	vpush v0, $0xD;
	_ =	sdelay $0x2  }
0x17c: {  	(v2sf) =	vpush v0, $0xE  }
0x17d: {  	(v2sf) =	vpush v0, $0x6;
	s10 =	spop (v2sf)  }
0x17e: {  	s7 =	spop (v2sf);
	s12 =	smulhi.u32 $0x10624DD3, s10;
	s1 =	sshra.s32 s10, $0x1F  }
0x17f: {  	s11 =	spop (v2sf);
	s1 =	smul.u32 $0x10624DD3, s1  }
0x180: {  	(v2sf) =	vpush v0, $0xF;
	s13 =	smulhi.u32 $0x10624DD3, s11;
	s21 =	spop (v2sf)  }
0x181: {  	(v2sf) =	vpush v0, $0x8;
	s0 =	sshra.s32 s11, $0x1F;
	s5 =	smulhi.u32 $0x10624DD3, s21  }
0x182: {  	s9 =	simm.s32 $0x0;
	s22 =	spop (v2sf);
	s23 =	smul.u32 $0x10624DD3, s0  }
0x183: {  	[dreg:$0x6] =	wrdreg s9;
	s3 =	sshra.s32 s21, $0x1F;
	s9 =	smulhi.u32 $0x10624DD3, s22  }
0x184: {  	(v2sf) =	vpush v0, $0x9;
	s6 =	sshra.s32 s22, $0x1F;
	s24 =	spop (v2sf);
	s3 =	smul.u32 $0x10624DD3, s3  }
0x185: {  	s6 =	smul.u32 $0x10624DD3, s6;
	s0 =	spop (v2sf)  }
0x186: {  	s16 =	smulhi.u32 $0x10624DD3, s24;
	s25 =	sshra.s32 s0, $0x1F  }
0x187: {  	s26 =	spop (v2sf);
	s11 =	smul.u32 $0x10624DD3, s25  }
0x188: {  	s2 =	sadd.s32 s23, s13;
	s19 =	spop (v2sf);
	s13 =	smulhi.u32 $0x10624DD3, s26  }
0x189: {  	s15 =	simm.s32 $0x80;
	s21 =	sshra.s32 s26, $0x1F;
	s17 =	smulhi.u32 $0x10624DD3, s19  }
0x18a: {  	s10 =	sshra.s32 s24, $0x1F;
	s22 =	smul.u32 $0x10624DD3, s21;
	s29 =	sshra.s32 s19, $0x1F  }
0x18b: {  	(v2sf) =	vpush v0, $0xB;
	s3 =	sadd.s32 s3, s5;
	s18 =	spop (v2sf);
	s4 =	smul.u32 $0x10624DD3, s29  }
0x18c: {  	(v2sf) =	vpush v0, $0xA;
	s8 =	sshra.s32 s3, $0x6;
	s20 =	spop (v2sf);
	s21 =	smulhi.u32 $0x10624DD3, s18  }
0x18d: {  	s5 =	sadd.s32 s6, s9;
	s9 =	sshrl.u32 s3, $0x1F;
	s14 =	smulhi.u32 $0x10624DD3, s20  }
0x18e: {  	s19 =	sadd.s32 s22, s13;
	s22 =	smul.u32 $0x10624DD3, s10;
	s31 =	sshra.s32 s20, $0x1F  }
0x18f: {  	s10 =	sshra.s32 s3, $0x1F;
	s31 =	smul.u32 $0x10624DD3, s31;
	s23 =	spop (v2sf)  }
0x190: {  	s20 =	sshra.s32 s5, $0x1F;
	s24 =	spop (v2sf);
	s25 =	smulhi.u32 $0x10624DD3, s23  }
0x191: {  	s4 =	sadd.s32 s4, s17;
	s23 =	sshra.s32 s23, $0x1F;
	s26 =	smulhi.u32 $0x10624DD3, s24  }
0x192: {  	v7 =	vmov s20;
	s20 =	sshrl.u32 s2, $0x1F;
	s17 =	sshra.s32 s24, $0x1F;
	s23 =	smul.u32 $0x10624DD3, s23  }
0x193: {  	s29 =	spop (v2sf);
	s3 =	smul.u32 $0x10624DD3, s17;
	s17 =	simm.s32 $0x10  }
0x194: {  	s24 =	sshrl.u32 s19, $0x1F;
	s19 =	sshra.s32 s19, $0x6;
	s13 =	smulhi.u32 $0x10624DD3, s29;
	v1 =	vld [tilespmem:s17+$0x200]  }
0x195: {  	v2 =	vimm.s32 $0xECA86420;
	s6 =	sshra.s32 s29, $0x1F;
	s29 =	sshra.s32 s18, $0x1F;
	v4 =	vmov s19;
	s19 =	smulhi.u32 $0x10624DD3, s0  }
0x196: {  	v2 =	vunpack.c.l.s4.s8 v2;
	s18 =	sadd.s32 s22, s16;
	s16 =	sshra.s32 s7, $0x1F;
	s6 =	smul.u32 $0x10624DD3, s6  }
0x197: {  	v3 =	vmov s24;
	s22 =	sshra.s32 s2, $0x6;
	s24 =	sadd.s32 s1, s12;
	s30 =	smul.u32 $0x10624DD3, s29  }
0x198: {  	v2 =	vunpack.c.0.s8.s32 v2;
	s29 =	sshra.s32 s24, $0x6;
	s13 =	sadd.s32 s6, s13;
	s6 =	sshra.s32 s4, $0x6  }
0x199: {  	s12 =	sadd.s32 s23, s25;
	s3 =	sadd.s32 s3, s26;
	v7 =	vsel vm11, s29, v7;
	s4 =	sshrl.u32 s4, $0x1F;
	v5 =	vsel vm10, s6, v4;
	(v2sf) =	vpush v1, $0x0  }
0x19a: {  	s23 =	sshra.s32 s2, $0x1F;
	s26 =	spop (v2sf);
	s25 =	sshrl.u32 s3, $0x1F;
	v4 =	vsel vm10, s4, v3;
	v3 =	vlaneseq.u32;
	(v2sf) =	vpush v1, $0x5  }
0x19b: {  	s28 =	sshra.s32 s26, $0x1F;
	s2 =	spop (v2sf);
	v6 =	vmov s25;
	s25 =	sshra.s32 s3, $0x6;
	v3 =	vmul.u32 $0x2, v3;
	(v2sf) =	vpush v1, $0x1  }
.LBB2_5:
0x19c: {  	s3 =	sshrl.u32 s18, $0x1F;
	s0 =	sadd.s32 s11, s19  }
0x19d: {  	(v2sf) =	vpush v1, $0x2;
	s4 =	rddreg [dreg:$0x6];
	s11 =	smov.u32 s17;
	v8 =	vmov s25;
	s25 =	smulhi.u32 $0x10624DD3, s2  }
0x19e: {  	s17 =	sshra.s32 s24, $0x1F;
	s29 =	sshra.s32 s2, $0x1F;
	s7 =	smulhi.u32 $0x10624DD3, s7  }
0x19f: {  	s1 =	sadd.s32 s30, s21;
	s21 =	smov.u32 s4;
	[dreg:$0x6] =	wrdreg s11;
	(v2sf) =	vpush v1, $0x7  }
0x1a0: {  	s6 =	sadd.s32 s31, s14;
	s14 =	sshra.s32 s13, $0x6;
	s2 =	smul.u32 $0x10624DD3, s29  }
0x1a1: {  	s4 =	sshrl.u32 s24, $0x1F;
	v7 =	vsel vm15, s17, v7;
	s24 =	sadd.s32 $0x40, s15;
	s29 =	smul.u32 $0x10624DD3, s28;
	(v2sf) =	vpush v1, $0x3  }
0x1a2: {  	v8 =	vsel vm10, s14, v8;
	v9 =	vmov s4;
	s14 =	sshrl.u32 s0, $0x1F;
	s17 =	sshra.s32 s1, $0x6;
	[dreg:$0xa] =	wrdreg s24;
	(v2sf) =	vpush v1, $0x4  }
0x1a3: {  	v7 =	vsel vm10, s22, v7;
	s1 =	sshrl.u32 s1, $0x1F;
	s4 =	smulhi.u32 $0x10624DD3, s26;
	s11 =	sshrl.u32 s6, $0x1F;
	v9 =	vnsel vm11, $0x0, v9;
	v5 =	vsel vm2, s17, v5  }
0x1a4: {  	s26 =	sshra.s32 s18, $0x1F;
	v7 =	vsel vm14, s23, v7;
	s2 =	sadd.s32 s2, s25;
	s25 =	smul.u32 $0x10624DD3, s16;
	v4 =	vsel vm2, s1, v4;
	(v2sf) =	vpush v1, $0xC  }
0x1a5: {  	s23 =	sshrl.u32 s12, $0x1F;
	v9 =	vsel vm10, s20, v9;
	v7 =	vsel vm2, s8, v7;
	s8 =	sshrl.u32 s5, $0x1F;
	s17 =	sshra.s32 s2, $0x6;
	(v2sf) =	vpush v1, $0xD  }
0x1a6: {  	s20 =	sshra.s32 s18, $0x6;
	s24 =	sadd.s32 s29, s4;
	s29 =	sshrl.u32 s13, $0x1F;
	v4 =	vsel vm3, s23, v4;
	v9 =	vsel vm2, s9, v9;
	v7 =	vsel vm13, s10, v7  }
0x1a7: {  	s4 =	sshra.s32 s0, $0x6;
	s0 =	sshra.s32 s0, $0x1F;
	v8 =	vsel vm2, s17, v8;
	v6 =	vsel vm10, s29, v6;
	s10 =	sshra.s32 s12, $0x6;
	v9 =	vsel vm3, s3, v9  }
0x1a8: {  	s18 =	sshrl.u32 s2, $0x1F;
	s13 =	sshra.s32 s24, $0x6;
	s16 =	sshrl.u32 s24, $0x1F;
	v7 =	vsel vm3, s20, v7;
	(v2sf) =	vpush v1, $0xE;
	v5 =	vsel vm3, s10, v5  }
0x1a9: {  	s17 =	sshra.s32 s6, $0x6;
	s3 =	sadd.s32 s25, s7;
	v8 =	vsel vm3, s13, v8;
	v7 =	vsel vm12, s26, v7;
	(v2sf) =	vpush v1, $0x6;
	s22 =	spop (v2sf)  }
0x1aa: {  	s6 =	sshra.s32 s6, $0x1F;
	v6 =	vsel vm2, s18, v6;
	s20 =	sshra.s32 s3, $0x6;
	v7 =	vsel vm6, s4, v7;
	(v2sf) =	vpush v1, $0xF;
	s7 =	spop (v2sf)  }
0x1ab: {  	s24 =	sshrl.u32 s3, $0x1F;
	v6 =	vsel vm3, s16, v6;
	v7 =	vsel vm9, s0, v7;
	(v2sf) =	vpush v1, $0x8;
	s12 =	smulhi.u32 $0x10624DD3, s22;
	s29 =	spop (v2sf)  }
0x1ac: {  	v5 =	vcombine.low v8, v5;
	s25 =	sshra.s32 s3, $0x1F;
	v4 =	vcombine.low v6, v4;
	v6 =	vsel vm5, s20, v7;
	s4 =	smulhi.u32 $0x10624DD3, s29;
	s13 =	spop (v2sf)  }
0x1ad: {  	v9 =	vsel vm6, s14, v9;
	s26 =	sshra.s32 s5, $0x6;
	v6 =	vsel vm8, s25, v6;
	s5 =	sshra.s32 s29, $0x1F;
	s14 =	smulhi.u32 $0x10624DD3, s13  }
0x1ae: {  	v8 =	vsel vm5, s24, v9;
	v5 =	vperm.xlane v5, v2;
	v6 =	vsel vm4, s17, v6;
	s18 =	sshra.s32 s22, $0x1F;
	s22 =	spop (v2sf);
	s5 =	smul.u32 $0x10624DD3, s5  }
0x1af: {  	s19 =	smov.u32 s15;
	v7 =	vsel vm4, s11, v8;
	(v2sf) =	vpush v1, $0x9;
	v6 =	vsel vm7, s6, v6;
	s9 =	sshra.s32 s13, $0x1F;
	s0 =	smulhi.u32 $0x10624DD3, s22  }
0x1b0: {  	v4 =	vperm.xlane v4, v2;
	v7 =	vsel vm1, s8, v7;
	v6 =	vsel vm1, s26, v6;
	s23 =	sshra.s32 s22, $0x1F;
	s24 =	spop (v2sf);
	s26 =	smul.u32 $0x10624DD3, s9  }
0x1b1: {  	p0 =	sne.s32 s15, $0x3C0;
	v7 =	vperm.xlane v7, v3;
	v6 =	vperm.xlane v6, v3;
	s13 =	spop (v2sf);
	s6 =	smul.u32 $0x10624DD3, s23  }
0x1b2: {  	s20 =	sshra.s32 s24, $0x1F;
	s15 =	smulhi.u32 $0x10624DD3, s24;
	s25 =	sshra.s32 s13, $0x1F  }
0x1b3: {  	v4 =	vsel vm0, v7, v4;
	v5 =	vsel vm0, v6, v5;
	s23 =	sadd.s32 s5, s4;
	s29 =	spop (v2sf);
	s11 =	smul.u32 $0x10624DD3, s25  }
0x1b4: {  	(v2sf) =	vpush v1, $0xB;
	v4 =	vadd.s32 v4, v5;
	s1 =	sadd.s32 s26, s14;
	s17 =	spop (v2sf);
	s28 =	smulhi.u32 $0x10624DD3, s29  }
0x1b5: {  	v5 =	vadd.s32 $0x3E8, v4;
	v4 =	vmul.u32 $0xFFFFFC18, v4;
	s22 =	sshra.s32 s29, $0x1F;
	s8 =	sshra.s32 s1, $0x6;
	s2 =	smulhi.u32 $0x10624DD3, s17  }
0x1b6: {  	s9 =	sshrl.u32 s1, $0x1F;
	s24 =	sshra.s32 s17, $0x1F;
	s4 =	smul.u32 $0x10624DD3, s22  }
0x1b7: {  	[tilespmem:s21+$0xA00] =	vst v5;
	s10 =	sshra.s32 s1, $0x1F;
	s26 =	spop (v2sf);
	v4 =	vadd.s32 v0, v4;
	s1 =	smul.u32 $0x10624DD3, s24  }
0x1b8: {  	s16 =	sshra.s32 s7, $0x1F;
	s25 =	spop (v2sf);
	(v2sf) =	vpush v1, $0xA;
	[tilespmem:s21+$0x600] =	vst v4;
	s21 =	smulhi.u32 $0x10624DD3, s26  }
0x1b9: {  	s5 =	sadd.s32 s6, s0;
	s14 =	smulhi.u32 $0x10624DD3, s25;
	s17 =	spop (v2sf)  }
0x1ba: {  	s24 =	sadd.s32 s4, s28;
	s30 =	spop (v2sf);
	s31 =	smulhi.u32 $0x10624DD3, s17  }
0x1bb: {  	s3 =	sshra.s32 s26, $0x1F;
	s0 =	sshra.s32 s24, $0x6;
	s4 =	smulhi.u32 $0x10624DD3, s30  }
0x1bc: {  	s29 =	sshra.s32 s17, $0x1F;
	s17 =	sshrl.u32 s24, $0x1F;
	v5 =	vmov s0;
	s0 =	smul.u32 $0x10624DD3, s20  }
0x1bd: {  	s22 =	sshra.s32 s30, $0x1F;
	v4 =	vmov s17;
	s17 =	sshra.s32 s19, $0x2;
	s19 =	smulhi.u32 $0x10624DD3, s13  }
0x1be: {  	s1 =	sadd.s32 s1, s2;
	s2 =	smul.u32 $0x10624DD3, s22;
	s26 =	spop (v2sf)  }
0x1bf: {  	s6 =	sshra.s32 s25, $0x1F;
	s28 =	sshra.s32 s26, $0x1F;
	s24 =	smulhi.u32 $0x10624DD3, s26  }
0x1c0: {  	v0 =	vmov v1;
	s25 =	sshra.s32 s5, $0x1F;
	s22 =	sshra.s32 s1, $0x6;
	v1 =	vld [tilespmem:s17+$0x200];
	s20 =	smul.u32 $0x10624DD3, s28  }
0x1c1: {  	s30 =	smul.u32 $0x10624DD3, s3;
	s1 =	sshrl.u32 s1, $0x1F;
	v5 =	vsel vm10, s22, v5;
	s22 =	sshra.s32 s23, $0x6  }
0x1c2: {  	s2 =	sadd.s32 s2, s4;
	s13 =	sadd.s32 s20, s24;
	s24 =	smul.u32 $0x10624DD3, s18  }
.Ltmp2:
0x1c3: {  	v7 =	vmov s25;
	s25 =	sshra.s32 s2, $0x6;
	s26 =	spop (v2sf);
	(pc) =	sbr.rel @p0 .LBB2_5-.Ltmp2, $4  }
0x1c4: {  	s18 =	sadd.s32 s0, s15;
	s0 =	smul.u32 $0x10624DD3, s29;
	s20 =	sshrl.u32 s23, $0x1F  }
0x1c5: {  	s23 =	sshra.s32 s23, $0x1F;
	(v2sf) =	vpush v1, $0x0;
	s15 =	sshrl.u32 s2, $0x1F;
	s24 =	sadd.s32 s24, s12  }
0x1c6: {  	s28 =	sshra.s32 s26, $0x1F;
	(v2sf) =	vpush v1, $0x5;
	v6 =	vmov s15;
	s15 =	rddreg [dreg:$0xa];
	s29 =	sshra.s32 s24, $0x6  }
0x1c7: {  	v4 =	vsel vm10, s1, v4;
	(v2sf) =	vpush v1, $0x1;
	s12 =	sadd.s32 s0, s31;
	s31 =	smul.u32 $0x10624DD3, s6;
	v7 =	vsel vm11, s29, v7;
	s2 =	spop (v2sf)  }
0x1c8: {  	(v2sf) =	vpush v1, $0x2  }
0x1c9: {  	(v2sf) =	vpush v1, $0x7;
	_ =	sdelay $0x1  }
0x1ca: {  	s4 =	smulhi.u32 $0x10624DD3, s2;
	(v2sf) =	vpush v1, $0x3  }
0x1cb: {  	s0 =	smul.u32 $0x10624DD3, s28  }
0x1cc: {  	s1 =	sshra.s32 s2, $0x1F;
	s2 =	smul.u32 $0x10624DD3, s16  }
0x1cd: {  	s16 =	smulhi.u32 $0x10624DD3, s7;
	(v2sf) =	vpush v1, $0x4  }
0x1ce: {  	s15 =	smul.u32 $0x10624DD3, s1;
	[smem:$0x7CE] =	sst s0;
	(v2sf) =	vpush v1, $0xC  }
0x1cf: {  	s1 =	smulhi.u32 $0x10624DD3, s26;
	[smem:$0x7D0] =	sst s2;
	(v2sf) =	vpush v1, $0xD  }
0x1d0: {  	[smem:$0x7D1] =	sst s16  }
0x1d1: {  	[smem:$0x7CF] =	sst s1;
	(v2sf) =	vpush v1, $0xE  }
0x1d2: {  	s19 =	sadd.s32 s11, s19;
	s11 =	sld [smem:$0x7CE];
	(v2sf) =	vpush v1, $0x6  }
0x1d3: {  	s15 =	sadd.s32 s15, s4;
	s4 =	sld [smem:$0x7D1];
	s6 =	spop (v2sf)  }
0x1d4: {  	s14 =	sadd.s32 s31, s14;
	s31 =	sld [smem:$0x7CF];
	s3 =	spop (v2sf)  }
0x1d5: {  	[dreg:$0x12] =	wrdreg s3;
	s26 =	spop (v2sf)  }
0x1d6: {  	(v2sf) =	vpush v1, $0xF;
	s2 =	smulhi.u32 $0x10624DD3, s26;
	s1 =	sshra.s32 s26, $0x1F;
	s16 =	spop (v2sf)  }
0x1d7: {  	(v2sf) =	vpush v1, $0x8;
	s3 =	smul.u32 $0x10624DD3, s1;
	s7 =	spop (v2sf)  }
0x1d8: {  	[smem:$0x7D2] =	sst s2;
	s26 =	smulhi.u32 $0x10624DD3, s7  }
0x1d9: {  	s2 =	spop (v2sf);
	[smem:$0x7D3] =	sst s3  }
0x1da: {  	(v2sf) =	vpush v1, $0x9;
	[smem:$0x7DC] =	sst s2;
	s3 =	sshra.s32 s7, $0x1F;
	s7 =	smulhi.u32 $0x10624DD3, s16  }
0x1db: {  	s16 =	sshra.s32 s16, $0x1F;
	[smem:$0x7D5] =	sst s26;
	s0 =	smul.u32 $0x10624DD3, s3  }
0x1dc: {  	s26 =	spop (v2sf);
	s29 =	smul.u32 $0x10624DD3, s16  }
0x1dd: {  	[smem:$0x7D6] =	sst s0;
	s0 =	spop (v2sf)  }
0x1de: {  	[smem:$0x7D4] =	sst s7;
	s2 =	spop (v2sf)  }
0x1df: {  	[smem:$0x7DB] =	sst s26;
	s26 =	sshra.s32 s0, $0x1F;
	s7 =	smulhi.u32 $0x10624DD3, s2  }
0x1e0: {  	s3 =	spop (v2sf);
	s16 =	sshra.s32 s2, $0x1F;
	s2 =	smul.u32 $0x10624DD3, s26  }
0x1e1: {  	s26 =	spop (v2sf);
	[smem:$0x7D8] =	sst s7  }
0x1e2: {  	s1 =	smul.u32 $0x10624DD3, s16;
	[smem:$0x7D7] =	sst s2  }
0x1e3: {  	[dreg:$0xf] =	wrdreg s26  }
0x1e4: {  	s30 =	sadd.s32 s30, s21;
	s21 =	smulhi.u32 $0x10624DD3, s6;
	[smem:$0x7D9] =	sst s1  }
0x1e5: {  	s11 =	sadd.s32 s11, s31;
	s2 =	spop (v2sf);
	s1 =	sld [smem:$0x7D0]  }
0x1e6: {  	s6 =	sshra.s32 s6, $0x1F;
	s26 =	smulhi.u32 $0x10624DD3, s0;
	s7 =	spop (v2sf)  }
0x1e7: {  	s31 =	sld [smem:$0x7D3];
	s16 =	sshra.s32 s7, $0x1F;
	s0 =	smulhi.u32 $0x10624DD3, s7  }
0x1e8: {  	s1 =	sadd.s32 s1, s4;
	s4 =	smul.u32 $0x10624DD3, s6;
	s6 =	sld [smem:$0x7D2]  }
0x1e9: {  	s7 =	spop (v2sf);
	s28 =	smul.u32 $0x10624DD3, s16  }
0x1ea: {  	s16 =	smulhi.u32 $0x10624DD3, s7;
	[smem:$0x7DA] =	sst s0;
	s0 =	sshra.s32 s7, $0x1F  }
0x1eb: {  	s7 =	smul.u32 $0x10624DD3, s0;
	s0 =	sadd.s32 s31, s6;
	s31 =	sld [smem:$0x7D4]  }
0x1ec: {  	(v2sf) =	vpush v1, $0xB;
	s6 =	sld [smem:$0x7D5]  }
0x1ed: {  	s7 =	sadd.s32 s7, s16;
	[dreg:$0x17] =	wrdreg s0  }
0x1ee: {  	v9 =	vmov s25;
	s25 =	sshra.s32 s1, $0x6;
	[dreg:$0x1d] =	wrdreg s7  }
0x1ef: {  	s7 =	sadd.s32 s4, s21;
	s4 =	sshra.s32 s24, $0x1F;
	s21 =	sshra.s32 s30, $0x6  }
0x1f0: {  	v7 =	vsel vm15, s4, v7;
	s4 =	sshrl.u32 s13, $0x1F;
	s0 =	sadd.s32 s29, s31;
	s31 =	sld [smem:$0x7D6]  }
0x1f1: {  	s29 =	smulhi.u32 $0x10624DD3, s2;
	s2 =	sshra.s32 s2, $0x1F;
	v7 =	vsel vm10, s22, v7;
	s22 =	sshra.s32 s11, $0x6  }
0x1f2: {  	s11 =	sshrl.u32 s11, $0x1F;
	[smem:$0x7DE] =	sst s0;
	s2 =	smul.u32 $0x10624DD3, s2  }
0x1f3: {  	v7 =	vsel vm14, s23, v7;
	s23 =	sshra.s32 s15, $0x6;
	s0 =	sadd.s32 s31, s6;
	s31 =	sld [smem:$0x7D7]  }
0x1f4: {  	s15 =	sshrl.u32 s15, $0x1F;
	v7 =	vsel vm2, s8, v7;
	s8 =	sshra.s32 s14, $0x1F;
	s6 =	sld [smem:$0x7D8]  }
0x1f5: {  	s2 =	sadd.s32 s2, s29;
	s29 =	sshrl.u32 s18, $0x1F;
	[smem:$0x7DD] =	sst s0  }
0x1f6: {  	s0 =	smulhi.u32 $0x10624DD3, s3;
	s3 =	sshra.s32 s3, $0x1F;
	[dreg:$0x1a] =	wrdreg s2  }
0x1f7: {  	(v2sf) =	vpush v1, $0xA;
	s2 =	sshrl.u32 s24, $0x1F;
	s26 =	sadd.s32 s31, s26;
	s31 =	sld [smem:$0x7D9]  }
0x1f8: {  	s24 =	sshrl.u32 s30, $0x1F;
	s30 =	sshra.s32 s18, $0x6;
	s18 =	sshra.s32 s18, $0x1F;
	v8 =	vmov s2  }
0x1f9: {  	v5 =	vsel vm2, s21, v5;
	s3 =	smul.u32 $0x10624DD3, s3;
	s2 =	sshrl.u32 s12, $0x1F;
	s21 =	sld [smem:$0x7DD];
	v8 =	vnsel vm11, $0x0, v8  }
0x1fa: {  	v8 =	vsel vm10, s20, v8;
	s20 =	sshra.s32 s14, $0x6;
	s6 =	sadd.s32 s31, s6;
	s31 =	sld [smem:$0x7DA]  }
0x1fb: {  	v6 =	vsel vm10, s4, v6;
	v4 =	vsel vm2, s24, v4;
	s24 =	sshrl.u32 s26, $0x1F;
	s4 =	sshra.s32 s26, $0x6;
	s26 =	spop (v2sf)  }
0x1fc: {  	v8 =	vsel vm2, s9, v8;
	s9 =	sshrl.u32 s1, $0x1F;
	s1 =	sshra.s32 s1, $0x1F;
	v10 =	vmov s24;
	s24 =	sshra.s32 s21, $0x1F  }
0x1fd: {  	v11 =	vmov s4;
	s4 =	smulhi.u32 $0x10624DD3, s26;
	v8 =	vsel vm3, s29, v8;
	s29 =	sld [smem:$0x7DB];
	s16 =	sadd.s32 s28, s31  }
0x1fe: {  	s28 =	sadd.s32 s3, s0;
	s31 =	sshra.s32 s13, $0x6;
	s13 =	sshrl.u32 s19, $0x1F  }
0x1ff: {  	v7 =	vsel vm13, s10, v7;
	s0 =	sshra.s32 s19, $0x6;
	s19 =	sshra.s32 s19, $0x1F;
	s3 =	sshrl.u32 s14, $0x1F  }
0x200: {  	v7 =	vsel vm3, s30, v7;
	s14 =	sshra.s32 s12, $0x6;
	s10 =	sshra.s32 s29, $0x1F;
	v9 =	vsel vm10, s31, v9;
	s31 =	sld [smem:$0x7DC]  }
0x201: {  	v6 =	vsel vm2, s15, v6;
	v7 =	vsel vm12, s18, v7;
	s10 =	smul.u32 $0x10624DD3, s10;
	v8 =	vsel vm6, s13, v8;
	s13 =	sshrl.u32 s16, $0x1F;
	s16 =	sshra.s32 s16, $0x6  }
0x202: {  	v12 =	vmov s24;
	v5 =	vsel vm3, s14, v5;
	s14 =	sshra.s32 s6, $0x6;
	s6 =	sshrl.u32 s6, $0x1F;
	v13 =	vmov s16;
	s16 =	rddreg [dreg:$0x1d]  }
0x203: {  	v7 =	vsel vm6, s0, v7;
	s24 =	sshra.s32 s28, $0x6;
	v9 =	vsel vm2, s23, v9;
	s23 =	sshra.s32 s26, $0x1F;
	v11 =	vsel vm10, s14, v11;
	s14 =	rddreg [dreg:$0x17]  }
0x204: {  	v6 =	vsel vm3, s11, v6;
	v7 =	vsel vm9, s19, v7;
	v9 =	vsel vm3, s22, v9;
	s22 =	sshrl.u32 s5, $0x1F;
	s11 =	smul.u32 $0x10624DD3, s23;
	s23 =	sld [smem:$0x7DE]  }
0x205: {  	v8 =	vsel vm5, s9, v8;
	v7 =	vsel vm5, s25, v7;
	s25 =	sshra.s32 s7, $0x6;
	s26 =	sshra.s32 s16, $0x6;
	v11 =	vsel vm2, s24, v11;
	s24 =	rddreg [dreg:$0x1a]  }
0x206: {  	v8 =	vsel vm4, s3, v8;
	s12 =	smulhi.u32 $0x10624DD3, s31;
	s18 =	sshra.s32 s31, $0x1F;
	s31 =	spop (v2sf)  }
0x207: {  	v4 =	vsel vm3, s2, v4;
	v8 =	vsel vm1, s22, v8;
	v13 =	vsel vm10, s26, v13;
	s22 =	sshra.s32 s14, $0x6;
	s26 =	sshra.s32 s24, $0x6;
	s9 =	smulhi.u32 $0x10624DD3, s31  }
0x208: {  	v4 =	vcombine.low v6, v4;
	v6 =	vmov s13;
	s19 =	sshra.s32 s31, $0x1F;
	s31 =	sshra.s32 s7, $0x1F;
	s13 =	smul.u32 $0x10624DD3, s18  }
0x209: {  	s4 =	sadd.s32 s11, s4;
	v11 =	vsel vm3, s26, v11;
	s18 =	sshra.s32 s14, $0x1F;
	s26 =	smulhi.u32 $0x10624DD3, s29  }
0x20a: {  	v10 =	vsel vm10, s6, v10;
	v12 =	vsel vm11, s25, v12;
	s3 =	smul.u32 $0x10624DD3, s19;
	s19 =	rddreg [dreg:$0x12];
	s6 =	sshra.s32 s23, $0x6  }
0x20b: {  	v4 =	vperm.xlane v4, v2;
	v8 =	vperm.xlane v8, v3;
	s0 =	sshrl.u32 s23, $0x1F;
	v12 =	vsel vm15, s31, v12;
	s31 =	sshra.s32 s4, $0x6;
	s4 =	sshrl.u32 s4, $0x1F  }
0x20c: {  	v7 =	vsel vm8, s1, v7;
	s15 =	sshra.s32 s19, $0x1F;
	v12 =	vsel vm10, s22, v12;
	s22 =	rddreg [dreg:$0xf];
	s2 =	sadd.s32 s3, s9  }
0x20d: {  	v5 =	vcombine.low v9, v5;
	v7 =	vsel vm4, s20, v7;
	v4 =	vsel vm0, v8, v4;
	s11 =	sadd.s32 s13, s12;
	s13 =	sshrl.u32 s7, $0x1F;
	s25 =	sshra.s32 s2, $0x6  }
0x20e: {  	s12 =	sshrl.u32 s24, $0x1F;
	s24 =	smulhi.u32 $0x10624DD3, s19;
	v62 =	vsel vm14, s18, v12;
	v63 =	vmov s13;
	v13 =	vsel vm2, s25, v13;
	s25 =	sshrl.u32 s16, $0x1F  }
0x20f: {  	s9 =	sshra.s32 s23, $0x1F;
	s2 =	sshrl.u32 s2, $0x1F;
	v9 =	vsel vm2, s6, v62;
	v8 =	vsel vm3, s31, v13;
	s31 =	sshrl.u32 s28, $0x1F;
	v6 =	vsel vm10, s25, v6  }
0x210: {  	s3 =	smulhi.u32 $0x10624DD3, s22;
	s23 =	smov.u32 s14;
	s14 =	sshra.s32 s11, $0x6;
	v9 =	vsel vm13, s9, v9;
	v10 =	vsel vm2, s31, v10;
	v6 =	vsel vm2, s2, v6  }
0x211: {  	s15 =	smul.u32 $0x10624DD3, s15;
	s18 =	sshra.s32 s11, $0x1F;
	v9 =	vsel vm3, s14, v9;
	v10 =	vsel vm3, s12, v10;
	v6 =	vsel vm3, s4, v6;
	s4 =	sadd.s32 s10, s26  }
0x212: {  	s25 =	sshra.s32 s22, $0x1F;
	v9 =	vsel vm12, s18, v9;
	s26 =	sshrl.u32 s23, $0x1F;
	v6 =	vcombine.low v6, v10;
	v10 =	vnsel vm11, $0x0, v63;
	s31 =	sshra.s32 s4, $0x6  }
0x213: {  	v5 =	vperm.xlane v5, v2;
	s6 =	sadd.s32 s15, s24;
	s12 =	smul.u32 $0x10624DD3, s25;
	s13 =	sshra.s32 s4, $0x1F;
	v10 =	vsel vm10, s26, v10;
	v9 =	vsel vm6, s31, v9  }
0x214: {  	v7 =	vsel vm7, s8, v7;
	s15 =	sshrl.u32 s11, $0x1F;
	s14 =	sshra.s32 s5, $0x6;
	s16 =	sshra.s32 s6, $0x6;
	v10 =	vsel vm2, s0, v10;
	v9 =	vsel vm9, s13, v9  }
0x215: {  	s19 =	sshra.s32 s6, $0x1F;
	v8 =	vcombine.low v8, v11;
	s18 =	sshrl.u32 s4, $0x1F;
	s1 =	sadd.s32 s12, s3;
	v10 =	vsel vm3, s15, v10;
	v9 =	vsel vm5, s16, v9  }
0x216: {  	s22 =	sshrl.u32 s6, $0x1F;
	v7 =	vsel vm1, s14, v7;
	s20 =	sshra.s32 s1, $0x6;
	v10 =	vsel vm6, s18, v10;
	v9 =	vsel vm8, s19, v9  }
0x217: {  	v7 =	vperm.xlane v7, v3;
	s23 =	sshrl.u32 s1, $0x1F;
	s1 =	sshra.s32 s1, $0x1F;
	v10 =	vsel vm5, s22, v10;
	v9 =	vsel vm4, s20, v9  }
0x218: {  	s24 =	sshrl.u32 s21, $0x1F;
	s25 =	sshra.s32 s21, $0x6;
	v8 =	vperm.xlane v8, v2;
	v10 =	vsel vm4, s23, v10;
	v9 =	vsel vm7, s1, v9  }
0x219: {  	v2 =	vperm.xlane v6, v2;
	v6 =	vsel vm1, s24, v10;
	v9 =	vsel vm1, s25, v9  }
0x21a: {  	v5 =	vsel vm0, v7, v5;
	v6 =	vperm.xlane v6, v3;
	v3 =	vperm.xlane v9, v3  }
0x21b: {  	v4 =	vadd.s32 v4, v5  }
0x21c: {  	v5 =	vmul.u32 $0xFFFFFC18, v4;
	v2 =	vsel vm0, v6, v2;
	v3 =	vsel vm0, v3, v8  }
0x21d: {  	s26 =	rddreg [dreg:$0x6];
	v4 =	vadd.s32 $0x3E8, v4;
	v2 =	vadd.s32 v2, v3  }
0x21e: {  	[tilespmem:s26+$0xA00] =	vst v4;
	v0 =	vadd.s32 v0, v5;
	v3 =	vmul.u32 $0xFFFFFC18, v2  }
0x21f: {  	[tilespmem:s26+$0x600] =	vst v0;
	v0 =	vadd.s32 $0x3E8, v2  }
0x220: {  	s5 =	rddreg [dreg:$0xb];
	[tilespmem:s17+$0xA00] =	vst v0;
	v0 =	vadd.s32 v1, v3  }
0x221: {  	s4 =	simm.s32 $0x4C00;
	s31 =	simm.s32 $0x100;
	s3 =	simm.s32 $0x600;
	[tilespmem:s17+$0x600] =	vst v0  }
0x222: {  	[tilespmem:s4], [sflag:$0x3] =	stream.indirect.gather [hbm4b:s5+s31], $0x20, s3, s31, $0xb8;
	[tilespmem:$0x10C00] =	vst v63  }
0x223: {  	s8 =	simm.s32 $0x0;
	s7 =	simm.s32 $0xCC00;
	s6 =	simm.s32 $0xA00  }
0x224: {  	[tilespmem:s7], [sflag:$0x3] =	stream.indirect.gather [hbm4b:s5+s31], $0x20, s6, s31, $0xb8;
	[tilespmem:$0x10C00] =	vst v63  }
0x225: {  	v0 =	vld [tilespmem:s8+$0x300];
	_ =	sdelay $0x4  }
0x226: {  	(v2sf) =	vpush v0, $0x0  }
0x227: {  	(v2sf) =	vpush v0, $0x5  }
0x228: {  	(v2sf) =	vpush v0, $0x1  }
0x229: {  	(v2sf) =	vpush v0, $0x2;
	_ =	sdelay $0x1  }
0x22a: {  	(v2sf) =	vpush v0, $0x7;
	_ =	sdelay $0x1  }
0x22b: {  	(v2sf) =	vpush v0, $0x3  }
0x22c: {  	(v2sf) =	vpush v0, $0x4;
	_ =	sdelay $0x1  }
0x22d: {  	(v2sf) =	vpush v0, $0xC  }
0x22e: {  	(v2sf) =	vpush v0, $0xD;
	_ =	sdelay $0x2  }
0x22f: {  	(v2sf) =	vpush v0, $0xE  }
0x230: {  	(v2sf) =	vpush v0, $0x6;
	s10 =	spop (v2sf)  }
0x231: {  	s8 =	spop (v2sf);
	s11 =	smulhi.u32 $0x10624DD3, s10;
	s1 =	sshra.s32 s10, $0x1F  }
0x232: {  	(v2sf) =	vpush v0, $0xF;
	s12 =	spop (v2sf);
	s1 =	smul.u32 $0x10624DD3, s1  }
0x233: {  	(v2sf) =	vpush v0, $0x8;
	s13 =	smulhi.u32 $0x10624DD3, s12;
	s22 =	spop (v2sf)  }
0x234: {  	(v2sf) =	vpush v0, $0x9;
	s0 =	sshra.s32 s12, $0x1F;
	s5 =	smulhi.u32 $0x10624DD3, s22  }
0x235: {  	s23 =	spop (v2sf);
	s24 =	smul.u32 $0x10624DD3, s0  }
0x236: {  	s3 =	sshra.s32 s22, $0x1F;
	s7 =	smulhi.u32 $0x10624DD3, s23  }
0x237: {  	s6 =	sshra.s32 s23, $0x1F;
	s25 =	spop (v2sf);
	s3 =	smul.u32 $0x10624DD3, s3  }
0x238: {  	s6 =	smul.u32 $0x10624DD3, s6;
	s0 =	spop (v2sf)  }
0x239: {  	s15 =	smulhi.u32 $0x10624DD3, s25;
	s31 =	sshra.s32 s0, $0x1F  }
0x23a: {  	s4 =	spop (v2sf);
	s12 =	smul.u32 $0x10624DD3, s31  }
0x23b: {  	s2 =	sadd.s32 s24, s13;
	s19 =	spop (v2sf);
	s13 =	smulhi.u32 $0x10624DD3, s4  }
0x23c: {  	s9 =	simm.s32 $0x0;
	s21 =	sshra.s32 s4, $0x1F;
	s17 =	smulhi.u32 $0x10624DD3, s19  }
0x23d: {  	[dreg:$0x7] =	wrdreg s9;
	s22 =	smul.u32 $0x10624DD3, s21;
	s26 =	sshra.s32 s19, $0x1F  }
0x23e: {  	s18 =	spop (v2sf);
	s31 =	smul.u32 $0x10624DD3, s26  }
0x23f: {  	(v2sf) =	vpush v0, $0xB;
	s10 =	sshra.s32 s25, $0x1F;
	s20 =	spop (v2sf);
	s21 =	smulhi.u32 $0x10624DD3, s18  }
0x240: {  	(v2sf) =	vpush v0, $0xA;
	s3 =	sadd.s32 s3, s5;
	s18 =	sshra.s32 s18, $0x1F;
	s14 =	smulhi.u32 $0x10624DD3, s20  }
0x241: {  	s30 =	sshra.s32 s20, $0x1F;
	s20 =	smulhi.u32 $0x10624DD3, s0;
	s23 =	spop (v2sf)  }
0x242: {  	s5 =	sadd.s32 s6, s7;
	s29 =	smul.u32 $0x10624DD3, s18;
	s24 =	spop (v2sf)  }
0x243: {  	s17 =	sadd.s32 s31, s17;
	s31 =	smul.u32 $0x10624DD3, s10;
	s4 =	spop (v2sf)  }
0x244: {  	s19 =	sadd.s32 s22, s13;
	s22 =	smulhi.u32 $0x10624DD3, s4;
	s6 =	sshra.s32 s4, $0x1F  }
0x245: {  	s16 =	simm.s32 $0x80;
	s9 =	sshra.s32 s3, $0x6;
	s6 =	smul.u32 $0x10624DD3, s6  }
0x246: {  	s7 =	sshrl.u32 s3, $0x1F;
	s10 =	sshra.s32 s3, $0x1F;
	s30 =	smul.u32 $0x10624DD3, s30  }
0x247: {  	s25 =	smulhi.u32 $0x10624DD3, s23;
	s13 =	sadd.s32 s6, s22;
	s6 =	simm.s32 $0x10  }
0x248: {  	s15 =	sadd.s32 s31, s15;
	s23 =	sshra.s32 s23, $0x1F;
	s26 =	smulhi.u32 $0x10624DD3, s24;
	v1 =	vld [tilespmem:s6+$0x300]  }
0x249: {  	s31 =	sshra.s32 s17, $0x6;
	s23 =	smul.u32 $0x10624DD3, s23;
	s4 =	sshra.s32 s24, $0x1F  }
0x24a: {  	s24 =	sshrl.u32 s19, $0x1F;
	s19 =	sshra.s32 s19, $0x6;
	s3 =	smul.u32 $0x10624DD3, s4  }
0x24b: {  	v2 =	vimm.s32 $0xECA86420;
	s4 =	sshrl.u32 s17, $0x1F;
	s17 =	sshra.s32 s8, $0x1F;
	v3 =	vmov s24;
	v4 =	vmov s19;
	s24 =	sadd.s32 s1, s11  }
0x24c: {  	v2 =	vunpack.c.l.s4.s8 v2;
	s19 =	sshra.s32 s5, $0x1F;
	s11 =	sadd.s32 s23, s25;
	s23 =	sshra.s32 s2, $0x1F;
	v5 =	vsel vm10, s31, v4;
	v4 =	vsel vm10, s4, v3  }
0x24d: {  	v7 =	vmov s19;
	s19 =	sshrl.u32 s2, $0x1F;
	v3 =	vlaneseq.u32;
	s31 =	sshra.s32 s24, $0x6;
	s3 =	sadd.s32 s3, s26;
	(v2sf) =	vpush v1, $0x0  }
0x24e: {  	v2 =	vunpack.c.0.s8.s32 v2;
	s26 =	spop (v2sf);
	s22 =	sshra.s32 s2, $0x6;
	v3 =	vmul.u32 $0x2, v3;
	s25 =	sshrl.u32 s3, $0x1F;
	(v2sf) =	vpush v1, $0x5  }
0x24f: {  	v7 =	vsel vm11, s31, v7;
	s28 =	sshra.s32 s26, $0x1F;
	s2 =	spop (v2sf);
	v6 =	vmov s25;
	s25 =	sshra.s32 s3, $0x6;
	(v2sf) =	vpush v1, $0x1  }
.LBB2_7:
0x250: {  	s1 =	sadd.s32 s29, s21;
	s3 =	sshrl.u32 s15, $0x1F  }
0x251: {  	(v2sf) =	vpush v1, $0x2;
	s0 =	sadd.s32 s12, s20;
	s20 =	smov.u32 s16;
	s4 =	rddreg [dreg:$0x7]  }
0x252: {  	s12 =	smov.u32 s6;
	v8 =	vmov s25;
	s31 =	sshra.s32 s24, $0x1F;
	s25 =	smulhi.u32 $0x10624DD3, s2  }
0x253: {  	s18 =	sshrl.u32 s24, $0x1F;
	s24 =	smulhi.u32 $0x10624DD3, s26;
	s26 =	sshra.s32 s15, $0x6;
	(v2sf) =	vpush v1, $0x7  }
0x254: {  	s8 =	smulhi.u32 $0x10624DD3, s8;
	p0 =	sne.s32 s16, $0x3C0;
	s21 =	smov.u32 s4  }
0x255: {  	[dreg:$0x7] =	wrdreg s12;
	s6 =	sadd.s32 s30, s14;
	s4 =	sshra.s32 s2, $0x1F;
	(v2sf) =	vpush v1, $0x3  }
0x256: {  	s14 =	sshra.s32 s13, $0x6;
	v7 =	vsel vm15, s31, v7;
	v9 =	vmov s18;
	s31 =	sshra.s32 s1, $0x6;
	s2 =	smul.u32 $0x10624DD3, s4;
	(v2sf) =	vpush v1, $0x4  }
0x257: {  	s18 =	sadd.s32 $0x40, s16;
	s1 =	sshrl.u32 s1, $0x1F;
	v8 =	vsel vm10, s14, v8;
	v7 =	vsel vm10, s22, v7;
	s4 =	smul.u32 $0x10624DD3, s28;
	v9 =	vnsel vm11, $0x0, v9  }
0x258: {  	s14 =	sshrl.u32 s0, $0x1F;
	v5 =	vsel vm2, s31, v5;
	s12 =	sshrl.u32 s6, $0x1F;
	s22 =	sshra.s32 s11, $0x6;
	v9 =	vsel vm10, s19, v9;
	(v2sf) =	vpush v1, $0xC  }
0x259: {  	v7 =	vsel vm14, s23, v7;
	s2 =	sadd.s32 s2, s25;
	v9 =	vsel vm2, s7, v9;
	s7 =	sshrl.u32 s5, $0x1F;
	s31 =	sadd.s32 s4, s24;
	(v2sf) =	vpush v1, $0xD  }
0x25a: {  	v4 =	vsel vm2, s1, v4;
	v7 =	vsel vm2, s9, v7;
	s4 =	smul.u32 $0x10624DD3, s17;
	s17 =	sshra.s32 s0, $0x6;
	s0 =	sshra.s32 s0, $0x1F  }
0x25b: {  	v5 =	vsel vm3, s22, v5;
	s25 =	sshra.s32 s2, $0x6;
	v7 =	vsel vm13, s10, v7;
	v9 =	vsel vm3, s3, v9;
	s10 =	sshra.s32 s15, $0x1F;
	s15 =	sshrl.u32 s13, $0x1F  }
0x25c: {  	s23 =	sshra.s32 s31, $0x6;
	s24 =	sshrl.u32 s31, $0x1F;
	v8 =	vsel vm2, s25, v8;
	v7 =	vsel vm3, s26, v7;
	(v2sf) =	vpush v1, $0xE;
	s3 =	sadd.s32 s4, s8  }
0x25d: {  	v6 =	vsel vm10, s15, v6;
	s25 =	sshrl.u32 s2, $0x1F;
	v9 =	vsel vm6, s14, v9;
	s4 =	sshrl.u32 s11, $0x1F;
	(v2sf) =	vpush v1, $0x6;
	s31 =	spop (v2sf)  }
0x25e: {  	v7 =	vsel vm12, s10, v7;
	v8 =	vsel vm3, s23, v8;
	s26 =	sshra.s32 s3, $0x6;
	v6 =	vsel vm2, s25, v6;
	s13 =	sshrl.u32 s3, $0x1F;
	s8 =	spop (v2sf)  }
0x25f: {  	v4 =	vsel vm3, s4, v4;
	s14 =	sshra.s32 s3, $0x1F;
	v7 =	vsel vm6, s17, v7;
	(v2sf) =	vpush v1, $0xF;
	s11 =	smulhi.u32 $0x10624DD3, s31;
	s19 =	spop (v2sf)  }
0x260: {  	v6 =	vsel vm3, s24, v6;
	s17 =	sshra.s32 s5, $0x6;
	v7 =	vsel vm9, s0, v7;
	(v2sf) =	vpush v1, $0x8;
	s22 =	smulhi.u32 $0x10624DD3, s19;
	s23 =	spop (v2sf)  }
0x261: {  	s0 =	sshra.s32 s6, $0x6;
	v4 =	vcombine.low v6, v4;
	v6 =	vsel vm5, s26, v7;
	s5 =	sshra.s32 s19, $0x1F;
	s24 =	smulhi.u32 $0x10624DD3, s23  }
0x262: {  	v5 =	vcombine.low v8, v5;
	s6 =	sshra.s32 s6, $0x1F;
	v6 =	vsel vm8, s14, v6;
	s25 =	spop (v2sf);
	s5 =	smul.u32 $0x10624DD3, s5  }
0x263: {  	v8 =	vsel vm5, s13, v9;
	v6 =	vsel vm4, s0, v6;
	s15 =	sshra.s32 s31, $0x1F;
	(v2sf) =	vpush v1, $0x9;
	s9 =	sshra.s32 s23, $0x1F;
	s0 =	smulhi.u32 $0x10624DD3, s25  }
0x264: {  	v7 =	vsel vm4, s12, v8;
	v5 =	vperm.xlane v5, v2;
	v6 =	vsel vm7, s6, v6;
	s26 =	sshra.s32 s25, $0x1F;
	s31 =	spop (v2sf);
	s12 =	smul.u32 $0x10624DD3, s9  }
0x265: {  	v4 =	vperm.xlane v4, v2;
	v7 =	vsel vm1, s7, v7;
	v6 =	vsel vm1, s17, v6;
	s19 =	sshra.s32 s31, $0x1F;
	s13 =	spop (v2sf);
	s6 =	smul.u32 $0x10624DD3, s26  }
0x266: {  	v7 =	vperm.xlane v7, v3;
	v6 =	vperm.xlane v6, v3;
	s23 =	sadd.s32 s5, s22;
	s16 =	smulhi.u32 $0x10624DD3, s31;
	s4 =	sshra.s32 s13, $0x1F  }
0x267: {  	s5 =	spop (v2sf);
	s1 =	sadd.s32 s12, s24;
	s12 =	smul.u32 $0x10624DD3, s4  }
0x268: {  	v4 =	vsel vm0, v7, v4;
	(v2sf) =	vpush v1, $0xB;
	v5 =	vsel vm0, v6, v5;
	s14 =	spop (v2sf);
	s22 =	sshra.s32 s5, $0x1F;
	s28 =	smulhi.u32 $0x10624DD3, s5  }
0x269: {  	v4 =	vadd.s32 v4, v5;
	s5 =	sadd.s32 s6, s0;
	s6 =	sshra.s32 s20, $0x2;
	s20 =	smulhi.u32 $0x10624DD3, s13  }
0x26a: {  	v5 =	vadd.s32 $0x3E8, v4;
	v4 =	vmul.u32 $0xFFFFFC18, v4;
	s9 =	sshra.s32 s1, $0x6;
	s7 =	sshrl.u32 s1, $0x1F;
	s2 =	smulhi.u32 $0x10624DD3, s14  }
0x26b: {  	s24 =	sshra.s32 s14, $0x1F;
	s26 =	spop (v2sf);
	s31 =	smul.u32 $0x10624DD3, s22  }
0x26c: {  	[tilespmem:s21+$0xB00] =	vst v5;
	s10 =	sshra.s32 s1, $0x1F;
	v4 =	vadd.s32 v0, v4;
	s25 =	spop (v2sf);
	(v2sf) =	vpush v1, $0xA;
	s1 =	smul.u32 $0x10624DD3, s24  }
0x26d: {  	s17 =	sshra.s32 s8, $0x1F;
	[tilespmem:s21+$0x700] =	vst v4;
	s21 =	smulhi.u32 $0x10624DD3, s26  }
0x26e: {  	s3 =	sshra.s32 s26, $0x1F;
	s14 =	smulhi.u32 $0x10624DD3, s25;
	s4 =	spop (v2sf)  }
0x26f: {  	s24 =	sadd.s32 s31, s28;
	s30 =	spop (v2sf);
	s31 =	smulhi.u32 $0x10624DD3, s4  }
0x270: {  	s0 =	sshra.s32 s24, $0x6;
	s22 =	sshra.s32 s30, $0x1F;
	s30 =	smulhi.u32 $0x10624DD3, s30  }
0x271: {  	s29 =	sshra.s32 s4, $0x1F;
	s4 =	sshrl.u32 s24, $0x1F;
	v5 =	vmov s0;
	s0 =	smul.u32 $0x10624DD3, s19  }
0x272: {  	s1 =	sadd.s32 s1, s2;
	s2 =	smul.u32 $0x10624DD3, s22;
	s26 =	spop (v2sf)  }
0x273: {  	v4 =	vmov s4;
	s4 =	sshra.s32 s25, $0x1F;
	s28 =	sshra.s32 s26, $0x1F;
	s24 =	smulhi.u32 $0x10624DD3, s26  }
0x274: {  	v0 =	vmov v1;
	v1 =	vld [tilespmem:s6+$0x300];
	s25 =	sshra.s32 s5, $0x1F;
	s22 =	sshra.s32 s1, $0x6;
	s19 =	smul.u32 $0x10624DD3, s28  }
0x275: {  	s1 =	sshrl.u32 s1, $0x1F;
	s2 =	sadd.s32 s2, s30;
	s30 =	smul.u32 $0x10624DD3, s4  }
0x276: {  	v5 =	vsel vm10, s22, v5;
	s22 =	sshra.s32 s23, $0x6;
	s13 =	sadd.s32 s19, s24;
	s24 =	smul.u32 $0x10624DD3, s15  }
.Ltmp3:
0x277: {  	v7 =	vmov s25;
	s25 =	sshra.s32 s2, $0x6;
	s26 =	spop (v2sf);
	(pc) =	sbr.rel @p0 .LBB2_7-.Ltmp3, $4  }
0x278: {  	s15 =	sadd.s32 s0, s16;
	s0 =	smul.u32 $0x10624DD3, s29;
	s19 =	sshrl.u32 s23, $0x1F  }
0x279: {  	s23 =	sshra.s32 s23, $0x1F;
	(v2sf) =	vpush v1, $0x0;
	s29 =	smul.u32 $0x10624DD3, s3;
	s24 =	sadd.s32 s24, s11  }
0x27a: {  	v4 =	vsel vm10, s1, v4;
	s3 =	sshrl.u32 s2, $0x1F;
	s28 =	sshra.s32 s26, $0x1F;
	(v2sf) =	vpush v1, $0x5;
	s16 =	sshra.s32 s24, $0x6  }
0x27b: {  	v6 =	vmov s3;
	(v2sf) =	vpush v1, $0x1;
	s11 =	sadd.s32 s0, s31;
	v7 =	vsel vm11, s16, v7;
	s16 =	smov.u32 s18;
	s2 =	spop (v2sf)  }
0x27c: {  	_ = 	snop  }
0x27d: {  	(v2sf) =	vpush v1, $0x2  }
0x27e: {  	(v2sf) =	vpush v1, $0x7;
	_ =	sdelay $0x1  }
0x27f: {  	s0 =	smulhi.u32 $0x10624DD3, s2;
	s12 =	sadd.s32 s12, s20;
	s20 =	sadd.s32 s30, s14  }
0x280: {  	s4 =	smul.u32 $0x10624DD3, s28;
	[smem:$0x7CD] =	sst s20;
	(v2sf) =	vpush v1, $0x3  }
0x281: {  	s16 =	smulhi.u32 $0x10624DD3, s26;
	[smem:$0x7B6] =	sst s0;
	(v2sf) =	vpush v1, $0x4  }
0x282: {  	s18 =	smul.u32 $0x10624DD3, s17;
	[smem:$0x7B8] =	sst s4  }
0x283: {  	s1 =	sshra.s32 s2, $0x1F;
	s31 =	smulhi.u32 $0x10624DD3, s8;
	[smem:$0x7B9] =	sst s16;
	(v2sf) =	vpush v1, $0xC  }
0x284: {  	s3 =	smul.u32 $0x10624DD3, s1;
	[smem:$0x7BA] =	sst s18;
	(v2sf) =	vpush v1, $0xD  }
0x285: {  	[smem:$0x7BB] =	sst s31  }
0x286: {  	[smem:$0x7B7] =	sst s3;
	(v2sf) =	vpush v1, $0xE  }
0x287: {  	s21 =	sadd.s32 s29, s21;
	s29 =	sld [smem:$0x7B6];
	s26 =	spop (v2sf)  }
0x288: {  	s14 =	sld [smem:$0x7BA];
	s28 =	spop (v2sf)  }
0x289: {  	s30 =	sld [smem:$0x7B7];
	(v2sf) =	vpush v1, $0x6;
	s18 =	spop (v2sf)  }
0x28a: {  	(v2sf) =	vpush v1, $0xF;
	[dreg:$0xc] =	wrdreg s28;
	s8 =	smulhi.u32 $0x10624DD3, s18;
	s18 =	sshra.s32 s18, $0x1F  }
0x28b: {  	(v2sf) =	vpush v1, $0x8;
	s1 =	spop (v2sf);
	s2 =	smul.u32 $0x10624DD3, s18  }
0x28c: {  	s31 =	spop (v2sf);
	s4 =	smulhi.u32 $0x10624DD3, s1  }
0x28d: {  	s28 =	sshra.s32 s1, $0x1F;
	s3 =	smulhi.u32 $0x10624DD3, s31;
	[smem:$0x7BC] =	sst s2  }
0x28e: {  	s17 =	smul.u32 $0x10624DD3, s28;
	[smem:$0x7BD] =	sst s4  }
0x28f: {  	s31 =	sshra.s32 s31, $0x1F;
	[smem:$0x7BF] =	sst s3;
	s3 =	spop (v2sf)  }
0x290: {  	(v2sf) =	vpush v1, $0x9;
	s16 =	smul.u32 $0x10624DD3, s31;
	s4 =	spop (v2sf)  }
0x291: {  	[smem:$0x7BE] =	sst s17;
	s18 =	sshra.s32 s4, $0x1F;
	s4 =	smulhi.u32 $0x10624DD3, s4  }
0x292: {  	s0 =	spop (v2sf);
	s31 =	smul.u32 $0x10624DD3, s18  }
0x293: {  	s1 =	spop (v2sf);
	s17 =	sshra.s32 s0, $0x1F;
	s0 =	smulhi.u32 $0x10624DD3, s0  }
0x294: {  	[smem:$0x7C0] =	sst s16;
	s18 =	smulhi.u32 $0x10624DD3, s1  }
0x295: {  	s16 =	spop (v2sf);
	[smem:$0x7C9] =	sst s4  }
0x296: {  	s28 =	sshra.s32 s1, $0x1F;
	s1 =	smul.u32 $0x10624DD3, s17;
	[smem:$0x7C8] =	sst s31  }
0x297: {  	s31 =	smul.u32 $0x10624DD3, s28;
	[smem:$0x7C3] =	sst s18  }
0x298: {  	[smem:$0x7C1] =	sst s1;
	s18 =	spop (v2sf)  }
0x299: {  	[smem:$0x7C4] =	sst s31;
	s2 =	spop (v2sf)  }
0x29a: {  	s31 =	smulhi.u32 $0x10624DD3, s3;
	s1 =	spop (v2sf)  }
0x29b: {  	[smem:$0x7C2] =	sst s0;
	s3 =	sshra.s32 s3, $0x1F;
	s0 =	smulhi.u32 $0x10624DD3, s1  }
0x29c: {  	s17 =	sshra.s32 s1, $0x1F;
	[smem:$0x7C5] =	sst s31;
	s31 =	smul.u32 $0x10624DD3, s3  }
0x29d: {  	s3 =	sld [smem:$0x7B9];
	s28 =	smul.u32 $0x10624DD3, s17  }
0x29e: {  	[smem:$0x7C6] =	sst s0  }
0x29f: {  	s1 =	spop (v2sf);
	[smem:$0x7C7] =	sst s28  }
0x2a0: {  	s0 =	sshra.s32 s1, $0x1F;
	s28 =	smulhi.u32 $0x10624DD3, s1;
	s1 =	sld [smem:$0x7B8]  }
0x2a1: {  	s17 =	smul.u32 $0x10624DD3, s0;
	s0 =	sadd.s32 s30, s29;
	s30 =	sld [smem:$0x7BB]  }
0x2a2: {  	[smem:$0x7CA] =	sst s0  }
0x2a3: {  	s20 =	sadd.s32 s1, s3;
	s3 =	sld [smem:$0x7BC]  }
0x2a4: {  	s1 =	sadd.s32 s14, s30;
	s30 =	sld [smem:$0x7BE]  }
0x2a5: {  	s4 =	sshra.s32 s26, $0x1F;
	[dreg:$0x18] =	wrdreg s1  }
0x2a6: {  	s29 =	smulhi.u32 $0x10624DD3, s26;
	s14 =	sadd.s32 s3, s8;
	s8 =	sld [smem:$0x7BD]  }
0x2a7: {  	s26 =	smulhi.u32 $0x10624DD3, s2;
	s1 =	sshra.s32 s2, $0x1F;
	s2 =	sld [smem:$0x7C2]  }
0x2a8: {  	s3 =	sld [smem:$0x7BF]  }
0x2a9: {  	s0 =	sadd.s32 s30, s8;
	s30 =	sld [smem:$0x7C0]  }
0x2aa: {  	s8 =	smul.u32 $0x10624DD3, s1;
	s1 =	sld [smem:$0x7C1]  }
0x2ab: {  	[smem:$0x7CC] =	sst s0  }
0x2ac: {  	s4 =	smul.u32 $0x10624DD3, s4;
	s0 =	sld [smem:$0x7C3]  }
0x2ad: {  	s3 =	sadd.s32 s30, s3;
	s30 =	sadd.s32 s1, s2;
	s1 =	sld [smem:$0x7C4]  }
0x2ae: {  	s17 =	sadd.s32 s17, s28;
	s28 =	sld [smem:$0x7C5]  }
0x2af: {  	s4 =	sadd.s32 s4, s29;
	s29 =	sshra.s32 s24, $0x1F;
	s8 =	sadd.s32 s8, s26  }
0x2b0: {  	s2 =	smulhi.u32 $0x10624DD3, s16;
	[dreg:$0x14] =	wrdreg s8;
	s0 =	sadd.s32 s1, s0  }
0x2b1: {  	s1 =	smulhi.u32 $0x10624DD3, s18;
	[smem:$0x7CB] =	sst s0;
	s0 =	sshra.s32 s16, $0x1F  }
0x2b2: {  	(v2sf) =	vpush v1, $0xB;
	s16 =	sshra.s32 s18, $0x1F;
	s18 =	sadd.s32 s31, s28;
	s28 =	sld [smem:$0x7C6]  }
0x2b3: {  	v8 =	vmov s25;
	s25 =	sshrl.u32 s13, $0x1F;
	v7 =	vsel vm15, s29, v7;
	s29 =	sshra.s32 s15, $0x1F;
	s31 =	sld [smem:$0x7C7]  }
0x2b4: {  	v7 =	vsel vm10, s22, v7;
	s22 =	sshra.s32 s13, $0x6;
	s13 =	sshrl.u32 s12, $0x1F;
	s8 =	sld [smem:$0x7C8]  }
0x2b5: {  	v8 =	vsel vm10, s22, v8;
	v7 =	vsel vm14, s23, v7;
	s23 =	sshra.s32 s12, $0x6;
	s22 =	sshra.s32 s20, $0x6;
	[dreg:$0x13] =	wrdreg s3  }
0x2b6: {  	s3 =	sshra.s32 s3, $0x1F;
	s31 =	sadd.s32 s31, s28;
	s28 =	sld [smem:$0x7C9]  }
0x2b7: {  	(v2sf) =	vpush v1, $0xA;
	v7 =	vsel vm2, s9, v7;
	s9 =	sshrl.u32 s20, $0x1F;
	v10 =	vmov s3;
	s3 =	sld [smem:$0x7CC];
	s0 =	smul.u32 $0x10624DD3, s0  }
0x2b8: {  	v6 =	vsel vm10, s25, v6;
	s20 =	sshra.s32 s4, $0x1F;
	s16 =	smul.u32 $0x10624DD3, s16;
	s25 =	sld [smem:$0x7CB]  }
0x2b9: {  	s26 =	sadd.s32 s0, s2;
	s0 =	sshrl.u32 s15, $0x1F;
	s2 =	sadd.s32 s8, s28  }
0x2ba: {  	s28 =	sadd.s32 s16, s1;
	s8 =	sshrl.u32 s24, $0x1F;
	s1 =	sshra.s32 s21, $0x6  }
0x2bb: {  	v7 =	vsel vm13, s10, v7;
	s24 =	sshrl.u32 s21, $0x1F;
	s21 =	sshra.s32 s15, $0x6;
	s16 =	sld [smem:$0x7CA]  }
0x2bc: {  	s15 =	sshra.s32 s12, $0x1F;
	v9 =	vmov s8;
	s8 =	sshra.s32 s4, $0x6;
	v7 =	vsel vm3, s21, v7;
	s21 =	sshra.s32 s14, $0x6  }
0x2bd: {  	s4 =	sshrl.u32 s4, $0x1F;
	v5 =	vsel vm2, s1, v5;
	v4 =	vsel vm2, s24, v4;
	s24 =	sshra.s32 s26, $0x6;
	v7 =	vsel vm12, s29, v7;
	s29 =	sshra.s32 s25, $0x6  }
0x2be: {  	v10 =	vsel vm11, s8, v10;
	v9 =	vnsel vm11, $0x0, v9;
	s8 =	sshra.s32 s14, $0x1F;
	s14 =	sshrl.u32 s14, $0x1F;
	v14 =	vmov s4;
	s12 =	sshra.s32 s16, $0x6  }
0x2bf: {  	s10 =	sshrl.u32 s16, $0x1F;
	v9 =	vsel vm10, s19, v9;
	v10 =	vsel vm15, s20, v10;
	s16 =	sshrl.u32 s30, $0x1F;
	s19 =	sshra.s32 s30, $0x6;
	v14 =	vnsel vm11, $0x0, v14  }
0x2c0: {  	s30 =	sshrl.u32 s25, $0x1F;
	s25 =	sshrl.u32 s31, $0x1F;
	v7 =	vsel vm6, s23, v7;
	s23 =	rddreg [dreg:$0x18];
	v10 =	vsel vm10, s21, v10;
	v11 =	vmov s16  }
0x2c1: {  	v12 =	vmov s19;
	s19 =	sshra.s32 s3, $0x6;
	v13 =	vmov s25;
	s21 =	sshra.s32 s18, $0x6;
	s16 =	spop (v2sf);
	v9 =	vsel vm2, s7, v9  }
0x2c2: {  	s25 =	sshra.s32 s17, $0x6;
	v8 =	vsel vm2, s12, v8;
	v10 =	vsel vm14, s8, v10;
	v12 =	vsel vm10, s29, v12;
	s29 =	sshra.s32 s31, $0x6;
	s31 =	sld [smem:$0x7CD]  }
0x2c3: {  	s7 =	sshrl.u32 s11, $0x1F;
	s12 =	sshra.s32 s2, $0x1F;
	v11 =	vsel vm10, s30, v11;
	s30 =	sshra.s32 s3, $0x1F;
	v9 =	vsel vm3, s0, v9;
	v8 =	vsel vm3, s22, v8  }
0x2c4: {  	s22 =	sshrl.u32 s3, $0x1F;
	v10 =	vsel vm2, s19, v10;
	v15 =	vmov s29;
	s29 =	sshra.s32 s18, $0x1F;
	v9 =	vsel vm6, s13, v9;
	s13 =	sshra.s32 s5, $0x6  }
0x2c5: {  	v14 =	vsel vm10, s14, v14;
	v6 =	vsel vm2, s10, v6;
	v10 =	vsel vm13, s30, v10;
	s30 =	sshrl.u32 s17, $0x1F;
	s17 =	sshra.s32 s11, $0x6;
	s4 =	sshrl.u32 s31, $0x1F  }
0x2c6: {  	v7 =	vsel vm9, s15, v7;
	v4 =	vsel vm3, s7, v4;
	v6 =	vsel vm3, s9, v6;
	s19 =	sshra.s32 s31, $0x6;
	s14 =	sshra.s32 s31, $0x1F;
	s31 =	spop (v2sf)  }
0x2c7: {  	v4 =	vcombine.low v6, v4;
	v15 =	vsel vm10, s25, v15;
	s25 =	sshra.s32 s23, $0x6;
	v13 =	vsel vm10, s30, v13;
	s30 =	sshra.s32 s16, $0x1F;
	s8 =	smulhi.u32 $0x10624DD3, s31  }
0x2c8: {  	v10 =	vsel vm3, s21, v10;
	v5 =	vsel vm3, s17, v5;
	v7 =	vsel vm5, s25, v7;
	s17 =	rddreg [dreg:$0xc];
	s25 =	sshrl.u32 s26, $0x1F;
	s15 =	smul.u32 $0x10624DD3, s30  }
0x2c9: {  	v12 =	vsel vm2, s24, v12;
	v14 =	vsel vm2, s22, v14;
	v10 =	vsel vm12, s29, v10;
	s21 =	sshra.s32 s31, $0x1F;
	s29 =	sshrl.u32 s23, $0x1F;
	s10 =	smulhi.u32 $0x10624DD3, s17  }
0x2ca: {  	v4 =	vperm.xlane v4, v2;
	s31 =	sshra.s32 s23, $0x1F;
	s23 =	sshrl.u32 s18, $0x1F;
	v11 =	vsel vm2, s25, v11;
	v5 =	vcombine.low v8, v5;
	s0 =	smul.u32 $0x10624DD3, s21  }
0x2cb: {  	s20 =	sshra.s32 s17, $0x1F;
	s30 =	sshra.s32 s2, $0x6;
	v9 =	vsel vm5, s29, v9;
	v7 =	vsel vm8, s31, v7;
	s21 =	smulhi.u32 $0x10624DD3, s16;
	v14 =	vsel vm3, s23, v14  }
0x2cc: {  	s11 =	sshrl.u32 s5, $0x1F;
	s1 =	smul.u32 $0x10624DD3, s20;
	s31 =	rddreg [dreg:$0x14];
	v10 =	vsel vm6, s30, v10;
	v9 =	vsel vm4, s4, v9;
	v7 =	vsel vm4, s19, v7  }
0x2cd: {  	s9 =	sshra.s32 s31, $0x6;
	v10 =	vsel vm9, s12, v10;
	v5 =	vperm.xlane v5, v2;
	s0 =	sadd.s32 s0, s8;
	v7 =	vsel vm7, s14, v7;
	s29 =	sadd.s32 s15, s21  }
0x2ce: {  	v9 =	vsel vm1, s11, v9;
	s1 =	sadd.s32 s1, s10;
	v12 =	vsel vm3, s9, v12;
	s11 =	sshrl.u32 s2, $0x1F;
	s14 =	sshrl.u32 s31, $0x1F;
	v7 =	vsel vm1, s13, v7  }
0x2cf: {  	s26 =	sshra.s32 s0, $0x6;
	s0 =	sshrl.u32 s0, $0x1F;
	v14 =	vsel vm6, s11, v14;
	s15 =	sshrl.u32 s1, $0x1F;
	v11 =	vsel vm3, s14, v11;
	v9 =	vperm.xlane v9, v3  }
0x2d0: {  	s10 =	sshra.s32 s29, $0x6;
	s17 =	sshra.s32 s1, $0x6;
	v15 =	vsel vm2, s26, v15;
	v13 =	vsel vm2, s0, v13;
	v14 =	vsel vm5, s15, v14  }
0x2d1: {  	s16 =	sshrl.u32 s28, $0x1F;
	s13 =	sshrl.u32 s29, $0x1F;
	s1 =	sshra.s32 s1, $0x1F;
	v10 =	vsel vm5, s17, v10;
	v7 =	vperm.xlane v7, v3;
	v15 =	vsel vm3, s10, v15  }
0x2d2: {  	s18 =	rddreg [dreg:$0x13];
	s20 =	sshra.s32 s28, $0x6;
	v13 =	vsel vm3, s13, v13;
	v6 =	vsel vm4, s16, v14;
	v10 =	vsel vm8, s1, v10  }
0x2d3: {  	s19 =	sshrl.u32 s18, $0x1F;
	s21 =	sshra.s32 s28, $0x1F;
	v4 =	vsel vm0, v9, v4;
	v8 =	vsel vm4, s20, v10;
	v10 =	vcombine.low v15, v12  }
0x2d4: {  	s22 =	sshra.s32 s18, $0x6;
	v6 =	vsel vm1, s19, v6;
	v11 =	vcombine.low v13, v11;
	v8 =	vsel vm7, s21, v8  }
0x2d5: {  	v6 =	vperm.xlane v6, v3;
	v9 =	vperm.xlane v10, v2;
	v8 =	vsel vm1, s22, v8  }
0x2d6: {  	v5 =	vsel vm0, v7, v5;
	v2 =	vperm.xlane v11, v2;
	v3 =	vperm.xlane v8, v3  }
0x2d7: {  	v4 =	vadd.s32 v4, v5  }
0x2d8: {  	v5 =	vmul.u32 $0xFFFFFC18, v4;
	v2 =	vsel vm0, v6, v2;
	v3 =	vsel vm0, v3, v9  }
0x2d9: {  	s23 =	rddreg [dreg:$0x7];
	v4 =	vadd.s32 $0x3E8, v4;
	v2 =	vadd.s32 v2, v3  }
0x2da: {  	[tilespmem:s23+$0xB00] =	vst v4;
	v0 =	vadd.s32 v0, v5;
	v3 =	vmul.u32 $0xFFFFFC18, v2  }
0x2db: {  	[tilespmem:s23+$0x700] =	vst v0;
	v0 =	vadd.s32 $0x3E8, v2  }
0x2dc: {  	s24 =	simm.s32 $0x100;
	[tilespmem:s6+$0xB00] =	vst v0;
	v0 =	vadd.s32 v1, v3  }
0x2dd: {  	s25 =	simm.s32 $0x700;
	s28 =	rddreg [dreg:$0xb];
	s26 =	simm.s32 $0x6C00;
	[tilespmem:s6+$0x700] =	vst v0  }
0x2de: {  	[tilespmem:s26], [sflag:$0x4] =	stream.indirect.gather [hbm4b:s28+s24], $0x20, s25, s24, $0xb8;
	[tilespmem:$0x10C00] =	vst v63  }
0x2df: {  	s30 =	simm.s32 $0xEC00;
	s31 =	simm.s32 $0x1;
	s29 =	simm.s32 $0xB00  }
0x2e0: {  	[tilespmem:s30], [sflag:$0x4] =	stream.indirect.gather [hbm4b:s28+s24], $0x20, s29, s24, $0xb8;
	[tilespmem:$0x10C00] =	vst v63  }
0x2e1: {  	_ =	swait.ge [sflag:s31], $0x2000  }
0x2e2: {  	[sflag:s31] =	ssyncset.done $0x0  }
0x2e3: {  	[sflag:s31] =	ssyncadd.s32 $0xFFFFE000  }
0x2e4: {  	_ =	swait.ge [sflag:s31], $0x2000  }
0x2e5: {  	[sflag:s31] =	ssyncset.done $0x0  }
0x2e6: {  	s4 =	simm.s32 $0x0;
	[sflag:s31] =	ssyncadd.s32 $0xFFFFE000  }
0x2e7: {  	v7 =	vld [tilespmem:s4+$0x8C00]  }
0x2e8: {  	v11 =	vld [tilespmem:s4+$0x8C10]  }
0x2e9: {  	v5 =	vld [tilespmem:s4+$0x8C20]  }
0x2ea: {  	v4 =	vld [tilespmem:s4+$0x8C30]  }
0x2eb: {  	v3 =	vld [tilespmem:s4+$0x8C40]  }
0x2ec: {  	v2 =	vld [tilespmem:s4+$0x8C50]  }
0x2ed: {  	v1 =	vld [tilespmem:s4+$0x8C60]  }
0x2ee: {  	v0 =	vld [tilespmem:s4+$0x8C70]  }
0x2ef: {  	v12 =	vld [tilespmem:s4+$0xC00]  }
0x2f0: {  	v13 =	vld [tilespmem:s4+$0xC10]  }
0x2f1: {  	v10 =	vld [tilespmem:s4+$0xC20]  }
0x2f2: {  	v9 =	vld [tilespmem:s4+$0xC30]  }
0x2f3: {  	v8 =	vld [tilespmem:s4+$0xC40]  }
0x2f4: {  	v6 =	vld [tilespmem:s4+$0xC50];
	v12 =	vmul.bf16 v7, v12  }
0x2f5: {  	s0 =	simm.s32 $0x200;
	v11 =	vmul.bf16 v11, v13;
	v7 =	vld [tilespmem:s4+$0xC60]  }
.LBB2_9:
0x2f6: {  	s1 =	sshra.s32 s0, $0x2;
	p0 =	sne.s32 s0, $0x7E00;
	[tilespmem:s4+$0xC00] =	vst v12;
	v5 =	vmul.bf16 v5, v10;
	v10 =	vld [tilespmem:s4+$0xC70]  }
0x2f7: {  	v12 =	vld [tilespmem:s1+$0x8C00];
	[tilespmem:s4+$0xC10] =	vst v11;
	v4 =	vmul.bf16 v4, v9  }
0x2f8: {  	v11 =	vld [tilespmem:s1+$0x8C10];
	[tilespmem:s4+$0xC20] =	vst v5;
	v3 =	vmul.bf16 v3, v8  }
0x2f9: {  	v5 =	vld [tilespmem:s1+$0x8C20];
	[tilespmem:s4+$0xC30] =	vst v4;
	v2 =	vmul.bf16 v2, v6  }
0x2fa: {  	v4 =	vld [tilespmem:s1+$0x8C30];
	[tilespmem:s4+$0xC40] =	vst v3;
	v1 =	vmul.bf16 v1, v7  }
0x2fb: {  	v3 =	vld [tilespmem:s1+$0x8C40];
	[tilespmem:s4+$0xC50] =	vst v2;
	v0 =	vmul.bf16 v0, v10  }
0x2fc: {  	v2 =	vld [tilespmem:s1+$0x8C50];
	[tilespmem:s4+$0xC60] =	vst v1  }
0x2fd: {  	v1 =	vld [tilespmem:s1+$0x8C60];
	[tilespmem:s4+$0xC70] =	vst v0;
	s4 =	smov.u32 s1  }
0x2fe: {  	v0 =	vld [tilespmem:s4+$0x8C70]  }
0x2ff: {  	v6 =	vld [tilespmem:s4+$0xC00]  }
0x300: {  	v7 =	vld [tilespmem:s4+$0xC10]  }
.Ltmp4:
0x301: {  	v10 =	vld [tilespmem:s4+$0xC20];
	(pc) =	sbr.rel @p0 .LBB2_9-.Ltmp4, $4  }
0x302: {  	v9 =	vld [tilespmem:s4+$0xC30]  }
0x303: {  	v8 =	vld [tilespmem:s4+$0xC40]  }
0x304: {  	v12 =	vmul.bf16 v12, v6;
	v6 =	vld [tilespmem:s4+$0xC50]  }
0x305: {  	s0 =	sadd.s32 $0x200, s0;
	v11 =	vmul.bf16 v11, v7;
	v7 =	vld [tilespmem:s4+$0xC60]  }
0x306: {  	[tilespmem:s4+$0xC00] =	vst v12;
	v5 =	vmul.bf16 v5, v10;
	v10 =	vld [tilespmem:s4+$0xC70]  }
0x307: {  	[tilespmem:s4+$0xC10] =	vst v11;
	v4 =	vmul.bf16 v4, v9  }
0x308: {  	[tilespmem:s4+$0xC20] =	vst v5;
	v3 =	vmul.bf16 v3, v8  }
0x309: {  	[tilespmem:s4+$0xC30] =	vst v4;
	v2 =	vmul.bf16 v2, v6  }
0x30a: {  	[tilespmem:s4+$0xC40] =	vst v3;
	v1 =	vmul.bf16 v1, v7  }
0x30b: {  	s5 =	stileid.u32;
	[tilespmem:s4+$0xC50] =	vst v2;
	v0 =	vmul.bf16 v0, v10  }
0x30c: {  	s6 =	rddreg [dreg:$0x2];
	s1 =	simm.s32 $0x0;
	s3 =	sshll.u32 s5, $0xC;
	[tilespmem:s4+$0xC60] =	vst v1  }
0x30d: {  	s2 =	simm.s32 $0xC00;
	s31 =	simm.s32 $0x2;
	s0 =	sadd.s32 s6, s3;
	[tilespmem:s4+$0xC70] =	vst v0  }
0x30e: {  	[hbm4b:s0+s1] =	stream.linear.scatter [tilespmem:s2], [sflag:$0x5], $0x2000, $0x38;
	[tilespmem:$0x10C00] =	vst v63  }
0x30f: {  	_ =	swait.ge [sflag:s31], $0x2000  }
0x310: {  	[sflag:s31] =	ssyncset.done $0x0  }
0x311: {  	[sflag:s31] =	ssyncadd.s32 $0xFFFFE000  }
0x312: {  	_ =	swait.ge [sflag:s31], $0x2000  }
0x313: {  	[sflag:s31] =	ssyncset.done $0x0  }
0x314: {  	s4 =	simm.s32 $0x0;
	[sflag:s31] =	ssyncadd.s32 $0xFFFFE000  }
0x315: {  	v7 =	vld [tilespmem:s4+$0xAC00]  }
0x316: {  	v11 =	vld [tilespmem:s4+$0xAC10]  }
0x317: {  	v5 =	vld [tilespmem:s4+$0xAC20]  }
0x318: {  	v4 =	vld [tilespmem:s4+$0xAC30]  }
0x319: {  	v3 =	vld [tilespmem:s4+$0xAC40]  }
0x31a: {  	v2 =	vld [tilespmem:s4+$0xAC50]  }
0x31b: {  	v1 =	vld [tilespmem:s4+$0xAC60]  }
0x31c: {  	v0 =	vld [tilespmem:s4+$0xAC70]  }
0x31d: {  	v12 =	vld [tilespmem:s4+$0x2C00]  }
0x31e: {  	v13 =	vld [tilespmem:s4+$0x2C10]  }
0x31f: {  	v10 =	vld [tilespmem:s4+$0x2C20]  }
0x320: {  	v9 =	vld [tilespmem:s4+$0x2C30]  }
0x321: {  	v8 =	vld [tilespmem:s4+$0x2C40]  }
0x322: {  	v6 =	vld [tilespmem:s4+$0x2C50];
	v12 =	vmul.bf16 v7, v12  }
0x323: {  	s0 =	simm.s32 $0x200;
	v11 =	vmul.bf16 v11, v13;
	v7 =	vld [tilespmem:s4+$0x2C60]  }
.LBB2_11:
0x324: {  	s1 =	sshra.s32 s0, $0x2;
	p0 =	sne.s32 s0, $0x7E00;
	[tilespmem:s4+$0x2C00] =	vst v12;
	v5 =	vmul.bf16 v5, v10;
	v10 =	vld [tilespmem:s4+$0x2C70]  }
0x325: {  	v12 =	vld [tilespmem:s1+$0xAC00];
	[tilespmem:s4+$0x2C10] =	vst v11;
	v4 =	vmul.bf16 v4, v9  }
0x326: {  	v11 =	vld [tilespmem:s1+$0xAC10];
	[tilespmem:s4+$0x2C20] =	vst v5;
	v3 =	vmul.bf16 v3, v8  }
0x327: {  	v5 =	vld [tilespmem:s1+$0xAC20];
	[tilespmem:s4+$0x2C30] =	vst v4;
	v2 =	vmul.bf16 v2, v6  }
0x328: {  	v4 =	vld [tilespmem:s1+$0xAC30];
	[tilespmem:s4+$0x2C40] =	vst v3;
	v1 =	vmul.bf16 v1, v7  }
0x329: {  	v3 =	vld [tilespmem:s1+$0xAC40];
	[tilespmem:s4+$0x2C50] =	vst v2;
	v0 =	vmul.bf16 v0, v10  }
0x32a: {  	v2 =	vld [tilespmem:s1+$0xAC50];
	[tilespmem:s4+$0x2C60] =	vst v1  }
0x32b: {  	v1 =	vld [tilespmem:s1+$0xAC60];
	[tilespmem:s4+$0x2C70] =	vst v0;
	s4 =	smov.u32 s1  }
0x32c: {  	v0 =	vld [tilespmem:s4+$0xAC70]  }
0x32d: {  	v6 =	vld [tilespmem:s4+$0x2C00]  }
0x32e: {  	v7 =	vld [tilespmem:s4+$0x2C10]  }
.Ltmp5:
0x32f: {  	v10 =	vld [tilespmem:s4+$0x2C20];
	(pc) =	sbr.rel @p0 .LBB2_11-.Ltmp5, $4  }
0x330: {  	v9 =	vld [tilespmem:s4+$0x2C30]  }
0x331: {  	v8 =	vld [tilespmem:s4+$0x2C40]  }
0x332: {  	v12 =	vmul.bf16 v12, v6;
	v6 =	vld [tilespmem:s4+$0x2C50]  }
0x333: {  	s0 =	sadd.s32 $0x200, s0;
	v11 =	vmul.bf16 v11, v7;
	v7 =	vld [tilespmem:s4+$0x2C60]  }
0x334: {  	[tilespmem:s4+$0x2C00] =	vst v12;
	v5 =	vmul.bf16 v5, v10;
	v10 =	vld [tilespmem:s4+$0x2C70]  }
0x335: {  	[tilespmem:s4+$0x2C10] =	vst v11;
	v4 =	vmul.bf16 v4, v9  }
0x336: {  	[tilespmem:s4+$0x2C20] =	vst v5;
	v3 =	vmul.bf16 v3, v8  }
0x337: {  	[tilespmem:s4+$0x2C30] =	vst v4;
	v2 =	vmul.bf16 v2, v6  }
0x338: {  	[tilespmem:s4+$0x2C40] =	vst v3;
	v1 =	vmul.bf16 v1, v7  }
0x339: {  	[tilespmem:s4+$0x2C50] =	vst v2;
	v0 =	vmul.bf16 v0, v10  }
0x33a: {  	s2 =	sadd.s32 s3, s6;
	s1 =	simm.s32 $0x0;
	[tilespmem:s4+$0x2C60] =	vst v1  }
0x33b: {  	s30 =	simm.s32 $0x2C00;
	s31 =	simm.s32 $0x3;
	s0 =	sadd.s32 $0x400, s2;
	[tilespmem:s4+$0x2C70] =	vst v0  }
0x33c: {  	[hbm4b:s0+s1] =	stream.linear.scatter [tilespmem:s30], [sflag:$0x5], $0x2000, $0x38;
	[tilespmem:$0x10C00] =	vst v63  }
0x33d: {  	_ =	swait.ge [sflag:s31], $0x2000  }
0x33e: {  	[sflag:s31] =	ssyncset.done $0x0  }
0x33f: {  	[sflag:s31] =	ssyncadd.s32 $0xFFFFE000  }
0x340: {  	_ =	swait.ge [sflag:s31], $0x2000  }
0x341: {  	[sflag:s31] =	ssyncset.done $0x0  }
0x342: {  	s3 =	simm.s32 $0x0;
	[sflag:s31] =	ssyncadd.s32 $0xFFFFE000  }
0x343: {  	v7 =	vld [tilespmem:s3+$0xCC00]  }
0x344: {  	v11 =	vld [tilespmem:s3+$0xCC10]  }
0x345: {  	v5 =	vld [tilespmem:s3+$0xCC20]  }
0x346: {  	v4 =	vld [tilespmem:s3+$0xCC30]  }
0x347: {  	v3 =	vld [tilespmem:s3+$0xCC40]  }
0x348: {  	v2 =	vld [tilespmem:s3+$0xCC50]  }
0x349: {  	v1 =	vld [tilespmem:s3+$0xCC60]  }
0x34a: {  	v0 =	vld [tilespmem:s3+$0xCC70]  }
0x34b: {  	v12 =	vld [tilespmem:s3+$0x4C00]  }
0x34c: {  	v13 =	vld [tilespmem:s3+$0x4C10]  }
0x34d: {  	v10 =	vld [tilespmem:s3+$0x4C20]  }
0x34e: {  	v9 =	vld [tilespmem:s3+$0x4C30]  }
0x34f: {  	v8 =	vld [tilespmem:s3+$0x4C40]  }
0x350: {  	v6 =	vld [tilespmem:s3+$0x4C50];
	v12 =	vmul.bf16 v7, v12  }
0x351: {  	s0 =	simm.s32 $0x200;
	v11 =	vmul.bf16 v11, v13;
	v7 =	vld [tilespmem:s3+$0x4C60]  }
.LBB2_13:
0x352: {  	s1 =	sshra.s32 s0, $0x2;
	p0 =	sne.s32 s0, $0x7E00;
	[tilespmem:s3+$0x4C00] =	vst v12;
	v5 =	vmul.bf16 v5, v10;
	v10 =	vld [tilespmem:s3+$0x4C70]  }
0x353: {  	v12 =	vld [tilespmem:s1+$0xCC00];
	[tilespmem:s3+$0x4C10] =	vst v11;
	v4 =	vmul.bf16 v4, v9  }
0x354: {  	v11 =	vld [tilespmem:s1+$0xCC10];
	[tilespmem:s3+$0x4C20] =	vst v5;
	v3 =	vmul.bf16 v3, v8  }
0x355: {  	v5 =	vld [tilespmem:s1+$0xCC20];
	[tilespmem:s3+$0x4C30] =	vst v4;
	v2 =	vmul.bf16 v2, v6  }
0x356: {  	v4 =	vld [tilespmem:s1+$0xCC30];
	[tilespmem:s3+$0x4C40] =	vst v3;
	v1 =	vmul.bf16 v1, v7  }
0x357: {  	v3 =	vld [tilespmem:s1+$0xCC40];
	[tilespmem:s3+$0x4C50] =	vst v2;
	v0 =	vmul.bf16 v0, v10  }
0x358: {  	v2 =	vld [tilespmem:s1+$0xCC50];
	[tilespmem:s3+$0x4C60] =	vst v1  }
0x359: {  	v1 =	vld [tilespmem:s1+$0xCC60];
	[tilespmem:s3+$0x4C70] =	vst v0;
	s3 =	smov.u32 s1  }
0x35a: {  	v0 =	vld [tilespmem:s3+$0xCC70]  }
0x35b: {  	v6 =	vld [tilespmem:s3+$0x4C00]  }
0x35c: {  	v7 =	vld [tilespmem:s3+$0x4C10]  }
.Ltmp6:
0x35d: {  	v10 =	vld [tilespmem:s3+$0x4C20];
	(pc) =	sbr.rel @p0 .LBB2_13-.Ltmp6, $4  }
0x35e: {  	v9 =	vld [tilespmem:s3+$0x4C30]  }
0x35f: {  	v8 =	vld [tilespmem:s3+$0x4C40]  }
0x360: {  	v12 =	vmul.bf16 v12, v6;
	v6 =	vld [tilespmem:s3+$0x4C50]  }
0x361: {  	s0 =	sadd.s32 $0x200, s0;
	v11 =	vmul.bf16 v11, v7;
	v7 =	vld [tilespmem:s3+$0x4C60]  }
0x362: {  	[tilespmem:s3+$0x4C00] =	vst v12;
	v5 =	vmul.bf16 v5, v10;
	v10 =	vld [tilespmem:s3+$0x4C70]  }
0x363: {  	[tilespmem:s3+$0x4C10] =	vst v11;
	v4 =	vmul.bf16 v4, v9  }
0x364: {  	[tilespmem:s3+$0x4C20] =	vst v5;
	v3 =	vmul.bf16 v3, v8  }
0x365: {  	[tilespmem:s3+$0x4C30] =	vst v4;
	v2 =	vmul.bf16 v2, v6  }
0x366: {  	[tilespmem:s3+$0x4C40] =	vst v3;
	v1 =	vmul.bf16 v1, v7  }
0x367: {  	[tilespmem:s3+$0x4C50] =	vst v2;
	v0 =	vmul.bf16 v0, v10  }
0x368: {  	s0 =	sadd.s32 $0x800, s2;
	[tilespmem:s3+$0x4C60] =	vst v1  }
0x369: {  	s1 =	simm.s32 $0x0;
	s30 =	simm.s32 $0x4C00;
	s31 =	simm.s32 $0x4;
	[tilespmem:s3+$0x4C70] =	vst v0  }
0x36a: {  	[hbm4b:s0+s1] =	stream.linear.scatter [tilespmem:s30], [sflag:$0x5], $0x2000, $0x38;
	[tilespmem:$0x10C00] =	vst v63  }
0x36b: {  	_ =	swait.ge [sflag:s31], $0x2000  }
0x36c: {  	[sflag:s31] =	ssyncset.done $0x0  }
0x36d: {  	[sflag:s31] =	ssyncadd.s32 $0xFFFFE000  }
0x36e: {  	_ =	swait.ge [sflag:s31], $0x2000  }
0x36f: {  	[sflag:s31] =	ssyncset.done $0x0  }
0x370: {  	s3 =	simm.s32 $0x0;
	[sflag:s31] =	ssyncadd.s32 $0xFFFFE000  }
0x371: {  	v7 =	vld [tilespmem:s3+$0xEC00]  }
0x372: {  	v11 =	vld [tilespmem:s3+$0xEC10]  }
0x373: {  	v5 =	vld [tilespmem:s3+$0xEC20]  }
0x374: {  	v4 =	vld [tilespmem:s3+$0xEC30]  }
0x375: {  	v3 =	vld [tilespmem:s3+$0xEC40]  }
0x376: {  	v2 =	vld [tilespmem:s3+$0xEC50]  }
0x377: {  	v1 =	vld [tilespmem:s3+$0xEC60]  }
0x378: {  	v0 =	vld [tilespmem:s3+$0xEC70]  }
0x379: {  	v12 =	vld [tilespmem:s3+$0x6C00]  }
0x37a: {  	v13 =	vld [tilespmem:s3+$0x6C10]  }
0x37b: {  	v10 =	vld [tilespmem:s3+$0x6C20]  }
0x37c: {  	v9 =	vld [tilespmem:s3+$0x6C30]  }
0x37d: {  	v8 =	vld [tilespmem:s3+$0x6C40]  }
0x37e: {  	v6 =	vld [tilespmem:s3+$0x6C50];
	v12 =	vmul.bf16 v7, v12  }
0x37f: {  	s0 =	simm.s32 $0x200;
	v11 =	vmul.bf16 v11, v13;
	v7 =	vld [tilespmem:s3+$0x6C60]  }
.LBB2_15:
0x380: {  	s1 =	sshra.s32 s0, $0x2;
	p0 =	sne.s32 s0, $0x7E00;
	[tilespmem:s3+$0x6C00] =	vst v12;
	v5 =	vmul.bf16 v5, v10;
	v10 =	vld [tilespmem:s3+$0x6C70]  }
0x381: {  	v12 =	vld [tilespmem:s1+$0xEC00];
	[tilespmem:s3+$0x6C10] =	vst v11;
	v4 =	vmul.bf16 v4, v9  }
0x382: {  	v11 =	vld [tilespmem:s1+$0xEC10];
	[tilespmem:s3+$0x6C20] =	vst v5;
	v3 =	vmul.bf16 v3, v8  }
0x383: {  	v5 =	vld [tilespmem:s1+$0xEC20];
	[tilespmem:s3+$0x6C30] =	vst v4;
	v2 =	vmul.bf16 v2, v6  }
0x384: {  	v4 =	vld [tilespmem:s1+$0xEC30];
	[tilespmem:s3+$0x6C40] =	vst v3;
	v1 =	vmul.bf16 v1, v7  }
0x385: {  	v3 =	vld [tilespmem:s1+$0xEC40];
	[tilespmem:s3+$0x6C50] =	vst v2;
	v0 =	vmul.bf16 v0, v10  }
0x386: {  	v2 =	vld [tilespmem:s1+$0xEC50];
	[tilespmem:s3+$0x6C60] =	vst v1  }
0x387: {  	v1 =	vld [tilespmem:s1+$0xEC60];
	[tilespmem:s3+$0x6C70] =	vst v0;
	s3 =	smov.u32 s1  }
0x388: {  	v0 =	vld [tilespmem:s3+$0xEC70]  }
0x389: {  	v6 =	vld [tilespmem:s3+$0x6C00]  }
0x38a: {  	v7 =	vld [tilespmem:s3+$0x6C10]  }
.Ltmp7:
0x38b: {  	v10 =	vld [tilespmem:s3+$0x6C20];
	(pc) =	sbr.rel @p0 .LBB2_15-.Ltmp7, $4  }
0x38c: {  	v9 =	vld [tilespmem:s3+$0x6C30]  }
0x38d: {  	v8 =	vld [tilespmem:s3+$0x6C40]  }
0x38e: {  	v12 =	vmul.bf16 v12, v6;
	v6 =	vld [tilespmem:s3+$0x6C50]  }
0x38f: {  	s0 =	sadd.s32 $0x200, s0;
	v11 =	vmul.bf16 v11, v7;
	v7 =	vld [tilespmem:s3+$0x6C60]  }
0x390: {  	[tilespmem:s3+$0x6C00] =	vst v12;
	v5 =	vmul.bf16 v5, v10;
	v63 =	vld [tilespmem:s3+$0x6C70]  }
0x391: {  	[tilespmem:s3+$0x6C10] =	vst v11;
	v4 =	vmul.bf16 v4, v9  }
0x392: {  	[tilespmem:s3+$0x6C20] =	vst v5;
	v3 =	vmul.bf16 v3, v8  }
0x393: {  	[tilespmem:s3+$0x6C30] =	vst v4;
	v2 =	vmul.bf16 v2, v6  }
0x394: {  	[tilespmem:s3+$0x6C40] =	vst v3;
	v1 =	vmul.bf16 v1, v7  }
0x395: {  	[tilespmem:s3+$0x6C50] =	vst v2;
	v0 =	vmul.bf16 v0, v63  }
0x396: {  	s0 =	sadd.s32 $0xC00, s2;
	[tilespmem:s3+$0x6C60] =	vst v1  }
0x397: {  	s1 =	simm.s32 $0x0;
	s30 =	simm.s32 $0x6C00;
	s31 =	simm.s32 $0x5;
	[tilespmem:s3+$0x6C70] =	vst v0  }
0x398: {  	[hbm4b:s0+s1] =	stream.linear.scatter [tilespmem:s30], [sflag:$0x5], $0x2000, $0x38;
	[tilespmem:$0x10C00] =	vst v63  }
0x399: {  	_ =	swait.ge [sflag:s31], $0x2000  }
0x39a: {  	[sflag:s31] =	ssyncset.done $0x0  }
0x39b: {  	[sflag:s31] =	ssyncadd.s32 $0xFFFFE000  }
0x39c: {  	_ =	swait.ge [sflag:s31], $0x2000  }
0x39d: {  	[sflag:s31] =	ssyncset.done $0x0  }
0x39e: {  	[sflag:s31] =	ssyncadd.s32 $0xFFFFE000  }
0x39f: {  	_ =	swait.ge [sflag:s31], $0x2000  }
0x3a0: {  	[sflag:s31] =	ssyncset.done $0x0  }
0x3a1: {  	[sflag:s31] =	ssyncadd.s32 $0xFFFFE000  }
0x3a2: {  	_ =	swait.ge [sflag:s31], $0x2000  }
0x3a3: {  	[sflag:s31] =	ssyncset.done $0x0  }
0x3a4: {  	[sflag:s31] =	ssyncadd.s32 $0xFFFFE000  }
0x3a5: {  	_ =	sfence.sel $0x180000  }
0x3a6: {  	[bflag:$0x0] =	sbarrier.arrive $0xFFFF  }
0x3a7: {  	_ =	strace $0x90000047  }
0x3a8: {  	[bflag:$0x2] =	sbarrier.arrive $0xFFFF  }
0x3a9: {  	p0 =	sne.s32 s5, $0x0;
	s0 =	rddreg [dreg:$0x3]  }
0x3aa: {  	s0 =	sadd.s32 @!p0 $0x100000, s0  }
0x3ab: {  	[sflag:s0] =	ssyncadd.tile.s32 @!p0 $0x1;
	_ =	shalt  }
.Lfunc_end2:
_tile_overlayer_lowered:
.L_overlay_start_2:
0x3ac: {  	(tag) =	ssettag $0x2  }
0x3ad: {  	s0 =	rddreg [dreg:$0x0];
	s2 =	stileid.u32  }
0x3ae: {  	s1 =	rddreg [dreg:$0x1];
	p0 =	sne.s32 s2, $0x0  }
0x3af: {  	s3 =	rddreg [dreg:$0x2];
	[bflag:$0x3] =	sbarrier.arrive $0xFFFF;
	s2 =	simm.s32 @!p0 $0x1C06  }
0x3b0: {  	[timem:s3], [sflag:s2] =	dma.local @!p0 [hbm:s0], s1  }
0x3b1: {  	s0 =	simm.s32 @!p0 $0x6  }
0x3b2: {  	_ =	swait.ge @!p0 [sflag:s0], s1  }
0x3b3: {  	s1 =	ssub.s32 @!p0 $0x0, s1;
	[sflag:s0] =	ssyncset.done @!p0 $0x0  }
0x3b4: {  	[sflag:s0] =	ssyncadd.s32 @!p0 s1  }
0x3b5: {  	[bflag:$0x3] =	sbarrier.arrive $0xFFFF  }
0x3b6: {  	_ =	shalt  }

</sc_bundles>
